<compile_context>
chip_gen: v7x
topology: tpu7x:2x2x1
jax: 0.10.2.dev20260603
libtpu: 0.0.44.dev20260713+nightly
codegen_flags: <defaults>
</compile_context>

<pallas_src>
import jax
import jax.numpy as jnp
from jax import lax
from jax.experimental import pallas as pl
from jax.experimental.pallas import tpu as pltpu
from jax.experimental.pallas import tpu_sc as plsc

_N = 10000
_D = 128
_T = 8
_NC = 2
_NS = 16
_NW = _NC * _NS
_L = 16
_K = 128
_DH = _D // 2
_NACC = 10240
_RPT = _NACC // _NS


def _sc_segment_sum(chunks: int, compute_deg: bool):
    assert chunks % 2 == 0 and chunks >= 4
    mesh = plsc.VectorSubcoreMesh(
        core_axis_name="c", subcore_axis_name="s",
        num_cores=_NC, num_subcores=_NS)
    out_type = [jax.ShapeDtypeStruct((_NC, _NACC, _DH), jnp.float32)]
    if compute_deg:
        out_type.append(jax.ShapeDtypeStruct((_NC, _NACC), jnp.float32))
    scratch = [
        pltpu.VMEM((chunks, _K), jnp.int32),
        pltpu.VMEM((chunks, _K), jnp.int32),
        [pltpu.VMEM((_K, _DH), jnp.float32) for _ in range(2)],
        pltpu.VMEM((_K,), jnp.float32),
        pltpu.VMEM_SHARED((_NACC, _DH), jnp.float32),
        pltpu.VMEM_SHARED((_NACC,), jnp.float32),
        [pltpu.SemaphoreType.DMA for _ in range(2)],
        [pltpu.SemaphoreType.DMA for _ in range(2)],
    ]

    def body(*refs):
        if compute_deg:
            (table, srcs, dsts, out_acc, out_deg,
             src_i, dst_i, rows, ones_v, acc_sh, deg_sh, sem_g, sem_s) = refs
        else:
            (table, srcs, dsts, out_acc,
             src_i, dst_i, rows, ones_v, acc_sh, deg_sh, sem_g, sem_s) = refs
        c = lax.axis_index("c")
        s = lax.axis_index("s")
        base = s * _RPT

        zero16 = jnp.zeros((_L,), jnp.float32)

        def _zrow(i, carry):
            for jj in range(_DH // _L):
                rows[0][i, pl.ds(jj * _L, _L)] = zero16
            return carry

        lax.fori_loop(0, _K, _zrow, 0)
        for jj in range(_K // _L):
            ones_v[pl.ds(jj * _L, _L)] = jnp.full((_L,), 1.0, jnp.float32)
        for k in range(_RPT // _K):
            pltpu.sync_copy(rows[0], acc_sh.at[pl.ds(base + k * _K, _K)])
        if compute_deg:
            for k in range(_RPT // _DH):
                pltpu.sync_copy(rows[0].at[0],
                                deg_sh.at[pl.ds(base + k * _DH, _DH)])
        plsc.subcore_barrier()

        pltpu.sync_copy(srcs.at[c, s], src_i)
        pltpu.sync_copy(dsts.at[s], dst_i)

        def _retire(j, b):
            pltpu.make_async_copy(rows[b], acc_sh.at[dst_i.at[j]],
                                  sem_s[b]).wait()
            if compute_deg:
                pltpu.make_async_copy(ones_v, deg_sh.at[dst_i.at[j]],
                                      sem_s[b]).wait()

        def _slot(j, b, first=False, last=False):
            pltpu.make_async_copy(table.at[src_i.at[j]], rows[b],
                                  sem_g[b]).wait()
            pltpu.async_copy(rows[b], acc_sh.at[dst_i.at[j]], sem_s[b],
                             add=True)
            if compute_deg:
                pltpu.async_copy(ones_v, deg_sh.at[dst_i.at[j]], sem_s[b],
                                 add=True)
            if not first:
                _retire(j - 1, 1 - b)
            if not last:
                pltpu.async_copy(table.at[src_i.at[j + 1]], rows[1 - b],
                                 sem_g[1 - b])

        pltpu.async_copy(table.at[src_i.at[0]], rows[0], sem_g[0])
        _slot(0, 0, first=True)
        _slot(1, 1)

        def _pair(p, carry):
            _slot(2 * p, 0)
            _slot(2 * p + 1, 1)
            return carry

        lax.fori_loop(1, chunks // 2 - 1, _pair, 0)
        _slot(chunks - 2, 0)
        _slot(chunks - 1, 1, last=True)
        _retire(chunks - 1, 1)
        plsc.subcore_barrier()

        pltpu.sync_copy(acc_sh.at[pl.ds(base, _RPT)],
                        out_acc.at[c, pl.ds(base, _RPT)])
        if compute_deg:
            pltpu.sync_copy(deg_sh.at[pl.ds(base, _RPT)],
                            out_deg.at[c, pl.ds(base, _RPT)])

    return pl.kernel(
        body, out_type=tuple(out_type), mesh=mesh, scratch_types=scratch,
        compiler_params=pltpu.CompilerParams(use_tc_tiling_on_sc=False))


def _kan(a, w0, w1, wb):
    e0 = jnp.exp(-((a + 1.0) * 0.5) ** 2)
    e1 = jnp.exp(-((a - 1.0) * 0.5) ** 2)
    sl = a * lax.logistic(a)
    kw = dict(preferred_element_type=jnp.float32, precision=lax.Precision.HIGHEST)
    return jnp.dot(e0, w0, **kw) + jnp.dot(e1, w1, **kw) + jnp.dot(sl, wb, **kw)


def _layernorm(h):
    mu = jnp.mean(h, axis=-1, keepdims=True)
    cent = h - mu
    var = jnp.mean(cent * cent, axis=-1, keepdims=True)
    return cent * lax.rsqrt(var + 1e-5)


def _mean_from_parts(acc_ref, deg_ref):
    d = jnp.maximum(deg_ref[:, 0], 1.0)
    a = jnp.concatenate([acc_ref[0], acc_ref[1]], axis=-1)
    return a / d[:, None]


def _kan_ln_body(acc_ref, deg_ref, w0, w1, wb, o_ref):
    a = _mean_from_parts(acc_ref, deg_ref)
    hh = _layernorm(_kan(a, w0[...], w1[...], wb[...]))
    o_ref[0] = hh[:, :_DH]
    o_ref[1] = hh[:, _DH:]


def _kan_ln_head_body(acc_ref, deg_ref, w0, w1, wb, h0, h1, hb, o_ref):
    a = _mean_from_parts(acc_ref, deg_ref)
    h = _layernorm(_kan(a, w0[...], w1[...], wb[...]))
    o_ref[...] = _kan(h, h0[...], h1[...], hb[...])


_BLK = 400
_GRID = _N // _BLK


def _tc_specs(n_small):
    full = pl.BlockSpec((_D, _D), lambda i: (0, 0))
    small = pl.BlockSpec((_D, _T), lambda i: (0, 0))
    return ([pl.BlockSpec((_NC, _BLK, _DH), lambda i: (0, i, 0)),
             pl.BlockSpec((_BLK, _NC), lambda i: (i, 0))]
            + [full] * 3 + [small] * n_small)


def _stack_halves(t):
    return jnp.concatenate([t[:, :_DH], t[:, _DH:]], axis=0)


def kernel(x, edge_index, Ws0, Wb0, Ws1, Wb1, Hs, Hb):
    e = edge_index.shape[1]
    etot = e + _N
    chunks = -(-etot // (_NS * _K))
    chunks += chunks % 2
    epad = _NS * chunks * _K

    loop = jnp.arange(_N, dtype=jnp.int32)
    npad = epad - etot
    pad_dst = _N + jnp.arange(npad, dtype=jnp.int32) % (_NACC - _N)
    src = jnp.concatenate([
        edge_index[0].astype(jnp.int32), loop,
        jnp.zeros(npad, jnp.int32)]).reshape(_NS, chunks, _K)
    src = jnp.stack([src, src + _N])
    dst = jnp.concatenate([
        edge_index[1].astype(jnp.int32), loop,
        pad_dst]).reshape(_NS, chunks, _K)

    w00, w01, wb0 = Ws0[:, 0::2].T, Ws0[:, 1::2].T, Wb0.T
    w10, w11, wb1 = Ws1[:, 0::2].T, Ws1[:, 1::2].T, Wb1.T
    h0, h1, hb = Hs[:, 0::2].T, Hs[:, 1::2].T, Hb.T

    acc1, deg = _sc_segment_sum(chunks, True)(_stack_halves(x), src, dst)
    deg_t = deg.T

    h = pl.pallas_call(
        _kan_ln_body,
        grid=(_GRID,),
        in_specs=_tc_specs(0),
        out_specs=pl.BlockSpec((_NC, _BLK, _DH), lambda i: (0, i, 0)),
        out_shape=jax.ShapeDtypeStruct((_NC, _N, _DH), jnp.float32),
    )(acc1, deg_t, w00, w01, wb0)

    (acc2,) = _sc_segment_sum(chunks, False)(
        h.reshape(_NC * _N, _DH), src, dst)

    out = pl.pallas_call(
        _kan_ln_head_body,
        grid=(_GRID,),
        in_specs=_tc_specs(3),
        out_specs=pl.BlockSpec((_BLK, _T), lambda i: (i, 0)),
        out_shape=jax.ShapeDtypeStruct((_N, _T), jnp.float32),
    )(acc2, deg_t, w10, w11, wb1, h0, h1, hb)
    return out

# --- scband reference (transcript-rebuilt; emitter-appended) ---
"""Pipeline reference for scband-kang-multi-task-regression-44822278701683 (READ-ONLY COPY).

The authoritative reference and input builder live on the scoring server;
editing this copy changes nothing except your own understanding.
"""

import jax, jax.numpy as jnp
import numpy as np

N = 10000
E = 320000
D = 128
H = 128
G = 2
T = 8
GMIN, GMAX = -1.0, 1.0


def _rbf(x):
    grids = jnp.linspace(GMIN, GMAX, G)
    h = (GMAX - GMIN) / (G - 1)
    return jnp.exp(-(((x[..., None] - grids) / h) ** 2))


def _kand(x, Ws, Wb):
    # FastKAN-style layer: RBF spline branch + silu base branch
    phi = _rbf(x).reshape(x.shape[0], -1)
    return phi @ Ws.T + jax.nn.silu(x) @ Wb.T


def _mean_aggr(x, src, dst):
    agg = jax.ops.segment_sum(x[src], dst, num_segments=N)
    deg = jax.ops.segment_sum(jnp.ones(src.shape[0], dtype=x.dtype), dst, num_segments=N)
    return agg / jnp.clip(deg, 1.0)[:, None]


def _ln(x):
    mu = x.mean(axis=-1, keepdims=True)
    var = ((x - mu) ** 2).mean(axis=-1, keepdims=True)
    return (x - mu) / jnp.sqrt(var + 1e-5)


def setup_inputs(seed: int = 0) -> dict:
    key = jax.random.key(seed)
    ks = jax.random.split(key, 9)
    x = jax.random.normal(ks[0], (N, D), dtype=jnp.float32)
    edge_index = jax.random.randint(ks[1], (2, E), 0, N, dtype=jnp.int64)
    Ws0 = jax.random.normal(ks[2], (H, D * G), dtype=jnp.float32) / np.sqrt(D * G)
    Wb0 = jax.random.normal(ks[3], (H, D), dtype=jnp.float32) / np.sqrt(D)
    Ws1 = jax.random.normal(ks[4], (H, H * G), dtype=jnp.float32) / np.sqrt(H * G)
    Wb1 = jax.random.normal(ks[5], (H, H), dtype=jnp.float32) / np.sqrt(H)
    Hs = jax.random.normal(ks[6], (T, H * G), dtype=jnp.float32) / np.sqrt(H * G)
    Hb = jax.random.normal(ks[7], (T, H), dtype=jnp.float32) / np.sqrt(H)
    return {"x": x, "edge_index": edge_index, "Ws0": Ws0, "Wb0": Wb0,
            "Ws1": Ws1, "Wb1": Wb1, "Hs": Hs, "Hb": Hb}


def reference(x, edge_index, Ws0, Wb0, Ws1, Wb1, Hs, Hb):
    # add_self_loops
    loop = jnp.arange(N, dtype=edge_index.dtype)
    src = jnp.concatenate([edge_index[0], loop])
    dst = jnp.concatenate([edge_index[1], loop])
    # conv 1: mean message passing then KAN transform, then LayerNorm (no affine)
    h = _mean_aggr(x, src, dst)
    h = _kand(h, Ws0, Wb0)
    h = _ln(h)
    # conv 2
    h = _mean_aggr(h, src, dst)
    h = _kand(h, Ws1, Wb1)
    h = _ln(h)
    # task heads (KAND final_input_dim -> 1, stacked over T tasks) then squeeze(-1)
    phi = _rbf(h).reshape(N, -1)
    out = phi @ Hs.T + jax.nn.silu(h) @ Hb.T  # [N, T]
    return out

if __name__ == "__main__":
    import jax
    _d = setup_inputs()
    print(jax.jit(kernel)(*tuple(_d.values())))

</pallas_src>

<mosaic_0001>
#map = affine_map<(d0, d1) -> (0, 0)>
#map1 = affine_map<(d0, d1) -> (0, 0, 0, 0)>
#map2 = affine_map<(d0, d1) -> (0, 0, 0)>
module attributes {stable_mosaic.version = 14 : i64} {
  func.func @body(%arg0: i32, %arg1: i32, %arg2: memref<20000x64xf32, #tpu.memory_space<hbm>>, %arg3: memref<2x16x162x128xi32, #tpu.memory_space<hbm>>, %arg4: memref<16x162x128xi32, #tpu.memory_space<hbm>>, %arg5: memref<2x10240x64xf32, #tpu.memory_space<hbm>>, %arg6: memref<2x10240xf32, #tpu.memory_space<hbm>>, %arg7: memref<162x128xi32, #tpu.memory_space<vmem>>, %arg8: memref<162x128xi32, #tpu.memory_space<vmem>>, %arg9: memref<128x64xf32, #tpu.memory_space<vmem>>, %arg10: memref<128x64xf32, #tpu.memory_space<vmem>>, %arg11: memref<128xf32, #tpu.memory_space<vmem>>, %arg12: memref<10240x64xf32, #tpu.memory_space<vmem_shared>>, %arg13: memref<10240xf32, #tpu.memory_space<vmem_shared>>, %arg14: memref<!tpu.dma_semaphore, #tpu.memory_space<semaphore_mem>>, %arg15: memref<!tpu.dma_semaphore, #tpu.memory_space<semaphore_mem>>, %arg16: memref<!tpu.dma_semaphore, #tpu.memory_space<semaphore_mem>>, %arg17: memref<!tpu.dma_semaphore, #tpu.memory_space<semaphore_mem>>) attributes {dimension_semantics = [#tpu.dimension_semantics<core_parallel>, #tpu.dimension_semantics<subcore_parallel>], iteration_bounds = array<i64: 2, 16>, scalar_prefetch = 0 : i64, scratch_operands = 11 : i64, tpu.core_type = #tpu.core_type<sc_vector_subcore>, window_params = [{transform_indices = #map}, {transform_indices = #map1}, {transform_indices = #map2}, {transform_indices = #map2}, {transform_indices = #map}]} {
    %mul3A = arith.constant 640 : i32
    %mul3A_0 = arith.muli %arg1, %mul3A : i32
    %broadcast_in_dim3A = arith.constant 0.000000e+00 : f32
    %broadcast_in_dim3A_1 = vector.broadcast %broadcast_in_dim3A : f32 to vector<16xf32>
    %scan3A = arith.constant 0 : i32
    %scan3A_2 = arith.constant 0 : i32
    %scan3A_3 = arith.constant 128 : i32
    %scan3A_4 = arith.addi %scan3A_2, %scan3A_3 : i32
    %scan3A_5 = arith.constant 1 : i32
    scf.for %scan3A_257 = %scan3A_2 to %scan3A_4 step %scan3A_5  : i32 {
      %swap3A_258 = arith.index_cast %scan3A_257 : i32 to index
      %swap3A_259 = arith.constant 0 : index
      %swap3A_260 = tpu.vector_load %arg9[%swap3A_258, %swap3A_259] {strides = array<i32>} : memref<128x64xf32, #tpu.memory_space<vmem>>, vector<1x16xf32>,
      %swap3A_261 = vector.shape_cast %swap3A_260 : vector<1x16xf32> to vector<16xf32>
      %swap3A_262 = vector.shape_cast %broadcast_in_dim3A_1 : vector<16xf32> to vector<1x16xf32>
      tpu.vector_store %arg9[%swap3A_258, %swap3A_259], %swap3A_262 {strides = array<i32>} : memref<128x64xf32, #tpu.memory_space<vmem>>, vector<1x16xf32>,
      %swap3A_263 = arith.index_cast %scan3A_257 : i32 to index
      %swap3A_264 = arith.constant 16 : index
      %swap3A_265 = tpu.vector_load %arg9[%swap3A_263, %swap3A_264] {strides = array<i32>} : memref<128x64xf32, #tpu.memory_space<vmem>>, vector<1x16xf32>,
      %swap3A_266 = vector.shape_cast %swap3A_265 : vector<1x16xf32> to vector<16xf32>
      %swap3A_267 = vector.shape_cast %broadcast_in_dim3A_1 : vector<16xf32> to vector<1x16xf32>
      tpu.vector_store %arg9[%swap3A_263, %swap3A_264], %swap3A_267 {strides = array<i32>} : memref<128x64xf32, #tpu.memory_space<vmem>>, vector<1x16xf32>,
      %swap3A_268 = arith.index_cast %scan3A_257 : i32 to index
      %swap3A_269 = arith.constant 32 : index
      %swap3A_270 = tpu.vector_load %arg9[%swap3A_268, %swap3A_269] {strides = array<i32>} : memref<128x64xf32, #tpu.memory_space<vmem>>, vector<1x16xf32>,
      %swap3A_271 = vector.shape_cast %swap3A_270 : vector<1x16xf32> to vector<16xf32>
      %swap3A_272 = vector.shape_cast %broadcast_in_dim3A_1 : vector<16xf32> to vector<1x16xf32>
      tpu.vector_store %arg9[%swap3A_268, %swap3A_269], %swap3A_272 {strides = array<i32>} : memref<128x64xf32, #tpu.memory_space<vmem>>, vector<1x16xf32>,
      %swap3A_273 = arith.index_cast %scan3A_257 : i32 to index
      %swap3A_274 = arith.constant 48 : index
      %swap3A_275 = tpu.vector_load %arg9[%swap3A_273, %swap3A_274] {strides = array<i32>} : memref<128x64xf32, #tpu.memory_space<vmem>>, vector<1x16xf32>,
      %swap3A_276 = vector.shape_cast %swap3A_275 : vector<1x16xf32> to vector<16xf32>
      %swap3A_277 = vector.shape_cast %broadcast_in_dim3A_1 : vector<16xf32> to vector<1x16xf32>
      tpu.vector_store %arg9[%swap3A_273, %swap3A_274], %swap3A_277 {strides = array<i32>} : memref<128x64xf32, #tpu.memory_space<vmem>>, vector<1x16xf32>,
    }
    %scan3A_6 = arith.constant 128 : i32
    %broadcast_in_dim3A_7 = arith.constant 1.000000e+00 : f32
    %broadcast_in_dim3A_8 = vector.broadcast %broadcast_in_dim3A_7 : f32 to vector<16xf32>
    %swap3A = arith.constant 0 : index
    %swap3A_9 = tpu.vector_load %arg11[%swap3A] {strides = array<i32>} : memref<128xf32, #tpu.memory_space<vmem>>, vector<16xf32>,
    %swap3A_10 = vector.shape_cast %swap3A_9 : vector<16xf32> to vector<16xf32>
    %swap3A_11 = vector.shape_cast %broadcast_in_dim3A_8 : vector<16xf32> to vector<16xf32>
    tpu.vector_store %arg11[%swap3A], %swap3A_11 {strides = array<i32>} : memref<128xf32, #tpu.memory_space<vmem>>, vector<16xf32>,
    %broadcast_in_dim3A_12 = arith.constant 1.000000e+00 : f32
    %broadcast_in_dim3A_13 = vector.broadcast %broadcast_in_dim3A_12 : f32 to vector<16xf32>
    %swap3A_14 = arith.constant 16 : index
    %swap3A_15 = tpu.vector_load %arg11[%swap3A_14] {strides = array<i32>} : memref<128xf32, #tpu.memory_space<vmem>>, vector<16xf32>,
    %swap3A_16 = vector.shape_cast %swap3A_15 : vector<16xf32> to vector<16xf32>
    %swap3A_17 = vector.shape_cast %broadcast_in_dim3A_13 : vector<16xf32> to vector<16xf32>
    tpu.vector_store %arg11[%swap3A_14], %swap3A_17 {strides = array<i32>} : memref<128xf32, #tpu.memory_space<vmem>>, vector<16xf32>,
    %broadcast_in_dim3A_18 = arith.constant 1.000000e+00 : f32
    %broadcast_in_dim3A_19 = vector.broadcast %broadcast_in_dim3A_18 : f32 to vector<16xf32>
    %swap3A_20 = arith.constant 32 : index
    %swap3A_21 = tpu.vector_load %arg11[%swap3A_20] {strides = array<i32>} : memref<128xf32, #tpu.memory_space<vmem>>, vector<16xf32>,
    %swap3A_22 = vector.shape_cast %swap3A_21 : vector<16xf32> to vector<16xf32>
    %swap3A_23 = vector.shape_cast %broadcast_in_dim3A_19 : vector<16xf32> to vector<16xf32>
    tpu.vector_store %arg11[%swap3A_20], %swap3A_23 {strides = array<i32>} : memref<128xf32, #tpu.memory_space<vmem>>, vector<16xf32>,
    %broadcast_in_dim3A_24 = arith.constant 1.000000e+00 : f32
    %broadcast_in_dim3A_25 = vector.broadcast %broadcast_in_dim3A_24 : f32 to vector<16xf32>
    %swap3A_26 = arith.constant 48 : index
    %swap3A_27 = tpu.vector_load %arg11[%swap3A_26] {strides = array<i32>} : memref<128xf32, #tpu.memory_space<vmem>>, vector<16xf32>,
    %swap3A_28 = vector.shape_cast %swap3A_27 : vector<16xf32> to vector<16xf32>
    %swap3A_29 = vector.shape_cast %broadcast_in_dim3A_25 : vector<16xf32> to vector<16xf32>
    tpu.vector_store %arg11[%swap3A_26], %swap3A_29 {strides = array<i32>} : memref<128xf32, #tpu.memory_space<vmem>>, vector<16xf32>,
    %broadcast_in_dim3A_30 = arith.constant 1.000000e+00 : f32
    %broadcast_in_dim3A_31 = vector.broadcast %broadcast_in_dim3A_30 : f32 to vector<16xf32>
    %swap3A_32 = arith.constant 64 : index
    %swap3A_33 = tpu.vector_load %arg11[%swap3A_32] {strides = array<i32>} : memref<128xf32, #tpu.memory_space<vmem>>, vector<16xf32>,
    %swap3A_34 = vector.shape_cast %swap3A_33 : vector<16xf32> to vector<16xf32>
    %swap3A_35 = vector.shape_cast %broadcast_in_dim3A_31 : vector<16xf32> to vector<16xf32>
    tpu.vector_store %arg11[%swap3A_32], %swap3A_35 {strides = array<i32>} : memref<128xf32, #tpu.memory_space<vmem>>, vector<16xf32>,
    %broadcast_in_dim3A_36 = arith.constant 1.000000e+00 : f32
    %broadcast_in_dim3A_37 = vector.broadcast %broadcast_in_dim3A_36 : f32 to vector<16xf32>
    %swap3A_38 = arith.constant 80 : index
    %swap3A_39 = tpu.vector_load %arg11[%swap3A_38] {strides = array<i32>} : memref<128xf32, #tpu.memory_space<vmem>>, vector<16xf32>,
    %swap3A_40 = vector.shape_cast %swap3A_39 : vector<16xf32> to vector<16xf32>
    %swap3A_41 = vector.shape_cast %broadcast_in_dim3A_37 : vector<16xf32> to vector<16xf32>
    tpu.vector_store %arg11[%swap3A_38], %swap3A_41 {strides = array<i32>} : memref<128xf32, #tpu.memory_space<vmem>>, vector<16xf32>,
    %broadcast_in_dim3A_42 = arith.constant 1.000000e+00 : f32
    %broadcast_in_dim3A_43 = vector.broadcast %broadcast_in_dim3A_42 : f32 to vector<16xf32>
    %swap3A_44 = arith.constant 96 : index
    %swap3A_45 = tpu.vector_load %arg11[%swap3A_44] {strides = array<i32>} : memref<128xf32, #tpu.memory_space<vmem>>, vector<16xf32>,
    %swap3A_46 = vector.shape_cast %swap3A_45 : vector<16xf32> to vector<16xf32>
    %swap3A_47 = vector.shape_cast %broadcast_in_dim3A_43 : vector<16xf32> to vector<16xf32>
    tpu.vector_store %arg11[%swap3A_44], %swap3A_47 {strides = array<i32>} : memref<128xf32, #tpu.memory_space<vmem>>, vector<16xf32>,
    %broadcast_in_dim3A_48 = arith.constant 1.000000e+00 : f32
    %broadcast_in_dim3A_49 = vector.broadcast %broadcast_in_dim3A_48 : f32 to vector<16xf32>
    %swap3A_50 = arith.constant 112 : index
    %swap3A_51 = tpu.vector_load %arg11[%swap3A_50] {strides = array<i32>} : memref<128xf32, #tpu.memory_space<vmem>>, vector<16xf32>,
    %swap3A_52 = vector.shape_cast %swap3A_51 : vector<16xf32> to vector<16xf32>
    %swap3A_53 = vector.shape_cast %broadcast_in_dim3A_49 : vector<16xf32> to vector<16xf32>
    tpu.vector_store %arg11[%swap3A_50], %swap3A_53 {strides = array<i32>} : memref<128xf32, #tpu.memory_space<vmem>>, vector<16xf32>,
    %add3A = arith.constant 0 : i32
    %add3A_54 = arith.addi %mul3A_0, %add3A : i32
    "tpu.region"() ({
      %run_scoped3A_257 = tpu.sem_alloc : memref<!tpu.dma_semaphore, #tpu.memory_space<semaphore_mem>>
      %dma_start3A_258 = arith.constant 0 : i32
      %dma_start3A_259 = tpu.memref_slice %arg12[%add3A_54, %dma_start3A_258] : memref<10240x64xf32, #tpu.memory_space<vmem_shared>> -> memref<128x64xf32, #tpu.memory_space<vmem_shared>>
      %dma_start3A_260 = arith.constant 0 : i32
      %dma_start3A_261 = tpu.memref_slice %arg12[%add3A_54, %dma_start3A_260] : memref<10240x64xf32, #tpu.memory_space<vmem_shared>> -> memref<128x64xf32, #tpu.memory_space<vmem_shared>>
      tpu.enqueue_dma source(%arg9 : memref<128x64xf32, #tpu.memory_space<vmem>>) target(%dma_start3A_261 : memref<128x64xf32, #tpu.memory_space<vmem_shared>>) target_semaphore(%run_scoped3A_257 : memref<!tpu.dma_semaphore, #tpu.memory_space<semaphore_mem>>)
      %dma_wait3A_262 = arith.constant 0 : i32
      %dma_wait3A_263 = tpu.memref_slice %arg12[%add3A_54, %dma_wait3A_262] : memref<10240x64xf32, #tpu.memory_space<vmem_shared>> -> memref<128x64xf32, #tpu.memory_space<vmem_shared>>
      %dma_wait3A_264 = arith.constant 0 : i32
      %dma_wait3A_265 = tpu.memref_slice %arg12[%add3A_54, %dma_wait3A_264] : memref<10240x64xf32, #tpu.memory_space<vmem_shared>> -> memref<128x64xf32, #tpu.memory_space<vmem_shared>>
      tpu.wait_dma2 semaphore(%run_scoped3A_257 : memref<!tpu.dma_semaphore, #tpu.memory_space<semaphore_mem>>) src(%arg9 : memref<128x64xf32, #tpu.memory_space<vmem>>) dst(%dma_wait3A_265 : memref<128x64xf32, #tpu.memory_space<vmem_shared>>)
      tpu.yield
    }) : () -> ()
    %add3A_55 = arith.constant 128 : i32
    %add3A_56 = arith.addi %mul3A_0, %add3A_55 : i32
    "tpu.region"() ({
      %run_scoped3A_257 = tpu.sem_alloc : memref<!tpu.dma_semaphore, #tpu.memory_space<semaphore_mem>>
      %dma_start3A_258 = arith.constant 0 : i32
      %dma_start3A_259 = tpu.memref_slice %arg12[%add3A_56, %dma_start3A_258] : memref<10240x64xf32, #tpu.memory_space<vmem_shared>> -> memref<128x64xf32, #tpu.memory_space<vmem_shared>>
      %dma_start3A_260 = arith.constant 0 : i32
      %dma_start3A_261 = tpu.memref_slice %arg12[%add3A_56, %dma_start3A_260] : memref<10240x64xf32, #tpu.memory_space<vmem_shared>> -> memref<128x64xf32, #tpu.memory_space<vmem_shared>>
      tpu.enqueue_dma source(%arg9 : memref<128x64xf32, #tpu.memory_space<vmem>>) target(%dma_start3A_261 : memref<128x64xf32, #tpu.memory_space<vmem_shared>>) target_semaphore(%run_scoped3A_257 : memref<!tpu.dma_semaphore, #tpu.memory_space<semaphore_mem>>)
      %dma_wait3A_262 = arith.constant 0 : i32
      %dma_wait3A_263 = tpu.memref_slice %arg12[%add3A_56, %dma_wait3A_262] : memref<10240x64xf32, #tpu.memory_space<vmem_shared>> -> memref<128x64xf32, #tpu.memory_space<vmem_shared>>
      %dma_wait3A_264 = arith.constant 0 : i32
      %dma_wait3A_265 = tpu.memref_slice %arg12[%add3A_56, %dma_wait3A_264] : memref<10240x64xf32, #tpu.memory_space<vmem_shared>> -> memref<128x64xf32, #tpu.memory_space<vmem_shared>>
      tpu.wait_dma2 semaphore(%run_scoped3A_257 : memref<!tpu.dma_semaphore, #tpu.memory_space<semaphore_mem>>) src(%arg9 : memref<128x64xf32, #tpu.memory_space<vmem>>) dst(%dma_wait3A_265 : memref<128x64xf32, #tpu.memory_space<vmem_shared>>)
      tpu.yield
    }) : () -> ()
    %add3A_57 = arith.constant 256 : i32
    %add3A_58 = arith.addi %mul3A_0, %add3A_57 : i32
    "tpu.region"() ({
      %run_scoped3A_257 = tpu.sem_alloc : memref<!tpu.dma_semaphore, #tpu.memory_space<semaphore_mem>>
      %dma_start3A_258 = arith.constant 0 : i32
      %dma_start3A_259 = tpu.memref_slice %arg12[%add3A_58, %dma_start3A_258] : memref<10240x64xf32, #tpu.memory_space<vmem_shared>> -> memref<128x64xf32, #tpu.memory_space<vmem_shared>>
      %dma_start3A_260 = arith.constant 0 : i32
      %dma_start3A_261 = tpu.memref_slice %arg12[%add3A_58, %dma_start3A_260] : memref<10240x64xf32, #tpu.memory_space<vmem_shared>> -> memref<128x64xf32, #tpu.memory_space<vmem_shared>>
      tpu.enqueue_dma source(%arg9 : memref<128x64xf32, #tpu.memory_space<vmem>>) target(%dma_start3A_261 : memref<128x64xf32, #tpu.memory_space<vmem_shared>>) target_semaphore(%run_scoped3A_257 : memref<!tpu.dma_semaphore, #tpu.memory_space<semaphore_mem>>)
      %dma_wait3A_262 = arith.constant 0 : i32
      %dma_wait3A_263 = tpu.memref_slice %arg12[%add3A_58, %dma_wait3A_262] : memref<10240x64xf32, #tpu.memory_space<vmem_shared>> -> memref<128x64xf32, #tpu.memory_space<vmem_shared>>
      %dma_wait3A_264 = arith.constant 0 : i32
      %dma_wait3A_265 = tpu.memref_slice %arg12[%add3A_58, %dma_wait3A_264] : memref<10240x64xf32, #tpu.memory_space<vmem_shared>> -> memref<128x64xf32, #tpu.memory_space<vmem_shared>>
      tpu.wait_dma2 semaphore(%run_scoped3A_257 : memref<!tpu.dma_semaphore, #tpu.memory_space<semaphore_mem>>) src(%arg9 : memref<128x64xf32, #tpu.memory_space<vmem>>) dst(%dma_wait3A_265 : memref<128x64xf32, #tpu.memory_space<vmem_shared>>)
      tpu.yield
    }) : () -> ()
    %add3A_59 = arith.constant 384 : i32
    %add3A_60 = arith.addi %mul3A_0, %add3A_59 : i32
    "tpu.region"() ({
      %run_scoped3A_257 = tpu.sem_alloc : memref<!tpu.dma_semaphore, #tpu.memory_space<semaphore_mem>>
      %dma_start3A_258 = arith.constant 0 : i32
      %dma_start3A_259 = tpu.memref_slice %arg12[%add3A_60, %dma_start3A_258] : memref<10240x64xf32, #tpu.memory_space<vmem_shared>> -> memref<128x64xf32, #tpu.memory_space<vmem_shared>>
      %dma_start3A_260 = arith.constant 0 : i32
      %dma_start3A_261 = tpu.memref_slice %arg12[%add3A_60, %dma_start3A_260] : memref<10240x64xf32, #tpu.memory_space<vmem_shared>> -> memref<128x64xf32, #tpu.memory_space<vmem_shared>>
      tpu.enqueue_dma source(%arg9 : memref<128x64xf32, #tpu.memory_space<vmem>>) target(%dma_start3A_261 : memref<128x64xf32, #tpu.memory_space<vmem_shared>>) target_semaphore(%run_scoped3A_257 : memref<!tpu.dma_semaphore, #tpu.memory_space<semaphore_mem>>)
      %dma_wait3A_262 = arith.constant 0 : i32
      %dma_wait3A_263 = tpu.memref_slice %arg12[%add3A_60, %dma_wait3A_262] : memref<10240x64xf32, #tpu.memory_space<vmem_shared>> -> memref<128x64xf32, #tpu.memory_space<vmem_shared>>
      %dma_wait3A_264 = arith.constant 0 : i32
      %dma_wait3A_265 = tpu.memref_slice %arg12[%add3A_60, %dma_wait3A_264] : memref<10240x64xf32, #tpu.memory_space<vmem_shared>> -> memref<128x64xf32, #tpu.memory_space<vmem_shared>>
      tpu.wait_dma2 semaphore(%run_scoped3A_257 : memref<!tpu.dma_semaphore, #tpu.memory_space<semaphore_mem>>) src(%arg9 : memref<128x64xf32, #tpu.memory_space<vmem>>) dst(%dma_wait3A_265 : memref<128x64xf32, #tpu.memory_space<vmem_shared>>)
      tpu.yield
    }) : () -> ()
    %add3A_61 = arith.constant 512 : i32
    %add3A_62 = arith.addi %mul3A_0, %add3A_61 : i32
    "tpu.region"() ({
      %run_scoped3A_257 = tpu.sem_alloc : memref<!tpu.dma_semaphore, #tpu.memory_space<semaphore_mem>>
      %dma_start3A_258 = arith.constant 0 : i32
      %dma_start3A_259 = tpu.memref_slice %arg12[%add3A_62, %dma_start3A_258] : memref<10240x64xf32, #tpu.memory_space<vmem_shared>> -> memref<128x64xf32, #tpu.memory_space<vmem_shared>>
      %dma_start3A_260 = arith.constant 0 : i32
      %dma_start3A_261 = tpu.memref_slice %arg12[%add3A_62, %dma_start3A_260] : memref<10240x64xf32, #tpu.memory_space<vmem_shared>> -> memref<128x64xf32, #tpu.memory_space<vmem_shared>>
      tpu.enqueue_dma source(%arg9 : memref<128x64xf32, #tpu.memory_space<vmem>>) target(%dma_start3A_261 : memref<128x64xf32, #tpu.memory_space<vmem_shared>>) target_semaphore(%run_scoped3A_257 : memref<!tpu.dma_semaphore, #tpu.memory_space<semaphore_mem>>)
      %dma_wait3A_262 = arith.constant 0 : i32
      %dma_wait3A_263 = tpu.memref_slice %arg12[%add3A_62, %dma_wait3A_262] : memref<10240x64xf32, #tpu.memory_space<vmem_shared>> -> memref<128x64xf32, #tpu.memory_space<vmem_shared>>
      %dma_wait3A_264 = arith.constant 0 : i32
      %dma_wait3A_265 = tpu.memref_slice %arg12[%add3A_62, %dma_wait3A_264] : memref<10240x64xf32, #tpu.memory_space<vmem_shared>> -> memref<128x64xf32, #tpu.memory_space<vmem_shared>>
      tpu.wait_dma2 semaphore(%run_scoped3A_257 : memref<!tpu.dma_semaphore, #tpu.memory_space<semaphore_mem>>) src(%arg9 : memref<128x64xf32, #tpu.memory_space<vmem>>) dst(%dma_wait3A_265 : memref<128x64xf32, #tpu.memory_space<vmem_shared>>)
      tpu.yield
    }) : () -> ()
    %add3A_63 = arith.constant 0 : i32
    %add3A_64 = arith.addi %mul3A_0, %add3A_63 : i32
    %run_scoped3A = arith.constant 0 : i32
    "tpu.region"() ({
      %run_scoped3A_257 = tpu.sem_alloc : memref<!tpu.dma_semaphore, #tpu.memory_space<semaphore_mem>>
      %dma_start3A_258 = arith.constant 0 : i32
      %dma_start3A_259 = tpu.memref_slice %arg9[%run_scoped3A, %dma_start3A_258] : memref<128x64xf32, #tpu.memory_space<vmem>> -> memref<1x64xf32, #tpu.memory_space<vmem>>
      %dma_start3A_260 = tpu.memref_squeeze %dma_start3A_259 : memref<1x64xf32, #tpu.memory_space<vmem>> -> memref<64xf32, #tpu.memory_space<vmem>>
      %dma_start3A_261 = tpu.memref_slice %arg13[%add3A_64] : memref<10240xf32, #tpu.memory_space<vmem_shared>> -> memref<64xf32, #tpu.memory_space<vmem_shared>>
      %dma_start3A_262 = tpu.memref_slice %arg13[%add3A_64] : memref<10240xf32, #tpu.memory_space<vmem_shared>> -> memref<64xf32, #tpu.memory_space<vmem_shared>>
      %dma_start3A_263 = arith.constant 0 : i32
      %dma_start3A_264 = tpu.memref_slice %arg9[%run_scoped3A, %dma_start3A_263] : memref<128x64xf32, #tpu.memory_space<vmem>> -> memref<1x64xf32, #tpu.memory_space<vmem>>
      %dma_start3A_265 = tpu.memref_squeeze %dma_start3A_264 : memref<1x64xf32, #tpu.memory_space<vmem>> -> memref<64xf32, #tpu.memory_space<vmem>>
      tpu.enqueue_dma source(%dma_start3A_265 : memref<64xf32, #tpu.memory_space<vmem>>) target(%dma_start3A_262 : memref<64xf32, #tpu.memory_space<vmem_shared>>) target_semaphore(%run_scoped3A_257 : memref<!tpu.dma_semaphore, #tpu.memory_space<semaphore_mem>>)
      %dma_wait3A_266 = arith.constant 0 : i32
      %dma_wait3A_267 = tpu.memref_slice %arg9[%run_scoped3A, %dma_wait3A_266] : memref<128x64xf32, #tpu.memory_space<vmem>> -> memref<1x64xf32, #tpu.memory_space<vmem>>
      %dma_wait3A_268 = tpu.memref_squeeze %dma_wait3A_267 : memref<1x64xf32, #tpu.memory_space<vmem>> -> memref<64xf32, #tpu.memory_space<vmem>>
      %dma_wait3A_269 = tpu.memref_slice %arg13[%add3A_64] : memref<10240xf32, #tpu.memory_space<vmem_shared>> -> memref<64xf32, #tpu.memory_space<vmem_shared>>
      %dma_wait3A_270 = tpu.memref_slice %arg13[%add3A_64] : memref<10240xf32, #tpu.memory_space<vmem_shared>> -> memref<64xf32, #tpu.memory_space<vmem_shared>>
      %dma_wait3A_271 = arith.constant 0 : i32
      %dma_wait3A_272 = tpu.memref_slice %arg9[%run_scoped3A, %dma_wait3A_271] : memref<128x64xf32, #tpu.memory_space<vmem>> -> memref<1x64xf32, #tpu.memory_space<vmem>>
      %dma_wait3A_273 = tpu.memref_squeeze %dma_wait3A_272 : memref<1x64xf32, #tpu.memory_space<vmem>> -> memref<64xf32, #tpu.memory_space<vmem>>
      tpu.wait_dma2 semaphore(%run_scoped3A_257 : memref<!tpu.dma_semaphore, #tpu.memory_space<semaphore_mem>>) src(%dma_wait3A_273 : memref<64xf32, #tpu.memory_space<vmem>>) dst(%dma_wait3A_270 : memref<64xf32, #tpu.memory_space<vmem_shared>>)
      tpu.yield
    }) : () -> ()
    %add3A_65 = arith.constant 64 : i32
    %add3A_66 = arith.addi %mul3A_0, %add3A_65 : i32
    %run_scoped3A_67 = arith.constant 0 : i32
    "tpu.region"() ({
      %run_scoped3A_257 = tpu.sem_alloc : memref<!tpu.dma_semaphore, #tpu.memory_space<semaphore_mem>>
      %dma_start3A_258 = arith.constant 0 : i32
      %dma_start3A_259 = tpu.memref_slice %arg9[%run_scoped3A_67, %dma_start3A_258] : memref<128x64xf32, #tpu.memory_space<vmem>> -> memref<1x64xf32, #tpu.memory_space<vmem>>
      %dma_start3A_260 = tpu.memref_squeeze %dma_start3A_259 : memref<1x64xf32, #tpu.memory_space<vmem>> -> memref<64xf32, #tpu.memory_space<vmem>>
      %dma_start3A_261 = tpu.memref_slice %arg13[%add3A_66] : memref<10240xf32, #tpu.memory_space<vmem_shared>> -> memref<64xf32, #tpu.memory_space<vmem_shared>>
      %dma_start3A_262 = tpu.memref_slice %arg13[%add3A_66] : memref<10240xf32, #tpu.memory_space<vmem_shared>> -> memref<64xf32, #tpu.memory_space<vmem_shared>>
      %dma_start3A_263 = arith.constant 0 : i32
      %dma_start3A_264 = tpu.memref_slice %arg9[%run_scoped3A_67, %dma_start3A_263] : memref<128x64xf32, #tpu.memory_space<vmem>> -> memref<1x64xf32, #tpu.memory_space<vmem>>
      %dma_start3A_265 = tpu.memref_squeeze %dma_start3A_264 : memref<1x64xf32, #tpu.memory_space<vmem>> -> memref<64xf32, #tpu.memory_space<vmem>>
      tpu.enqueue_dma source(%dma_start3A_265 : memref<64xf32, #tpu.memory_space<vmem>>) target(%dma_start3A_262 : memref<64xf32, #tpu.memory_space<vmem_shared>>) target_semaphore(%run_scoped3A_257 : memref<!tpu.dma_semaphore, #tpu.memory_space<semaphore_mem>>)
      %dma_wait3A_266 = arith.constant 0 : i32
      %dma_wait3A_267 = tpu.memref_slice %arg9[%run_scoped3A_67, %dma_wait3A_266] : memref<128x64xf32, #tpu.memory_space<vmem>> -> memref<1x64xf32, #tpu.memory_space<vmem>>
      %dma_wait3A_268 = tpu.memref_squeeze %dma_wait3A_267 : memref<1x64xf32, #tpu.memory_space<vmem>> -> memref<64xf32, #tpu.memory_space<vmem>>
      %dma_wait3A_269 = tpu.memref_slice %arg13[%add3A_66] : memref<10240xf32, #tpu.memory_space<vmem_shared>> -> memref<64xf32, #tpu.memory_space<vmem_shared>>
      %dma_wait3A_270 = tpu.memref_slice %arg13[%add3A_66] : memref<10240xf32, #tpu.memory_space<vmem_shared>> -> memref<64xf32, #tpu.memory_space<vmem_shared>>
      %dma_wait3A_271 = arith.constant 0 : i32
      %dma_wait3A_272 = tpu.memref_slice %arg9[%run_scoped3A_67, %dma_wait3A_271] : memref<128x64xf32, #tpu.memory_space<vmem>> -> memref<1x64xf32, #tpu.memory_space<vmem>>
      %dma_wait3A_273 = tpu.memref_squeeze %dma_wait3A_272 : memref<1x64xf32, #tpu.memory_space<vmem>> -> memref<64xf32, #tpu.memory_space<vmem>>
      tpu.wait_dma2 semaphore(%run_scoped3A_257 : memref<!tpu.dma_semaphore, #tpu.memory_space<semaphore_mem>>) src(%dma_wait3A_273 : memref<64xf32, #tpu.memory_space<vmem>>) dst(%dma_wait3A_270 : memref<64xf32, #tpu.memory_space<vmem_shared>>)
      tpu.yield
    }) : () -> ()
    %add3A_68 = arith.constant 128 : i32
    %add3A_69 = arith.addi %mul3A_0, %add3A_68 : i32
    %run_scoped3A_70 = arith.constant 0 : i32
    "tpu.region"() ({
      %run_scoped3A_257 = tpu.sem_alloc : memref<!tpu.dma_semaphore, #tpu.memory_space<semaphore_mem>>
      %dma_start3A_258 = arith.constant 0 : i32
      %dma_start3A_259 = tpu.memref_slice %arg9[%run_scoped3A_70, %dma_start3A_258] : memref<128x64xf32, #tpu.memory_space<vmem>> -> memref<1x64xf32, #tpu.memory_space<vmem>>
      %dma_start3A_260 = tpu.memref_squeeze %dma_start3A_259 : memref<1x64xf32, #tpu.memory_space<vmem>> -> memref<64xf32, #tpu.memory_space<vmem>>
      %dma_start3A_261 = tpu.memref_slice %arg13[%add3A_69] : memref<10240xf32, #tpu.memory_space<vmem_shared>> -> memref<64xf32, #tpu.memory_space<vmem_shared>>
      %dma_start3A_262 = tpu.memref_slice %arg13[%add3A_69] : memref<10240xf32, #tpu.memory_space<vmem_shared>> -> memref<64xf32, #tpu.memory_space<vmem_shared>>
      %dma_start3A_263 = arith.constant 0 : i32
      %dma_start3A_264 = tpu.memref_slice %arg9[%run_scoped3A_70, %dma_start3A_263] : memref<128x64xf32, #tpu.memory_space<vmem>> -> memref<1x64xf32, #tpu.memory_space<vmem>>
      %dma_start3A_265 = tpu.memref_squeeze %dma_start3A_264 : memref<1x64xf32, #tpu.memory_space<vmem>> -> memref<64xf32, #tpu.memory_space<vmem>>
      tpu.enqueue_dma source(%dma_start3A_265 : memref<64xf32, #tpu.memory_space<vmem>>) target(%dma_start3A_262 : memref<64xf32, #tpu.memory_space<vmem_shared>>) target_semaphore(%run_scoped3A_257 : memref<!tpu.dma_semaphore, #tpu.memory_space<semaphore_mem>>)
      %dma_wait3A_266 = arith.constant 0 : i32
      %dma_wait3A_267 = tpu.memref_slice %arg9[%run_scoped3A_70, %dma_wait3A_266] : memref<128x64xf32, #tpu.memory_space<vmem>> -> memref<1x64xf32, #tpu.memory_space<vmem>>
      %dma_wait3A_268 = tpu.memref_squeeze %dma_wait3A_267 : memref<1x64xf32, #tpu.memory_space<vmem>> -> memref<64xf32, #tpu.memory_space<vmem>>
      %dma_wait3A_269 = tpu.memref_slice %arg13[%add3A_69] : memref<10240xf32, #tpu.memory_space<vmem_shared>> -> memref<64xf32, #tpu.memory_space<vmem_shared>>
      %dma_wait3A_270 = tpu.memref_slice %arg13[%add3A_69] : memref<10240xf32, #tpu.memory_space<vmem_shared>> -> memref<64xf32, #tpu.memory_space<vmem_shared>>
      %dma_wait3A_271 = arith.constant 0 : i32
      %dma_wait3A_272 = tpu.memref_slice %arg9[%run_scoped3A_70, %dma_wait3A_271] : memref<128x64xf32, #tpu.memory_space<vmem>> -> memref<1x64xf32, #tpu.memory_space<vmem>>
      %dma_wait3A_273 = tpu.memref_squeeze %dma_wait3A_272 : memref<1x64xf32, #tpu.memory_space<vmem>> -> memref<64xf32, #tpu.memory_space<vmem>>
      tpu.wait_dma2 semaphore(%run_scoped3A_257 : memref<!tpu.dma_semaphore, #tpu.memory_space<semaphore_mem>>) src(%dma_wait3A_273 : memref<64xf32, #tpu.memory_space<vmem>>) dst(%dma_wait3A_270 : memref<64xf32, #tpu.memory_space<vmem_shared>>)
      tpu.yield
    }) : () -> ()
    %add3A_71 = arith.constant 192 : i32
    %add3A_72 = arith.addi %mul3A_0, %add3A_71 : i32
    %run_scoped3A_73 = arith.constant 0 : i32
    "tpu.region"() ({
      %run_scoped3A_257 = tpu.sem_alloc : memref<!tpu.dma_semaphore, #tpu.memory_space<semaphore_mem>>
      %dma_start3A_258 = arith.constant 0 : i32
      %dma_start3A_259 = tpu.memref_slice %arg9[%run_scoped3A_73, %dma_start3A_258] : memref<128x64xf32, #tpu.memory_space<vmem>> -> memref<1x64xf32, #tpu.memory_space<vmem>>
      %dma_start3A_260 = tpu.memref_squeeze %dma_start3A_259 : memref<1x64xf32, #tpu.memory_space<vmem>> -> memref<64xf32, #tpu.memory_space<vmem>>
      %dma_start3A_261 = tpu.memref_slice %arg13[%add3A_72] : memref<10240xf32, #tpu.memory_space<vmem_shared>> -> memref<64xf32, #tpu.memory_space<vmem_shared>>
      %dma_start3A_262 = tpu.memref_slice %arg13[%add3A_72] : memref<10240xf32, #tpu.memory_space<vmem_shared>> -> memref<64xf32, #tpu.memory_space<vmem_shared>>
      %dma_start3A_263 = arith.constant 0 : i32
      %dma_start3A_264 = tpu.memref_slice %arg9[%run_scoped3A_73, %dma_start3A_263] : memref<128x64xf32, #tpu.memory_space<vmem>> -> memref<1x64xf32, #tpu.memory_space<vmem>>
      %dma_start3A_265 = tpu.memref_squeeze %dma_start3A_264 : memref<1x64xf32, #tpu.memory_space<vmem>> -> memref<64xf32, #tpu.memory_space<vmem>>
      tpu.enqueue_dma source(%dma_start3A_265 : memref<64xf32, #tpu.memory_space<vmem>>) target(%dma_start3A_262 : memref<64xf32, #tpu.memory_space<vmem_shared>>) target_semaphore(%run_scoped3A_257 : memref<!tpu.dma_semaphore, #tpu.memory_space<semaphore_mem>>)
      %dma_wait3A_266 = arith.constant 0 : i32
      %dma_wait3A_267 = tpu.memref_slice %arg9[%run_scoped3A_73, %dma_wait3A_266] : memref<128x64xf32, #tpu.memory_space<vmem>> -> memref<1x64xf32, #tpu.memory_space<vmem>>
      %dma_wait3A_268 = tpu.memref_squeeze %dma_wait3A_267 : memref<1x64xf32, #tpu.memory_space<vmem>> -> memref<64xf32, #tpu.memory_space<vmem>>
      %dma_wait3A_269 = tpu.memref_slice %arg13[%add3A_72] : memref<10240xf32, #tpu.memory_space<vmem_shared>> -> memref<64xf32, #tpu.memory_space<vmem_shared>>
      %dma_wait3A_270 = tpu.memref_slice %arg13[%add3A_72] : memref<10240xf32, #tpu.memory_space<vmem_shared>> -> memref<64xf32, #tpu.memory_space<vmem_shared>>
      %dma_wait3A_271 = arith.constant 0 : i32
      %dma_wait3A_272 = tpu.memref_slice %arg9[%run_scoped3A_73, %dma_wait3A_271] : memref<128x64xf32, #tpu.memory_space<vmem>> -> memref<1x64xf32, #tpu.memory_space<vmem>>
      %dma_wait3A_273 = tpu.memref_squeeze %dma_wait3A_272 : memref<1x64xf32, #tpu.memory_space<vmem>> -> memref<64xf32, #tpu.memory_space<vmem>>
      tpu.wait_dma2 semaphore(%run_scoped3A_257 : memref<!tpu.dma_semaphore, #tpu.memory_space<semaphore_mem>>) src(%dma_wait3A_273 : memref<64xf32, #tpu.memory_space<vmem>>) dst(%dma_wait3A_270 : memref<64xf32, #tpu.memory_space<vmem_shared>>)
      tpu.yield
    }) : () -> ()
    %add3A_74 = arith.constant 256 : i32
    %add3A_75 = arith.addi %mul3A_0, %add3A_74 : i32
    %run_scoped3A_76 = arith.constant 0 : i32
    "tpu.region"() ({
      %run_scoped3A_257 = tpu.sem_alloc : memref<!tpu.dma_semaphore, #tpu.memory_space<semaphore_mem>>
      %dma_start3A_258 = arith.constant 0 : i32
      %dma_start3A_259 = tpu.memref_slice %arg9[%run_scoped3A_76, %dma_start3A_258] : memref<128x64xf32, #tpu.memory_space<vmem>> -> memref<1x64xf32, #tpu.memory_space<vmem>>
      %dma_start3A_260 = tpu.memref_squeeze %dma_start3A_259 : memref<1x64xf32, #tpu.memory_space<vmem>> -> memref<64xf32, #tpu.memory_space<vmem>>
      %dma_start3A_261 = tpu.memref_slice %arg13[%add3A_75] : memref<10240xf32, #tpu.memory_space<vmem_shared>> -> memref<64xf32, #tpu.memory_space<vmem_shared>>
      %dma_start3A_262 = tpu.memref_slice %arg13[%add3A_75] : memref<10240xf32, #tpu.memory_space<vmem_shared>> -> memref<64xf32, #tpu.memory_space<vmem_shared>>
      %dma_start3A_263 = arith.constant 0 : i32
      %dma_start3A_264 = tpu.memref_slice %arg9[%run_scoped3A_76, %dma_start3A_263] : memref<128x64xf32, #tpu.memory_space<vmem>> -> memref<1x64xf32, #tpu.memory_space<vmem>>
      %dma_start3A_265 = tpu.memref_squeeze %dma_start3A_264 : memref<1x64xf32, #tpu.memory_space<vmem>> -> memref<64xf32, #tpu.memory_space<vmem>>
      tpu.enqueue_dma source(%dma_start3A_265 : memref<64xf32, #tpu.memory_space<vmem>>) target(%dma_start3A_262 : memref<64xf32, #tpu.memory_space<vmem_shared>>) target_semaphore(%run_scoped3A_257 : memref<!tpu.dma_semaphore, #tpu.memory_space<semaphore_mem>>)
      %dma_wait3A_266 = arith.constant 0 : i32
      %dma_wait3A_267 = tpu.memref_slice %arg9[%run_scoped3A_76, %dma_wait3A_266] : memref<128x64xf32, #tpu.memory_space<vmem>> -> memref<1x64xf32, #tpu.memory_space<vmem>>
      %dma_wait3A_268 = tpu.memref_squeeze %dma_wait3A_267 : memref<1x64xf32, #tpu.memory_space<vmem>> -> memref<64xf32, #tpu.memory_space<vmem>>
      %dma_wait3A_269 = tpu.memref_slice %arg13[%add3A_75] : memref<10240xf32, #tpu.memory_space<vmem_shared>> -> memref<64xf32, #tpu.memory_space<vmem_shared>>
      %dma_wait3A_270 = tpu.memref_slice %arg13[%add3A_75] : memref<10240xf32, #tpu.memory_space<vmem_shared>> -> memref<64xf32, #tpu.memory_space<vmem_shared>>
      %dma_wait3A_271 = arith.constant 0 : i32
      %dma_wait3A_272 = tpu.memref_slice %arg9[%run_scoped3A_76, %dma_wait3A_271] : memref<128x64xf32, #tpu.memory_space<vmem>> -> memref<1x64xf32, #tpu.memory_space<vmem>>
      %dma_wait3A_273 = tpu.memref_squeeze %dma_wait3A_272 : memref<1x64xf32, #tpu.memory_space<vmem>> -> memref<64xf32, #tpu.memory_space<vmem>>
      tpu.wait_dma2 semaphore(%run_scoped3A_257 : memref<!tpu.dma_semaphore, #tpu.memory_space<semaphore_mem>>) src(%dma_wait3A_273 : memref<64xf32, #tpu.memory_space<vmem>>) dst(%dma_wait3A_270 : memref<64xf32, #tpu.memory_space<vmem_shared>>)
      tpu.yield
    }) : () -> ()
    %add3A_77 = arith.constant 320 : i32
    %add3A_78 = arith.addi %mul3A_0, %add3A_77 : i32
    %run_scoped3A_79 = arith.constant 0 : i32
    "tpu.region"() ({
      %run_scoped3A_257 = tpu.sem_alloc : memref<!tpu.dma_semaphore, #tpu.memory_space<semaphore_mem>>
      %dma_start3A_258 = arith.constant 0 : i32
      %dma_start3A_259 = tpu.memref_slice %arg9[%run_scoped3A_79, %dma_start3A_258] : memref<128x64xf32, #tpu.memory_space<vmem>> -> memref<1x64xf32, #tpu.memory_space<vmem>>
      %dma_start3A_260 = tpu.memref_squeeze %dma_start3A_259 : memref<1x64xf32, #tpu.memory_space<vmem>> -> memref<64xf32, #tpu.memory_space<vmem>>
      %dma_start3A_261 = tpu.memref_slice %arg13[%add3A_78] : memref<10240xf32, #tpu.memory_space<vmem_shared>> -> memref<64xf32, #tpu.memory_space<vmem_shared>>
      %dma_start3A_262 = tpu.memref_slice %arg13[%add3A_78] : memref<10240xf32, #tpu.memory_space<vmem_shared>> -> memref<64xf32, #tpu.memory_space<vmem_shared>>
      %dma_start3A_263 = arith.constant 0 : i32
      %dma_start3A_264 = tpu.memref_slice %arg9[%run_scoped3A_79, %dma_start3A_263] : memref<128x64xf32, #tpu.memory_space<vmem>> -> memref<1x64xf32, #tpu.memory_space<vmem>>
      %dma_start3A_265 = tpu.memref_squeeze %dma_start3A_264 : memref<1x64xf32, #tpu.memory_space<vmem>> -> memref<64xf32, #tpu.memory_space<vmem>>
      tpu.enqueue_dma source(%dma_start3A_265 : memref<64xf32, #tpu.memory_space<vmem>>) target(%dma_start3A_262 : memref<64xf32, #tpu.memory_space<vmem_shared>>) target_semaphore(%run_scoped3A_257 : memref<!tpu.dma_semaphore, #tpu.memory_space<semaphore_mem>>)
      %dma_wait3A_266 = arith.constant 0 : i32
      %dma_wait3A_267 = tpu.memref_slice %arg9[%run_scoped3A_79, %dma_wait3A_266] : memref<128x64xf32, #tpu.memory_space<vmem>> -> memref<1x64xf32, #tpu.memory_space<vmem>>
      %dma_wait3A_268 = tpu.memref_squeeze %dma_wait3A_267 : memref<1x64xf32, #tpu.memory_space<vmem>> -> memref<64xf32, #tpu.memory_space<vmem>>
      %dma_wait3A_269 = tpu.memref_slice %arg13[%add3A_78] : memref<10240xf32, #tpu.memory_space<vmem_shared>> -> memref<64xf32, #tpu.memory_space<vmem_shared>>
      %dma_wait3A_270 = tpu.memref_slice %arg13[%add3A_78] : memref<10240xf32, #tpu.memory_space<vmem_shared>> -> memref<64xf32, #tpu.memory_space<vmem_shared>>
      %dma_wait3A_271 = arith.constant 0 : i32
      %dma_wait3A_272 = tpu.memref_slice %arg9[%run_scoped3A_79, %dma_wait3A_271] : memref<128x64xf32, #tpu.memory_space<vmem>> -> memref<1x64xf32, #tpu.memory_space<vmem>>
      %dma_wait3A_273 = tpu.memref_squeeze %dma_wait3A_272 : memref<1x64xf32, #tpu.memory_space<vmem>> -> memref<64xf32, #tpu.memory_space<vmem>>
      tpu.wait_dma2 semaphore(%run_scoped3A_257 : memref<!tpu.dma_semaphore, #tpu.memory_space<semaphore_mem>>) src(%dma_wait3A_273 : memref<64xf32, #tpu.memory_space<vmem>>) dst(%dma_wait3A_270 : memref<64xf32, #tpu.memory_space<vmem_shared>>)
      tpu.yield
    }) : () -> ()
    %add3A_80 = arith.constant 384 : i32
    %add3A_81 = arith.addi %mul3A_0, %add3A_80 : i32
    %run_scoped3A_82 = arith.constant 0 : i32
    "tpu.region"() ({
      %run_scoped3A_257 = tpu.sem_alloc : memref<!tpu.dma_semaphore, #tpu.memory_space<semaphore_mem>>
      %dma_start3A_258 = arith.constant 0 : i32
      %dma_start3A_259 = tpu.memref_slice %arg9[%run_scoped3A_82, %dma_start3A_258] : memref<128x64xf32, #tpu.memory_space<vmem>> -> memref<1x64xf32, #tpu.memory_space<vmem>>
      %dma_start3A_260 = tpu.memref_squeeze %dma_start3A_259 : memref<1x64xf32, #tpu.memory_space<vmem>> -> memref<64xf32, #tpu.memory_space<vmem>>
      %dma_start3A_261 = tpu.memref_slice %arg13[%add3A_81] : memref<10240xf32, #tpu.memory_space<vmem_shared>> -> memref<64xf32, #tpu.memory_space<vmem_shared>>
      %dma_start3A_262 = tpu.memref_slice %arg13[%add3A_81] : memref<10240xf32, #tpu.memory_space<vmem_shared>> -> memref<64xf32, #tpu.memory_space<vmem_shared>>
      %dma_start3A_263 = arith.constant 0 : i32
      %dma_start3A_264 = tpu.memref_slice %arg9[%run_scoped3A_82, %dma_start3A_263] : memref<128x64xf32, #tpu.memory_space<vmem>> -> memref<1x64xf32, #tpu.memory_space<vmem>>
      %dma_start3A_265 = tpu.memref_squeeze %dma_start3A_264 : memref<1x64xf32, #tpu.memory_space<vmem>> -> memref<64xf32, #tpu.memory_space<vmem>>
      tpu.enqueue_dma source(%dma_start3A_265 : memref<64xf32, #tpu.memory_space<vmem>>) target(%dma_start3A_262 : memref<64xf32, #tpu.memory_space<vmem_shared>>) target_semaphore(%run_scoped3A_257 : memref<!tpu.dma_semaphore, #tpu.memory_space<semaphore_mem>>)
      %dma_wait3A_266 = arith.constant 0 : i32
      %dma_wait3A_267 = tpu.memref_slice %arg9[%run_scoped3A_82, %dma_wait3A_266] : memref<128x64xf32, #tpu.memory_space<vmem>> -> memref<1x64xf32, #tpu.memory_space<vmem>>
      %dma_wait3A_268 = tpu.memref_squeeze %dma_wait3A_267 : memref<1x64xf32, #tpu.memory_space<vmem>> -> memref<64xf32, #tpu.memory_space<vmem>>
      %dma_wait3A_269 = tpu.memref_slice %arg13[%add3A_81] : memref<10240xf32, #tpu.memory_space<vmem_shared>> -> memref<64xf32, #tpu.memory_space<vmem_shared>>
      %dma_wait3A_270 = tpu.memref_slice %arg13[%add3A_81] : memref<10240xf32, #tpu.memory_space<vmem_shared>> -> memref<64xf32, #tpu.memory_space<vmem_shared>>
      %dma_wait3A_271 = arith.constant 0 : i32
      %dma_wait3A_272 = tpu.memref_slice %arg9[%run_scoped3A_82, %dma_wait3A_271] : memref<128x64xf32, #tpu.memory_space<vmem>> -> memref<1x64xf32, #tpu.memory_space<vmem>>
      %dma_wait3A_273 = tpu.memref_squeeze %dma_wait3A_272 : memref<1x64xf32, #tpu.memory_space<vmem>> -> memref<64xf32, #tpu.memory_space<vmem>>
      tpu.wait_dma2 semaphore(%run_scoped3A_257 : memref<!tpu.dma_semaphore, #tpu.memory_space<semaphore_mem>>) src(%dma_wait3A_273 : memref<64xf32, #tpu.memory_space<vmem>>) dst(%dma_wait3A_270 : memref<64xf32, #tpu.memory_space<vmem_shared>>)
      tpu.yield
    }) : () -> ()
    %add3A_83 = arith.constant 448 : i32
    %add3A_84 = arith.addi %mul3A_0, %add3A_83 : i32
    %run_scoped3A_85 = arith.constant 0 : i32
    "tpu.region"() ({
      %run_scoped3A_257 = tpu.sem_alloc : memref<!tpu.dma_semaphore, #tpu.memory_space<semaphore_mem>>
      %dma_start3A_258 = arith.constant 0 : i32
      %dma_start3A_259 = tpu.memref_slice %arg9[%run_scoped3A_85, %dma_start3A_258] : memref<128x64xf32, #tpu.memory_space<vmem>> -> memref<1x64xf32, #tpu.memory_space<vmem>>
      %dma_start3A_260 = tpu.memref_squeeze %dma_start3A_259 : memref<1x64xf32, #tpu.memory_space<vmem>> -> memref<64xf32, #tpu.memory_space<vmem>>
      %dma_start3A_261 = tpu.memref_slice %arg13[%add3A_84] : memref<10240xf32, #tpu.memory_space<vmem_shared>> -> memref<64xf32, #tpu.memory_space<vmem_shared>>
      %dma_start3A_262 = tpu.memref_slice %arg13[%add3A_84] : memref<10240xf32, #tpu.memory_space<vmem_shared>> -> memref<64xf32, #tpu.memory_space<vmem_shared>>
      %dma_start3A_263 = arith.constant 0 : i32
      %dma_start3A_264 = tpu.memref_slice %arg9[%run_scoped3A_85, %dma_start3A_263] : memref<128x64xf32, #tpu.memory_space<vmem>> -> memref<1x64xf32, #tpu.memory_space<vmem>>
      %dma_start3A_265 = tpu.memref_squeeze %dma_start3A_264 : memref<1x64xf32, #tpu.memory_space<vmem>> -> memref<64xf32, #tpu.memory_space<vmem>>
      tpu.enqueue_dma source(%dma_start3A_265 : memref<64xf32, #tpu.memory_space<vmem>>) target(%dma_start3A_262 : memref<64xf32, #tpu.memory_space<vmem_shared>>) target_semaphore(%run_scoped3A_257 : memref<!tpu.dma_semaphore, #tpu.memory_space<semaphore_mem>>)
      %dma_wait3A_266 = arith.constant 0 : i32
      %dma_wait3A_267 = tpu.memref_slice %arg9[%run_scoped3A_85, %dma_wait3A_266] : memref<128x64xf32, #tpu.memory_space<vmem>> -> memref<1x64xf32, #tpu.memory_space<vmem>>
      %dma_wait3A_268 = tpu.memref_squeeze %dma_wait3A_267 : memref<1x64xf32, #tpu.memory_space<vmem>> -> memref<64xf32, #tpu.memory_space<vmem>>
      %dma_wait3A_269 = tpu.memref_slice %arg13[%add3A_84] : memref<10240xf32, #tpu.memory_space<vmem_shared>> -> memref<64xf32, #tpu.memory_space<vmem_shared>>
      %dma_wait3A_270 = tpu.memref_slice %arg13[%add3A_84] : memref<10240xf32, #tpu.memory_space<vmem_shared>> -> memref<64xf32, #tpu.memory_space<vmem_shared>>
      %dma_wait3A_271 = arith.constant 0 : i32
      %dma_wait3A_272 = tpu.memref_slice %arg9[%run_scoped3A_85, %dma_wait3A_271] : memref<128x64xf32, #tpu.memory_space<vmem>> -> memref<1x64xf32, #tpu.memory_space<vmem>>
      %dma_wait3A_273 = tpu.memref_squeeze %dma_wait3A_272 : memref<1x64xf32, #tpu.memory_space<vmem>> -> memref<64xf32, #tpu.memory_space<vmem>>
      tpu.wait_dma2 semaphore(%run_scoped3A_257 : memref<!tpu.dma_semaphore, #tpu.memory_space<semaphore_mem>>) src(%dma_wait3A_273 : memref<64xf32, #tpu.memory_space<vmem>>) dst(%dma_wait3A_270 : memref<64xf32, #tpu.memory_space<vmem_shared>>)
      tpu.yield
    }) : () -> ()
    %add3A_86 = arith.constant 512 : i32
    %add3A_87 = arith.addi %mul3A_0, %add3A_86 : i32
    %run_scoped3A_88 = arith.constant 0 : i32
    "tpu.region"() ({
      %run_scoped3A_257 = tpu.sem_alloc : memref<!tpu.dma_semaphore, #tpu.memory_space<semaphore_mem>>
      %dma_start3A_258 = arith.constant 0 : i32
      %dma_start3A_259 = tpu.memref_slice %arg9[%run_scoped3A_88, %dma_start3A_258] : memref<128x64xf32, #tpu.memory_space<vmem>> -> memref<1x64xf32, #tpu.memory_space<vmem>>
      %dma_start3A_260 = tpu.memref_squeeze %dma_start3A_259 : memref<1x64xf32, #tpu.memory_space<vmem>> -> memref<64xf32, #tpu.memory_space<vmem>>
      %dma_start3A_261 = tpu.memref_slice %arg13[%add3A_87] : memref<10240xf32, #tpu.memory_space<vmem_shared>> -> memref<64xf32, #tpu.memory_space<vmem_shared>>
      %dma_start3A_262 = tpu.memref_slice %arg13[%add3A_87] : memref<10240xf32, #tpu.memory_space<vmem_shared>> -> memref<64xf32, #tpu.memory_space<vmem_shared>>
      %dma_start3A_263 = arith.constant 0 : i32
      %dma_start3A_264 = tpu.memref_slice %arg9[%run_scoped3A_88, %dma_start3A_263] : memref<128x64xf32, #tpu.memory_space<vmem>> -> memref<1x64xf32, #tpu.memory_space<vmem>>
      %dma_start3A_265 = tpu.memref_squeeze %dma_start3A_264 : memref<1x64xf32, #tpu.memory_space<vmem>> -> memref<64xf32, #tpu.memory_space<vmem>>
      tpu.enqueue_dma source(%dma_start3A_265 : memref<64xf32, #tpu.memory_space<vmem>>) target(%dma_start3A_262 : memref<64xf32, #tpu.memory_space<vmem_shared>>) target_semaphore(%run_scoped3A_257 : memref<!tpu.dma_semaphore, #tpu.memory_space<semaphore_mem>>)
      %dma_wait3A_266 = arith.constant 0 : i32
      %dma_wait3A_267 = tpu.memref_slice %arg9[%run_scoped3A_88, %dma_wait3A_266] : memref<128x64xf32, #tpu.memory_space<vmem>> -> memref<1x64xf32, #tpu.memory_space<vmem>>
      %dma_wait3A_268 = tpu.memref_squeeze %dma_wait3A_267 : memref<1x64xf32, #tpu.memory_space<vmem>> -> memref<64xf32, #tpu.memory_space<vmem>>
      %dma_wait3A_269 = tpu.memref_slice %arg13[%add3A_87] : memref<10240xf32, #tpu.memory_space<vmem_shared>> -> memref<64xf32, #tpu.memory_space<vmem_shared>>
      %dma_wait3A_270 = tpu.memref_slice %arg13[%add3A_87] : memref<10240xf32, #tpu.memory_space<vmem_shared>> -> memref<64xf32, #tpu.memory_space<vmem_shared>>
      %dma_wait3A_271 = arith.constant 0 : i32
      %dma_wait3A_272 = tpu.memref_slice %arg9[%run_scoped3A_88, %dma_wait3A_271] : memref<128x64xf32, #tpu.memory_space<vmem>> -> memref<1x64xf32, #tpu.memory_space<vmem>>
      %dma_wait3A_273 = tpu.memref_squeeze %dma_wait3A_272 : memref<1x64xf32, #tpu.memory_space<vmem>> -> memref<64xf32, #tpu.memory_space<vmem>>
      tpu.wait_dma2 semaphore(%run_scoped3A_257 : memref<!tpu.dma_semaphore, #tpu.memory_space<semaphore_mem>>) src(%dma_wait3A_273 : memref<64xf32, #tpu.memory_space<vmem>>) dst(%dma_wait3A_270 : memref<64xf32, #tpu.memory_space<vmem_shared>>)
      tpu.yield
    }) : () -> ()
    %add3A_89 = arith.constant 576 : i32
    %add3A_90 = arith.addi %mul3A_0, %add3A_89 : i32
    %run_scoped3A_91 = arith.constant 0 : i32
    "tpu.region"() ({
      %run_scoped3A_257 = tpu.sem_alloc : memref<!tpu.dma_semaphore, #tpu.memory_space<semaphore_mem>>
      %dma_start3A_258 = arith.constant 0 : i32
      %dma_start3A_259 = tpu.memref_slice %arg9[%run_scoped3A_91, %dma_start3A_258] : memref<128x64xf32, #tpu.memory_space<vmem>> -> memref<1x64xf32, #tpu.memory_space<vmem>>
      %dma_start3A_260 = tpu.memref_squeeze %dma_start3A_259 : memref<1x64xf32, #tpu.memory_space<vmem>> -> memref<64xf32, #tpu.memory_space<vmem>>
      %dma_start3A_261 = tpu.memref_slice %arg13[%add3A_90] : memref<10240xf32, #tpu.memory_space<vmem_shared>> -> memref<64xf32, #tpu.memory_space<vmem_shared>>
      %dma_start3A_262 = tpu.memref_slice %arg13[%add3A_90] : memref<10240xf32, #tpu.memory_space<vmem_shared>> -> memref<64xf32, #tpu.memory_space<vmem_shared>>
      %dma_start3A_263 = arith.constant 0 : i32
      %dma_start3A_264 = tpu.memref_slice %arg9[%run_scoped3A_91, %dma_start3A_263] : memref<128x64xf32, #tpu.memory_space<vmem>> -> memref<1x64xf32, #tpu.memory_space<vmem>>
      %dma_start3A_265 = tpu.memref_squeeze %dma_start3A_264 : memref<1x64xf32, #tpu.memory_space<vmem>> -> memref<64xf32, #tpu.memory_space<vmem>>
      tpu.enqueue_dma source(%dma_start3A_265 : memref<64xf32, #tpu.memory_space<vmem>>) target(%dma_start3A_262 : memref<64xf32, #tpu.memory_space<vmem_shared>>) target_semaphore(%run_scoped3A_257 : memref<!tpu.dma_semaphore, #tpu.memory_space<semaphore_mem>>)
      %dma_wait3A_266 = arith.constant 0 : i32
      %dma_wait3A_267 = tpu.memref_slice %arg9[%run_scoped3A_91, %dma_wait3A_266] : memref<128x64xf32, #tpu.memory_space<vmem>> -> memref<1x64xf32, #tpu.memory_space<vmem>>
      %dma_wait3A_268 = tpu.memref_squeeze %dma_wait3A_267 : memref<1x64xf32, #tpu.memory_space<vmem>> -> memref<64xf32, #tpu.memory_space<vmem>>
      %dma_wait3A_269 = tpu.memref_slice %arg13[%add3A_90] : memref<10240xf32, #tpu.memory_space<vmem_shared>> -> memref<64xf32, #tpu.memory_space<vmem_shared>>
      %dma_wait3A_270 = tpu.memref_slice %arg13[%add3A_90] : memref<10240xf32, #tpu.memory_space<vmem_shared>> -> memref<64xf32, #tpu.memory_space<vmem_shared>>
      %dma_wait3A_271 = arith.constant 0 : i32
      %dma_wait3A_272 = tpu.memref_slice %arg9[%run_scoped3A_91, %dma_wait3A_271] : memref<128x64xf32, #tpu.memory_space<vmem>> -> memref<1x64xf32, #tpu.memory_space<vmem>>
      %dma_wait3A_273 = tpu.memref_squeeze %dma_wait3A_272 : memref<1x64xf32, #tpu.memory_space<vmem>> -> memref<64xf32, #tpu.memory_space<vmem>>
      tpu.wait_dma2 semaphore(%run_scoped3A_257 : memref<!tpu.dma_semaphore, #tpu.memory_space<semaphore_mem>>) src(%dma_wait3A_273 : memref<64xf32, #tpu.memory_space<vmem>>) dst(%dma_wait3A_270 : memref<64xf32, #tpu.memory_space<vmem_shared>>)
      tpu.yield
    }) : () -> ()
    %barrier3A = arith.constant 0 : index
    tpu.barrier barrier_id(%barrier3A)
    "tpu.region"() ({
      %run_scoped3A_257 = tpu.sem_alloc : memref<!tpu.dma_semaphore, #tpu.memory_space<semaphore_mem>>
      %dma_start3A_258 = arith.constant 0 : i32
      %dma_start3A_259 = arith.constant 0 : i32
      %dma_start3A_260 = tpu.memref_slice %arg3[%arg0, %arg1, %dma_start3A_258, %dma_start3A_259] : memref<2x16x162x128xi32, #tpu.memory_space<hbm>> -> memref<1x1x162x128xi32, #tpu.memory_space<hbm>>
      %dma_start3A_261 = tpu.memref_squeeze %dma_start3A_260 : memref<1x1x162x128xi32, #tpu.memory_space<hbm>> -> memref<162x128xi32, #tpu.memory_space<hbm>>
      %dma_start3A_262 = arith.constant 0 : i32
      %dma_start3A_263 = arith.constant 0 : i32
      %dma_start3A_264 = tpu.memref_slice %arg3[%arg0, %arg1, %dma_start3A_262, %dma_start3A_263] : memref<2x16x162x128xi32, #tpu.memory_space<hbm>> -> memref<1x1x162x128xi32, #tpu.memory_space<hbm>>
      %dma_start3A_265 = tpu.memref_squeeze %dma_start3A_264 : memref<1x1x162x128xi32, #tpu.memory_space<hbm>> -> memref<162x128xi32, #tpu.memory_space<hbm>>
      tpu.enqueue_dma source(%dma_start3A_265 : memref<162x128xi32, #tpu.memory_space<hbm>>) target(%arg7 : memref<162x128xi32, #tpu.memory_space<vmem>>) target_semaphore(%run_scoped3A_257 : memref<!tpu.dma_semaphore, #tpu.memory_space<semaphore_mem>>)
      %dma_wait3A_266 = arith.constant 0 : i32
      %dma_wait3A_267 = arith.constant 0 : i32
      %dma_wait3A_268 = tpu.memref_slice %arg3[%arg0, %arg1, %dma_wait3A_266, %dma_wait3A_267] : memref<2x16x162x128xi32, #tpu.memory_space<hbm>> -> memref<1x1x162x128xi32, #tpu.memory_space<hbm>>
      %dma_wait3A_269 = tpu.memref_squeeze %dma_wait3A_268 : memref<1x1x162x128xi32, #tpu.memory_space<hbm>> -> memref<162x128xi32, #tpu.memory_space<hbm>>
      %dma_wait3A_270 = arith.constant 0 : i32
      %dma_wait3A_271 = arith.constant 0 : i32
      %dma_wait3A_272 = tpu.memref_slice %arg3[%arg0, %arg1, %dma_wait3A_270, %dma_wait3A_271] : memref<2x16x162x128xi32, #tpu.memory_space<hbm>> -> memref<1x1x162x128xi32, #tpu.memory_space<hbm>>
      %dma_wait3A_273 = tpu.memref_squeeze %dma_wait3A_272 : memref<1x1x162x128xi32, #tpu.memory_space<hbm>> -> memref<162x128xi32, #tpu.memory_space<hbm>>
      tpu.wait_dma2 semaphore(%run_scoped3A_257 : memref<!tpu.dma_semaphore, #tpu.memory_space<semaphore_mem>>) src(%dma_wait3A_273 : memref<162x128xi32, #tpu.memory_space<hbm>>) dst(%arg7 : memref<162x128xi32, #tpu.memory_space<vmem>>)
      tpu.yield
    }) : () -> ()
    "tpu.region"() ({
      %run_scoped3A_257 = tpu.sem_alloc : memref<!tpu.dma_semaphore, #tpu.memory_space<semaphore_mem>>
      %dma_start3A_258 = arith.constant 0 : i32
      %dma_start3A_259 = arith.constant 0 : i32
      %dma_start3A_260 = tpu.memref_slice %arg4[%arg1, %dma_start3A_258, %dma_start3A_259] : memref<16x162x128xi32, #tpu.memory_space<hbm>> -> memref<1x162x128xi32, #tpu.memory_space<hbm>>
      %dma_start3A_261 = tpu.memref_squeeze %dma_start3A_260 : memref<1x162x128xi32, #tpu.memory_space<hbm>> -> memref<162x128xi32, #tpu.memory_space<hbm>>
      %dma_start3A_262 = arith.constant 0 : i32
      %dma_start3A_263 = arith.constant 0 : i32
      %dma_start3A_264 = tpu.memref_slice %arg4[%arg1, %dma_start3A_262, %dma_start3A_263] : memref<16x162x128xi32, #tpu.memory_space<hbm>> -> memref<1x162x128xi32, #tpu.memory_space<hbm>>
      %dma_start3A_265 = tpu.memref_squeeze %dma_start3A_264 : memref<1x162x128xi32, #tpu.memory_space<hbm>> -> memref<162x128xi32, #tpu.memory_space<hbm>>
      tpu.enqueue_dma source(%dma_start3A_265 : memref<162x128xi32, #tpu.memory_space<hbm>>) target(%arg8 : memref<162x128xi32, #tpu.memory_space<vmem>>) target_semaphore(%run_scoped3A_257 : memref<!tpu.dma_semaphore, #tpu.memory_space<semaphore_mem>>)
      %dma_wait3A_266 = arith.constant 0 : i32
      %dma_wait3A_267 = arith.constant 0 : i32
      %dma_wait3A_268 = tpu.memref_slice %arg4[%arg1, %dma_wait3A_266, %dma_wait3A_267] : memref<16x162x128xi32, #tpu.memory_space<hbm>> -> memref<1x162x128xi32, #tpu.memory_space<hbm>>
      %dma_wait3A_269 = tpu.memref_squeeze %dma_wait3A_268 : memref<1x162x128xi32, #tpu.memory_space<hbm>> -> memref<162x128xi32, #tpu.memory_space<hbm>>
      %dma_wait3A_270 = arith.constant 0 : i32
      %dma_wait3A_271 = arith.constant 0 : i32
      %dma_wait3A_272 = tpu.memref_slice %arg4[%arg1, %dma_wait3A_270, %dma_wait3A_271] : memref<16x162x128xi32, #tpu.memory_space<hbm>> -> memref<1x162x128xi32, #tpu.memory_space<hbm>>
      %dma_wait3A_273 = tpu.memref_squeeze %dma_wait3A_272 : memref<1x162x128xi32, #tpu.memory_space<hbm>> -> memref<162x128xi32, #tpu.memory_space<hbm>>
      tpu.wait_dma2 semaphore(%run_scoped3A_257 : memref<!tpu.dma_semaphore, #tpu.memory_space<semaphore_mem>>) src(%dma_wait3A_273 : memref<162x128xi32, #tpu.memory_space<hbm>>) dst(%arg8 : memref<162x128xi32, #tpu.memory_space<vmem>>)
      tpu.yield
    }) : () -> ()
    %dma_start3A = arith.constant 0 : i32
    %dma_start3A_92 = arith.constant 0 : i32
    %dma_start3A_93 = tpu.memref_slice %arg7[%dma_start3A, %dma_start3A_92] : memref<162x128xi32, #tpu.memory_space<vmem>> -> memref<1x128xi32, #tpu.memory_space<vmem>>
    %dma_start3A_94 = tpu.memref_squeeze %dma_start3A_93 : memref<1x128xi32, #tpu.memory_space<vmem>> -> memref<128xi32, #tpu.memory_space<vmem>>
    %dma_start3A_95 = arith.constant 0 : i32
    %dma_start3A_96 = arith.constant 0 : i32
    %dma_start3A_97 = tpu.memref_slice %arg2[%dma_start3A_95, %dma_start3A_96] : memref<20000x64xf32, #tpu.memory_space<hbm>> -> memref<20000x64xf32, #tpu.memory_space<hbm>>
    tpu.enqueue_indirect_dma source(%dma_start3A_97 : memref<20000x64xf32, #tpu.memory_space<hbm>>) target(%arg9 : memref<128x64xf32, #tpu.memory_space<vmem>>) offsets(%dma_start3A_94 : memref<128xi32, #tpu.memory_space<vmem>>) semaphore(%arg14 : memref<!tpu.dma_semaphore, #tpu.memory_space<semaphore_mem>>)
    %dma_wait3A = arith.constant 0 : i32
    %dma_wait3A_98 = arith.constant 0 : i32
    %dma_wait3A_99 = tpu.memref_slice %arg7[%dma_wait3A, %dma_wait3A_98] : memref<162x128xi32, #tpu.memory_space<vmem>> -> memref<1x128xi32, #tpu.memory_space<vmem>>
    %dma_wait3A_100 = tpu.memref_squeeze %dma_wait3A_99 : memref<1x128xi32, #tpu.memory_space<vmem>> -> memref<128xi32, #tpu.memory_space<vmem>>
    %dma_wait3A_101 = arith.constant 0 : i32
    %dma_wait3A_102 = arith.constant 0 : i32
    %dma_wait3A_103 = tpu.memref_slice %arg2[%dma_wait3A_101, %dma_wait3A_102] : memref<20000x64xf32, #tpu.memory_space<hbm>> -> memref<20000x64xf32, #tpu.memory_space<hbm>>
    tpu.wait_indirect_dma semaphore(%arg14 : memref<!tpu.dma_semaphore, #tpu.memory_space<semaphore_mem>>) src(%dma_wait3A_103 : memref<20000x64xf32, #tpu.memory_space<hbm>>) dst(%arg9 : memref<128x64xf32, #tpu.memory_space<vmem>>)
    %dma_start3A_104 = arith.constant 0 : i32
    %dma_start3A_105 = arith.constant 0 : i32
    %dma_start3A_106 = tpu.memref_slice %arg8[%dma_start3A_104, %dma_start3A_105] : memref<162x128xi32, #tpu.memory_space<vmem>> -> memref<1x128xi32, #tpu.memory_space<vmem>>
    %dma_start3A_107 = tpu.memref_squeeze %dma_start3A_106 : memref<1x128xi32, #tpu.memory_space<vmem>> -> memref<128xi32, #tpu.memory_space<vmem>>
    %dma_start3A_108 = arith.constant 0 : i32
    %dma_start3A_109 = arith.constant 0 : i32
    %dma_start3A_110 = tpu.memref_slice %arg12[%dma_start3A_108, %dma_start3A_109] : memref<10240x64xf32, #tpu.memory_space<vmem_shared>> -> memref<10240x64xf32, #tpu.memory_space<vmem_shared>>
    tpu.enqueue_indirect_dma source(%arg9 : memref<128x64xf32, #tpu.memory_space<vmem>>) target(%dma_start3A_110 : memref<10240x64xf32, #tpu.memory_space<vmem_shared>>) offsets(%dma_start3A_107 : memref<128xi32, #tpu.memory_space<vmem>>) semaphore(%arg16 : memref<!tpu.dma_semaphore, #tpu.memory_space<semaphore_mem>>) {add = true}
    %dma_start3A_111 = arith.constant 0 : i32
    %dma_start3A_112 = arith.constant 0 : i32
    %dma_start3A_113 = tpu.memref_slice %arg8[%dma_start3A_111, %dma_start3A_112] : memref<162x128xi32, #tpu.memory_space<vmem>> -> memref<1x128xi32, #tpu.memory_space<vmem>>
    %dma_start3A_114 = tpu.memref_squeeze %dma_start3A_113 : memref<1x128xi32, #tpu.memory_space<vmem>> -> memref<128xi32, #tpu.memory_space<vmem>>
    %dma_start3A_115 = arith.constant 0 : i32
    %dma_start3A_116 = tpu.memref_slice %arg13[%dma_start3A_115] : memref<10240xf32, #tpu.memory_space<vmem_shared>> -> memref<10240xf32, #tpu.memory_space<vmem_shared>>
    tpu.enqueue_indirect_dma source(%arg11 : memref<128xf32, #tpu.memory_space<vmem>>) target(%dma_start3A_116 : memref<10240xf32, #tpu.memory_space<vmem_shared>>) offsets(%dma_start3A_114 : memref<128xi32, #tpu.memory_space<vmem>>) semaphore(%arg16 : memref<!tpu.dma_semaphore, #tpu.memory_space<semaphore_mem>>) {add = true}
    %dma_start3A_117 = arith.constant 1 : i32
    %dma_start3A_118 = arith.constant 0 : i32
    %dma_start3A_119 = tpu.memref_slice %arg7[%dma_start3A_117, %dma_start3A_118] : memref<162x128xi32, #tpu.memory_space<vmem>> -> memref<1x128xi32, #tpu.memory_space<vmem>>
    %dma_start3A_120 = tpu.memref_squeeze %dma_start3A_119 : memref<1x128xi32, #tpu.memory_space<vmem>> -> memref<128xi32, #tpu.memory_space<vmem>>
    %dma_start3A_121 = arith.constant 0 : i32
    %dma_start3A_122 = arith.constant 0 : i32
    %dma_start3A_123 = tpu.memref_slice %arg2[%dma_start3A_121, %dma_start3A_122] : memref<20000x64xf32, #tpu.memory_space<hbm>> -> memref<20000x64xf32, #tpu.memory_space<hbm>>
    tpu.enqueue_indirect_dma source(%dma_start3A_123 : memref<20000x64xf32, #tpu.memory_space<hbm>>) target(%arg10 : memref<128x64xf32, #tpu.memory_space<vmem>>) offsets(%dma_start3A_120 : memref<128xi32, #tpu.memory_space<vmem>>) semaphore(%arg15 : memref<!tpu.dma_semaphore, #tpu.memory_space<semaphore_mem>>)
    %dma_wait3A_124 = arith.constant 1 : i32
    %dma_wait3A_125 = arith.constant 0 : i32
    %dma_wait3A_126 = tpu.memref_slice %arg7[%dma_wait3A_124, %dma_wait3A_125] : memref<162x128xi32, #tpu.memory_space<vmem>> -> memref<1x128xi32, #tpu.memory_space<vmem>>
    %dma_wait3A_127 = tpu.memref_squeeze %dma_wait3A_126 : memref<1x128xi32, #tpu.memory_space<vmem>> -> memref<128xi32, #tpu.memory_space<vmem>>
    %dma_wait3A_128 = arith.constant 0 : i32
    %dma_wait3A_129 = arith.constant 0 : i32
    %dma_wait3A_130 = tpu.memref_slice %arg2[%dma_wait3A_128, %dma_wait3A_129] : memref<20000x64xf32, #tpu.memory_space<hbm>> -> memref<20000x64xf32, #tpu.memory_space<hbm>>
    tpu.wait_indirect_dma semaphore(%arg15 : memref<!tpu.dma_semaphore, #tpu.memory_space<semaphore_mem>>) src(%dma_wait3A_130 : memref<20000x64xf32, #tpu.memory_space<hbm>>) dst(%arg10 : memref<128x64xf32, #tpu.memory_space<vmem>>)
    %dma_start3A_131 = arith.constant 1 : i32
    %dma_start3A_132 = arith.constant 0 : i32
    %dma_start3A_133 = tpu.memref_slice %arg8[%dma_start3A_131, %dma_start3A_132] : memref<162x128xi32, #tpu.memory_space<vmem>> -> memref<1x128xi32, #tpu.memory_space<vmem>>
    %dma_start3A_134 = tpu.memref_squeeze %dma_start3A_133 : memref<1x128xi32, #tpu.memory_space<vmem>> -> memref<128xi32, #tpu.memory_space<vmem>>
    %dma_start3A_135 = arith.constant 0 : i32
    %dma_start3A_136 = arith.constant 0 : i32
    %dma_start3A_137 = tpu.memref_slice %arg12[%dma_start3A_135, %dma_start3A_136] : memref<10240x64xf32, #tpu.memory_space<vmem_shared>> -> memref<10240x64xf32, #tpu.memory_space<vmem_shared>>
    tpu.enqueue_indirect_dma source(%arg10 : memref<128x64xf32, #tpu.memory_space<vmem>>) target(%dma_start3A_137 : memref<10240x64xf32, #tpu.memory_space<vmem_shared>>) offsets(%dma_start3A_134 : memref<128xi32, #tpu.memory_space<vmem>>) semaphore(%arg17 : memref<!tpu.dma_semaphore, #tpu.memory_space<semaphore_mem>>) {add = true}
    %dma_start3A_138 = arith.constant 1 : i32
    %dma_start3A_139 = arith.constant 0 : i32
    %dma_start3A_140 = tpu.memref_slice %arg8[%dma_start3A_138, %dma_start3A_139] : memref<162x128xi32, #tpu.memory_space<vmem>> -> memref<1x128xi32, #tpu.memory_space<vmem>>
    %dma_start3A_141 = tpu.memref_squeeze %dma_start3A_140 : memref<1x128xi32, #tpu.memory_space<vmem>> -> memref<128xi32, #tpu.memory_space<vmem>>
    %dma_start3A_142 = arith.constant 0 : i32
    %dma_start3A_143 = tpu.memref_slice %arg13[%dma_start3A_142] : memref<10240xf32, #tpu.memory_space<vmem_shared>> -> memref<10240xf32, #tpu.memory_space<vmem_shared>>
    tpu.enqueue_indirect_dma source(%arg11 : memref<128xf32, #tpu.memory_space<vmem>>) target(%dma_start3A_143 : memref<10240xf32, #tpu.memory_space<vmem_shared>>) offsets(%dma_start3A_141 : memref<128xi32, #tpu.memory_space<vmem>>) semaphore(%arg17 : memref<!tpu.dma_semaphore, #tpu.memory_space<semaphore_mem>>) {add = true}
    %dma_wait3A_144 = arith.constant 0 : i32
    %dma_wait3A_145 = arith.constant 0 : i32
    %dma_wait3A_146 = tpu.memref_slice %arg8[%dma_wait3A_144, %dma_wait3A_145] : memref<162x128xi32, #tpu.memory_space<vmem>> -> memref<1x128xi32, #tpu.memory_space<vmem>>
    %dma_wait3A_147 = tpu.memref_squeeze %dma_wait3A_146 : memref<1x128xi32, #tpu.memory_space<vmem>> -> memref<128xi32, #tpu.memory_space<vmem>>
    %dma_wait3A_148 = arith.constant 0 : i32
    %dma_wait3A_149 = arith.constant 0 : i32
    %dma_wait3A_150 = tpu.memref_slice %arg12[%dma_wait3A_148, %dma_wait3A_149] : memref<10240x64xf32, #tpu.memory_space<vmem_shared>> -> memref<10240x64xf32, #tpu.memory_space<vmem_shared>>
    tpu.wait_indirect_dma semaphore(%arg16 : memref<!tpu.dma_semaphore, #tpu.memory_space<semaphore_mem>>) src(%arg9 : memref<128x64xf32, #tpu.memory_space<vmem>>) dst(%dma_wait3A_150 : memref<10240x64xf32, #tpu.memory_space<vmem_shared>>)
    %dma_wait3A_151 = arith.constant 0 : i32
    %dma_wait3A_152 = arith.constant 0 : i32
    %dma_wait3A_153 = tpu.memref_slice %arg8[%dma_wait3A_151, %dma_wait3A_152] : memref<162x128xi32, #tpu.memory_space<vmem>> -> memref<1x128xi32, #tpu.memory_space<vmem>>
    %dma_wait3A_154 = tpu.memref_squeeze %dma_wait3A_153 : memref<1x128xi32, #tpu.memory_space<vmem>> -> memref<128xi32, #tpu.memory_space<vmem>>
    %dma_wait3A_155 = arith.constant 0 : i32
    %dma_wait3A_156 = tpu.memref_slice %arg13[%dma_wait3A_155] : memref<10240xf32, #tpu.memory_space<vmem_shared>> -> memref<10240xf32, #tpu.memory_space<vmem_shared>>
    tpu.wait_indirect_dma semaphore(%arg16 : memref<!tpu.dma_semaphore, #tpu.memory_space<semaphore_mem>>) src(%arg11 : memref<128xf32, #tpu.memory_space<vmem>>) dst(%dma_wait3A_156 : memref<10240xf32, #tpu.memory_space<vmem_shared>>)
    %dma_start3A_157 = arith.constant 2 : i32
    %dma_start3A_158 = arith.constant 0 : i32
    %dma_start3A_159 = tpu.memref_slice %arg7[%dma_start3A_157, %dma_start3A_158] : memref<162x128xi32, #tpu.memory_space<vmem>> -> memref<1x128xi32, #tpu.memory_space<vmem>>
    %dma_start3A_160 = tpu.memref_squeeze %dma_start3A_159 : memref<1x128xi32, #tpu.memory_space<vmem>> -> memref<128xi32, #tpu.memory_space<vmem>>
    %dma_start3A_161 = arith.constant 0 : i32
    %dma_start3A_162 = arith.constant 0 : i32
    %dma_start3A_163 = tpu.memref_slice %arg2[%dma_start3A_161, %dma_start3A_162] : memref<20000x64xf32, #tpu.memory_space<hbm>> -> memref<20000x64xf32, #tpu.memory_space<hbm>>
    tpu.enqueue_indirect_dma source(%dma_start3A_163 : memref<20000x64xf32, #tpu.memory_space<hbm>>) target(%arg9 : memref<128x64xf32, #tpu.memory_space<vmem>>) offsets(%dma_start3A_160 : memref<128xi32, #tpu.memory_space<vmem>>) semaphore(%arg14 : memref<!tpu.dma_semaphore, #tpu.memory_space<semaphore_mem>>)
    %scan3A_164 = arith.constant 0 : i32
    %scan3A_165 = arith.constant 1 : i32
    %scan3A_166 = arith.constant 79 : i32
    %scan3A_167 = arith.addi %scan3A_165, %scan3A_166 : i32
    %scan3A_168 = arith.constant 1 : i32
    scf.for %scan3A_257 = %scan3A_165 to %scan3A_167 step %scan3A_168  : i32 {
      %mul3A_258 = arith.constant 2 : i32
      %mul3A_259 = arith.muli %mul3A_258, %scan3A_257 : i32
      %dma_wait3A_260 = arith.constant 0 : i32
      %dma_wait3A_261 = tpu.memref_slice %arg7[%mul3A_259, %dma_wait3A_260] : memref<162x128xi32, #tpu.memory_space<vmem>> -> memref<1x128xi32, #tpu.memory_space<vmem>>
      %dma_wait3A_262 = tpu.memref_squeeze %dma_wait3A_261 : memref<1x128xi32, #tpu.memory_space<vmem>> -> memref<128xi32, #tpu.memory_space<vmem>>
      %dma_wait3A_263 = arith.constant 0 : i32
      %dma_wait3A_264 = arith.constant 0 : i32
      %dma_wait3A_265 = tpu.memref_slice %arg2[%dma_wait3A_263, %dma_wait3A_264] : memref<20000x64xf32, #tpu.memory_space<hbm>> -> memref<20000x64xf32, #tpu.memory_space<hbm>>
      tpu.wait_indirect_dma semaphore(%arg14 : memref<!tpu.dma_semaphore, #tpu.memory_space<semaphore_mem>>) src(%dma_wait3A_265 : memref<20000x64xf32, #tpu.memory_space<hbm>>) dst(%arg9 : memref<128x64xf32, #tpu.memory_space<vmem>>)
      %dma_start3A_266 = arith.constant 0 : i32
      %dma_start3A_267 = tpu.memref_slice %arg8[%mul3A_259, %dma_start3A_266] : memref<162x128xi32, #tpu.memory_space<vmem>> -> memref<1x128xi32, #tpu.memory_space<vmem>>
      %dma_start3A_268 = tpu.memref_squeeze %dma_start3A_267 : memref<1x128xi32, #tpu.memory_space<vmem>> -> memref<128xi32, #tpu.memory_space<vmem>>
      %dma_start3A_269 = arith.constant 0 : i32
      %dma_start3A_270 = arith.constant 0 : i32
      %dma_start3A_271 = tpu.memref_slice %arg12[%dma_start3A_269, %dma_start3A_270] : memref<10240x64xf32, #tpu.memory_space<vmem_shared>> -> memref<10240x64xf32, #tpu.memory_space<vmem_shared>>
      tpu.enqueue_indirect_dma source(%arg9 : memref<128x64xf32, #tpu.memory_space<vmem>>) target(%dma_start3A_271 : memref<10240x64xf32, #tpu.memory_space<vmem_shared>>) offsets(%dma_start3A_268 : memref<128xi32, #tpu.memory_space<vmem>>) semaphore(%arg16 : memref<!tpu.dma_semaphore, #tpu.memory_space<semaphore_mem>>) {add = true}
      %dma_start3A_272 = arith.constant 0 : i32
      %dma_start3A_273 = tpu.memref_slice %arg8[%mul3A_259, %dma_start3A_272] : memref<162x128xi32, #tpu.memory_space<vmem>> -> memref<1x128xi32, #tpu.memory_space<vmem>>
      %dma_start3A_274 = tpu.memref_squeeze %dma_start3A_273 : memref<1x128xi32, #tpu.memory_space<vmem>> -> memref<128xi32, #tpu.memory_space<vmem>>
      %dma_start3A_275 = arith.constant 0 : i32
      %dma_start3A_276 = tpu.memref_slice %arg13[%dma_start3A_275] : memref<10240xf32, #tpu.memory_space<vmem_shared>> -> memref<10240xf32, #tpu.memory_space<vmem_shared>>
      tpu.enqueue_indirect_dma source(%arg11 : memref<128xf32, #tpu.memory_space<vmem>>) target(%dma_start3A_276 : memref<10240xf32, #tpu.memory_space<vmem_shared>>) offsets(%dma_start3A_274 : memref<128xi32, #tpu.memory_space<vmem>>) semaphore(%arg16 : memref<!tpu.dma_semaphore, #tpu.memory_space<semaphore_mem>>) {add = true}
      %sub3A = arith.constant 1 : i32
      %sub3A_277 = arith.subi %mul3A_259, %sub3A : i32
      %dma_wait3A_278 = arith.constant 0 : i32
      %dma_wait3A_279 = tpu.memref_slice %arg8[%sub3A_277, %dma_wait3A_278] : memref<162x128xi32, #tpu.memory_space<vmem>> -> memref<1x128xi32, #tpu.memory_space<vmem>>
      %dma_wait3A_280 = tpu.memref_squeeze %dma_wait3A_279 : memref<1x128xi32, #tpu.memory_space<vmem>> -> memref<128xi32, #tpu.memory_space<vmem>>
      %dma_wait3A_281 = arith.constant 0 : i32
      %dma_wait3A_282 = arith.constant 0 : i32
      %dma_wait3A_283 = tpu.memref_slice %arg12[%dma_wait3A_281, %dma_wait3A_282] : memref<10240x64xf32, #tpu.memory_space<vmem_shared>> -> memref<10240x64xf32, #tpu.memory_space<vmem_shared>>
      tpu.wait_indirect_dma semaphore(%arg17 : memref<!tpu.dma_semaphore, #tpu.memory_space<semaphore_mem>>) src(%arg10 : memref<128x64xf32, #tpu.memory_space<vmem>>) dst(%dma_wait3A_283 : memref<10240x64xf32, #tpu.memory_space<vmem_shared>>)
      %dma_wait3A_284 = arith.constant 0 : i32
      %dma_wait3A_285 = tpu.memref_slice %arg8[%sub3A_277, %dma_wait3A_284] : memref<162x128xi32, #tpu.memory_space<vmem>> -> memref<1x128xi32, #tpu.memory_space<vmem>>
      %dma_wait3A_286 = tpu.memref_squeeze %dma_wait3A_285 : memref<1x128xi32, #tpu.memory_space<vmem>> -> memref<128xi32, #tpu.memory_space<vmem>>
      %dma_wait3A_287 = arith.constant 0 : i32
      %dma_wait3A_288 = tpu.memref_slice %arg13[%dma_wait3A_287] : memref<10240xf32, #tpu.memory_space<vmem_shared>> -> memref<10240xf32, #tpu.memory_space<vmem_shared>>
      tpu.wait_indirect_dma semaphore(%arg17 : memref<!tpu.dma_semaphore, #tpu.memory_space<semaphore_mem>>) src(%arg11 : memref<128xf32, #tpu.memory_space<vmem>>) dst(%dma_wait3A_288 : memref<10240xf32, #tpu.memory_space<vmem_shared>>)
      %add3A_289 = arith.constant 1 : i32
      %add3A_290 = arith.addi %mul3A_259, %add3A_289 : i32
      %dma_start3A_291 = arith.constant 0 : i32
      %dma_start3A_292 = tpu.memref_slice %arg7[%add3A_290, %dma_start3A_291] : memref<162x128xi32, #tpu.memory_space<vmem>> -> memref<1x128xi32, #tpu.memory_space<vmem>>
      %dma_start3A_293 = tpu.memref_squeeze %dma_start3A_292 : memref<1x128xi32, #tpu.memory_space<vmem>> -> memref<128xi32, #tpu.memory_space<vmem>>
      %dma_start3A_294 = arith.constant 0 : i32
      %dma_start3A_295 = arith.constant 0 : i32
      %dma_start3A_296 = tpu.memref_slice %arg2[%dma_start3A_294, %dma_start3A_295] : memref<20000x64xf32, #tpu.memory_space<hbm>> -> memref<20000x64xf32, #tpu.memory_space<hbm>>
      tpu.enqueue_indirect_dma source(%dma_start3A_296 : memref<20000x64xf32, #tpu.memory_space<hbm>>) target(%arg10 : memref<128x64xf32, #tpu.memory_space<vmem>>) offsets(%dma_start3A_293 : memref<128xi32, #tpu.memory_space<vmem>>) semaphore(%arg15 : memref<!tpu.dma_semaphore, #tpu.memory_space<semaphore_mem>>)
      %mul3A_297 = arith.constant 2 : i32
      %mul3A_298 = arith.muli %mul3A_297, %scan3A_257 : i32
      %add3A_299 = arith.constant 1 : i32
      %add3A_300 = arith.addi %mul3A_298, %add3A_299 : i32
      %dma_wait3A_301 = arith.constant 0 : i32
      %dma_wait3A_302 = tpu.memref_slice %arg7[%add3A_300, %dma_wait3A_301] : memref<162x128xi32, #tpu.memory_space<vmem>> -> memref<1x128xi32, #tpu.memory_space<vmem>>
      %dma_wait3A_303 = tpu.memref_squeeze %dma_wait3A_302 : memref<1x128xi32, #tpu.memory_space<vmem>> -> memref<128xi32, #tpu.memory_space<vmem>>
      %dma_wait3A_304 = arith.constant 0 : i32
      %dma_wait3A_305 = arith.constant 0 : i32
      %dma_wait3A_306 = tpu.memref_slice %arg2[%dma_wait3A_304, %dma_wait3A_305] : memref<20000x64xf32, #tpu.memory_space<hbm>> -> memref<20000x64xf32, #tpu.memory_space<hbm>>
      tpu.wait_indirect_dma semaphore(%arg15 : memref<!tpu.dma_semaphore, #tpu.memory_space<semaphore_mem>>) src(%dma_wait3A_306 : memref<20000x64xf32, #tpu.memory_space<hbm>>) dst(%arg10 : memref<128x64xf32, #tpu.memory_space<vmem>>)
      %dma_start3A_307 = arith.constant 0 : i32
      %dma_start3A_308 = tpu.memref_slice %arg8[%add3A_300, %dma_start3A_307] : memref<162x128xi32, #tpu.memory_space<vmem>> -> memref<1x128xi32, #tpu.memory_space<vmem>>
      %dma_start3A_309 = tpu.memref_squeeze %dma_start3A_308 : memref<1x128xi32, #tpu.memory_space<vmem>> -> memref<128xi32, #tpu.memory_space<vmem>>
      %dma_start3A_310 = arith.constant 0 : i32
      %dma_start3A_311 = arith.constant 0 : i32
      %dma_start3A_312 = tpu.memref_slice %arg12[%dma_start3A_310, %dma_start3A_311] : memref<10240x64xf32, #tpu.memory_space<vmem_shared>> -> memref<10240x64xf32, #tpu.memory_space<vmem_shared>>
      tpu.enqueue_indirect_dma source(%arg10 : memref<128x64xf32, #tpu.memory_space<vmem>>) target(%dma_start3A_312 : memref<10240x64xf32, #tpu.memory_space<vmem_shared>>) offsets(%dma_start3A_309 : memref<128xi32, #tpu.memory_space<vmem>>) semaphore(%arg17 : memref<!tpu.dma_semaphore, #tpu.memory_space<semaphore_mem>>) {add = true}
      %dma_start3A_313 = arith.constant 0 : i32
      %dma_start3A_314 = tpu.memref_slice %arg8[%add3A_300, %dma_start3A_313] : memref<162x128xi32, #tpu.memory_space<vmem>> -> memref<1x128xi32, #tpu.memory_space<vmem>>
      %dma_start3A_315 = tpu.memref_squeeze %dma_start3A_314 : memref<1x128xi32, #tpu.memory_space<vmem>> -> memref<128xi32, #tpu.memory_space<vmem>>
      %dma_start3A_316 = arith.constant 0 : i32
      %dma_start3A_317 = tpu.memref_slice %arg13[%dma_start3A_316] : memref<10240xf32, #tpu.memory_space<vmem_shared>> -> memref<10240xf32, #tpu.memory_space<vmem_shared>>
      tpu.enqueue_indirect_dma source(%arg11 : memref<128xf32, #tpu.memory_space<vmem>>) target(%dma_start3A_317 : memref<10240xf32, #tpu.memory_space<vmem_shared>>) offsets(%dma_start3A_315 : memref<128xi32, #tpu.memory_space<vmem>>) semaphore(%arg17 : memref<!tpu.dma_semaphore, #tpu.memory_space<semaphore_mem>>) {add = true}
      %sub3A_318 = arith.constant 1 : i32
      %sub3A_319 = arith.subi %add3A_300, %sub3A_318 : i32
      %dma_wait3A_320 = arith.constant 0 : i32
      %dma_wait3A_321 = tpu.memref_slice %arg8[%sub3A_319, %dma_wait3A_320] : memref<162x128xi32, #tpu.memory_space<vmem>> -> memref<1x128xi32, #tpu.memory_space<vmem>>
      %dma_wait3A_322 = tpu.memref_squeeze %dma_wait3A_321 : memref<1x128xi32, #tpu.memory_space<vmem>> -> memref<128xi32, #tpu.memory_space<vmem>>
      %dma_wait3A_323 = arith.constant 0 : i32
      %dma_wait3A_324 = arith.constant 0 : i32
      %dma_wait3A_325 = tpu.memref_slice %arg12[%dma_wait3A_323, %dma_wait3A_324] : memref<10240x64xf32, #tpu.memory_space<vmem_shared>> -> memref<10240x64xf32, #tpu.memory_space<vmem_shared>>
      tpu.wait_indirect_dma semaphore(%arg16 : memref<!tpu.dma_semaphore, #tpu.memory_space<semaphore_mem>>) src(%arg9 : memref<128x64xf32, #tpu.memory_space<vmem>>) dst(%dma_wait3A_325 : memref<10240x64xf32, #tpu.memory_space<vmem_shared>>)
      %dma_wait3A_326 = arith.constant 0 : i32
      %dma_wait3A_327 = tpu.memref_slice %arg8[%sub3A_319, %dma_wait3A_326] : memref<162x128xi32, #tpu.memory_space<vmem>> -> memref<1x128xi32, #tpu.memory_space<vmem>>
      %dma_wait3A_328 = tpu.memref_squeeze %dma_wait3A_327 : memref<1x128xi32, #tpu.memory_space<vmem>> -> memref<128xi32, #tpu.memory_space<vmem>>
      %dma_wait3A_329 = arith.constant 0 : i32
      %dma_wait3A_330 = tpu.memref_slice %arg13[%dma_wait3A_329] : memref<10240xf32, #tpu.memory_space<vmem_shared>> -> memref<10240xf32, #tpu.memory_space<vmem_shared>>
      tpu.wait_indirect_dma semaphore(%arg16 : memref<!tpu.dma_semaphore, #tpu.memory_space<semaphore_mem>>) src(%arg11 : memref<128xf32, #tpu.memory_space<vmem>>) dst(%dma_wait3A_330 : memref<10240xf32, #tpu.memory_space<vmem_shared>>)
      %add3A_331 = arith.constant 1 : i32
      %add3A_332 = arith.addi %add3A_300, %add3A_331 : i32
      %dma_start3A_333 = arith.constant 0 : i32
      %dma_start3A_334 = tpu.memref_slice %arg7[%add3A_332, %dma_start3A_333] : memref<162x128xi32, #tpu.memory_space<vmem>> -> memref<1x128xi32, #tpu.memory_space<vmem>>
      %dma_start3A_335 = tpu.memref_squeeze %dma_start3A_334 : memref<1x128xi32, #tpu.memory_space<vmem>> -> memref<128xi32, #tpu.memory_space<vmem>>
      %dma_start3A_336 = arith.constant 0 : i32
      %dma_start3A_337 = arith.constant 0 : i32
      %dma_start3A_338 = tpu.memref_slice %arg2[%dma_start3A_336, %dma_start3A_337] : memref<20000x64xf32, #tpu.memory_space<hbm>> -> memref<20000x64xf32, #tpu.memory_space<hbm>>
      tpu.enqueue_indirect_dma source(%dma_start3A_338 : memref<20000x64xf32, #tpu.memory_space<hbm>>) target(%arg9 : memref<128x64xf32, #tpu.memory_space<vmem>>) offsets(%dma_start3A_335 : memref<128xi32, #tpu.memory_space<vmem>>) semaphore(%arg14 : memref<!tpu.dma_semaphore, #tpu.memory_space<semaphore_mem>>)
    }
    %scan3A_169 = arith.constant 79 : i32
    %dma_wait3A_170 = arith.constant 160 : i32
    %dma_wait3A_171 = arith.constant 0 : i32
    %dma_wait3A_172 = tpu.memref_slice %arg7[%dma_wait3A_170, %dma_wait3A_171] : memref<162x128xi32, #tpu.memory_space<vmem>> -> memref<1x128xi32, #tpu.memory_space<vmem>>
    %dma_wait3A_173 = tpu.memref_squeeze %dma_wait3A_172 : memref<1x128xi32, #tpu.memory_space<vmem>> -> memref<128xi32, #tpu.memory_space<vmem>>
    %dma_wait3A_174 = arith.constant 0 : i32
    %dma_wait3A_175 = arith.constant 0 : i32
    %dma_wait3A_176 = tpu.memref_slice %arg2[%dma_wait3A_174, %dma_wait3A_175] : memref<20000x64xf32, #tpu.memory_space<hbm>> -> memref<20000x64xf32, #tpu.memory_space<hbm>>
    tpu.wait_indirect_dma semaphore(%arg14 : memref<!tpu.dma_semaphore, #tpu.memory_space<semaphore_mem>>) src(%dma_wait3A_176 : memref<20000x64xf32, #tpu.memory_space<hbm>>) dst(%arg9 : memref<128x64xf32, #tpu.memory_space<vmem>>)
    %dma_start3A_177 = arith.constant 160 : i32
    %dma_start3A_178 = arith.constant 0 : i32
    %dma_start3A_179 = tpu.memref_slice %arg8[%dma_start3A_177, %dma_start3A_178] : memref<162x128xi32, #tpu.memory_space<vmem>> -> memref<1x128xi32, #tpu.memory_space<vmem>>
    %dma_start3A_180 = tpu.memref_squeeze %dma_start3A_179 : memref<1x128xi32, #tpu.memory_space<vmem>> -> memref<128xi32, #tpu.memory_space<vmem>>
    %dma_start3A_181 = arith.constant 0 : i32
    %dma_start3A_182 = arith.constant 0 : i32
    %dma_start3A_183 = tpu.memref_slice %arg12[%dma_start3A_181, %dma_start3A_182] : memref<10240x64xf32, #tpu.memory_space<vmem_shared>> -> memref<10240x64xf32, #tpu.memory_space<vmem_shared>>
    tpu.enqueue_indirect_dma source(%arg9 : memref<128x64xf32, #tpu.memory_space<vmem>>) target(%dma_start3A_183 : memref<10240x64xf32, #tpu.memory_space<vmem_shared>>) offsets(%dma_start3A_180 : memref<128xi32, #tpu.memory_space<vmem>>) semaphore(%arg16 : memref<!tpu.dma_semaphore, #tpu.memory_space<semaphore_mem>>) {add = true}
    %dma_start3A_184 = arith.constant 160 : i32
    %dma_start3A_185 = arith.constant 0 : i32
    %dma_start3A_186 = tpu.memref_slice %arg8[%dma_start3A_184, %dma_start3A_185] : memref<162x128xi32, #tpu.memory_space<vmem>> -> memref<1x128xi32, #tpu.memory_space<vmem>>
    %dma_start3A_187 = tpu.memref_squeeze %dma_start3A_186 : memref<1x128xi32, #tpu.memory_space<vmem>> -> memref<128xi32, #tpu.memory_space<vmem>>
    %dma_start3A_188 = arith.constant 0 : i32
    %dma_start3A_189 = tpu.memref_slice %arg13[%dma_start3A_188] : memref<10240xf32, #tpu.memory_space<vmem_shared>> -> memref<10240xf32, #tpu.memory_space<vmem_shared>>
    tpu.enqueue_indirect_dma source(%arg11 : memref<128xf32, #tpu.memory_space<vmem>>) target(%dma_start3A_189 : memref<10240xf32, #tpu.memory_space<vmem_shared>>) offsets(%dma_start3A_187 : memref<128xi32, #tpu.memory_space<vmem>>) semaphore(%arg16 : memref<!tpu.dma_semaphore, #tpu.memory_space<semaphore_mem>>) {add = true}
    %dma_wait3A_190 = arith.constant 159 : i32
    %dma_wait3A_191 = arith.constant 0 : i32
    %dma_wait3A_192 = tpu.memref_slice %arg8[%dma_wait3A_190, %dma_wait3A_191] : memref<162x128xi32, #tpu.memory_space<vmem>> -> memref<1x128xi32, #tpu.memory_space<vmem>>
    %dma_wait3A_193 = tpu.memref_squeeze %dma_wait3A_192 : memref<1x128xi32, #tpu.memory_space<vmem>> -> memref<128xi32, #tpu.memory_space<vmem>>
    %dma_wait3A_194 = arith.constant 0 : i32
    %dma_wait3A_195 = arith.constant 0 : i32
    %dma_wait3A_196 = tpu.memref_slice %arg12[%dma_wait3A_194, %dma_wait3A_195] : memref<10240x64xf32, #tpu.memory_space<vmem_shared>> -> memref<10240x64xf32, #tpu.memory_space<vmem_shared>>
    tpu.wait_indirect_dma semaphore(%arg17 : memref<!tpu.dma_semaphore, #tpu.memory_space<semaphore_mem>>) src(%arg10 : memref<128x64xf32, #tpu.memory_space<vmem>>) dst(%dma_wait3A_196 : memref<10240x64xf32, #tpu.memory_space<vmem_shared>>)
    %dma_wait3A_197 = arith.constant 159 : i32
    %dma_wait3A_198 = arith.constant 0 : i32
    %dma_wait3A_199 = tpu.memref_slice %arg8[%dma_wait3A_197, %dma_wait3A_198] : memref<162x128xi32, #tpu.memory_space<vmem>> -> memref<1x128xi32, #tpu.memory_space<vmem>>
    %dma_wait3A_200 = tpu.memref_squeeze %dma_wait3A_199 : memref<1x128xi32, #tpu.memory_space<vmem>> -> memref<128xi32, #tpu.memory_space<vmem>>
    %dma_wait3A_201 = arith.constant 0 : i32
    %dma_wait3A_202 = tpu.memref_slice %arg13[%dma_wait3A_201] : memref<10240xf32, #tpu.memory_space<vmem_shared>> -> memref<10240xf32, #tpu.memory_space<vmem_shared>>
    tpu.wait_indirect_dma semaphore(%arg17 : memref<!tpu.dma_semaphore, #tpu.memory_space<semaphore_mem>>) src(%arg11 : memref<128xf32, #tpu.memory_space<vmem>>) dst(%dma_wait3A_202 : memref<10240xf32, #tpu.memory_space<vmem_shared>>)
    %dma_start3A_203 = arith.constant 161 : i32
    %dma_start3A_204 = arith.constant 0 : i32
    %dma_start3A_205 = tpu.memref_slice %arg7[%dma_start3A_203, %dma_start3A_204] : memref<162x128xi32, #tpu.memory_space<vmem>> -> memref<1x128xi32, #tpu.memory_space<vmem>>
    %dma_start3A_206 = tpu.memref_squeeze %dma_start3A_205 : memref<1x128xi32, #tpu.memory_space<vmem>> -> memref<128xi32, #tpu.memory_space<vmem>>
    %dma_start3A_207 = arith.constant 0 : i32
    %dma_start3A_208 = arith.constant 0 : i32
    %dma_start3A_209 = tpu.memref_slice %arg2[%dma_start3A_207, %dma_start3A_208] : memref<20000x64xf32, #tpu.memory_space<hbm>> -> memref<20000x64xf32, #tpu.memory_space<hbm>>
    tpu.enqueue_indirect_dma source(%dma_start3A_209 : memref<20000x64xf32, #tpu.memory_space<hbm>>) target(%arg10 : memref<128x64xf32, #tpu.memory_space<vmem>>) offsets(%dma_start3A_206 : memref<128xi32, #tpu.memory_space<vmem>>) semaphore(%arg15 : memref<!tpu.dma_semaphore, #tpu.memory_space<semaphore_mem>>)
    %dma_wait3A_210 = arith.constant 161 : i32
    %dma_wait3A_211 = arith.constant 0 : i32
    %dma_wait3A_212 = tpu.memref_slice %arg7[%dma_wait3A_210, %dma_wait3A_211] : memref<162x128xi32, #tpu.memory_space<vmem>> -> memref<1x128xi32, #tpu.memory_space<vmem>>
    %dma_wait3A_213 = tpu.memref_squeeze %dma_wait3A_212 : memref<1x128xi32, #tpu.memory_space<vmem>> -> memref<128xi32, #tpu.memory_space<vmem>>
    %dma_wait3A_214 = arith.constant 0 : i32
    %dma_wait3A_215 = arith.constant 0 : i32
    %dma_wait3A_216 = tpu.memref_slice %arg2[%dma_wait3A_214, %dma_wait3A_215] : memref<20000x64xf32, #tpu.memory_space<hbm>> -> memref<20000x64xf32, #tpu.memory_space<hbm>>
    tpu.wait_indirect_dma semaphore(%arg15 : memref<!tpu.dma_semaphore, #tpu.memory_space<semaphore_mem>>) src(%dma_wait3A_216 : memref<20000x64xf32, #tpu.memory_space<hbm>>) dst(%arg10 : memref<128x64xf32, #tpu.memory_space<vmem>>)
    %dma_start3A_217 = arith.constant 161 : i32
    %dma_start3A_218 = arith.constant 0 : i32
    %dma_start3A_219 = tpu.memref_slice %arg8[%dma_start3A_217, %dma_start3A_218] : memref<162x128xi32, #tpu.memory_space<vmem>> -> memref<1x128xi32, #tpu.memory_space<vmem>>
    %dma_start3A_220 = tpu.memref_squeeze %dma_start3A_219 : memref<1x128xi32, #tpu.memory_space<vmem>> -> memref<128xi32, #tpu.memory_space<vmem>>
    %dma_start3A_221 = arith.constant 0 : i32
    %dma_start3A_222 = arith.constant 0 : i32
    %dma_start3A_223 = tpu.memref_slice %arg12[%dma_start3A_221, %dma_start3A_222] : memref<10240x64xf32, #tpu.memory_space<vmem_shared>> -> memref<10240x64xf32, #tpu.memory_space<vmem_shared>>
    tpu.enqueue_indirect_dma source(%arg10 : memref<128x64xf32, #tpu.memory_space<vmem>>) target(%dma_start3A_223 : memref<10240x64xf32, #tpu.memory_space<vmem_shared>>) offsets(%dma_start3A_220 : memref<128xi32, #tpu.memory_space<vmem>>) semaphore(%arg17 : memref<!tpu.dma_semaphore, #tpu.memory_space<semaphore_mem>>) {add = true}
    %dma_start3A_224 = arith.constant 161 : i32
    %dma_start3A_225 = arith.constant 0 : i32
    %dma_start3A_226 = tpu.memref_slice %arg8[%dma_start3A_224, %dma_start3A_225] : memref<162x128xi32, #tpu.memory_space<vmem>> -> memref<1x128xi32, #tpu.memory_space<vmem>>
    %dma_start3A_227 = tpu.memref_squeeze %dma_start3A_226 : memref<1x128xi32, #tpu.memory_space<vmem>> -> memref<128xi32, #tpu.memory_space<vmem>>
    %dma_start3A_228 = arith.constant 0 : i32
    %dma_start3A_229 = tpu.memref_slice %arg13[%dma_start3A_228] : memref<10240xf32, #tpu.memory_space<vmem_shared>> -> memref<10240xf32, #tpu.memory_space<vmem_shared>>
    tpu.enqueue_indirect_dma source(%arg11 : memref<128xf32, #tpu.memory_space<vmem>>) target(%dma_start3A_229 : memref<10240xf32, #tpu.memory_space<vmem_shared>>) offsets(%dma_start3A_227 : memref<128xi32, #tpu.memory_space<vmem>>) semaphore(%arg17 : memref<!tpu.dma_semaphore, #tpu.memory_space<semaphore_mem>>) {add = true}
    %dma_wait3A_230 = arith.constant 160 : i32
    %dma_wait3A_231 = arith.constant 0 : i32
    %dma_wait3A_232 = tpu.memref_slice %arg8[%dma_wait3A_230, %dma_wait3A_231] : memref<162x128xi32, #tpu.memory_space<vmem>> -> memref<1x128xi32, #tpu.memory_space<vmem>>
    %dma_wait3A_233 = tpu.memref_squeeze %dma_wait3A_232 : memref<1x128xi32, #tpu.memory_space<vmem>> -> memref<128xi32, #tpu.memory_space<vmem>>
    %dma_wait3A_234 = arith.constant 0 : i32
    %dma_wait3A_235 = arith.constant 0 : i32
    %dma_wait3A_236 = tpu.memref_slice %arg12[%dma_wait3A_234, %dma_wait3A_235] : memref<10240x64xf32, #tpu.memory_space<vmem_shared>> -> memref<10240x64xf32, #tpu.memory_space<vmem_shared>>
    tpu.wait_indirect_dma semaphore(%arg16 : memref<!tpu.dma_semaphore, #tpu.memory_space<semaphore_mem>>) src(%arg9 : memref<128x64xf32, #tpu.memory_space<vmem>>) dst(%dma_wait3A_236 : memref<10240x64xf32, #tpu.memory_space<vmem_shared>>)
    %dma_wait3A_237 = arith.constant 160 : i32
    %dma_wait3A_238 = arith.constant 0 : i32
    %dma_wait3A_239 = tpu.memref_slice %arg8[%dma_wait3A_237, %dma_wait3A_238] : memref<162x128xi32, #tpu.memory_space<vmem>> -> memref<1x128xi32, #tpu.memory_space<vmem>>
    %dma_wait3A_240 = tpu.memref_squeeze %dma_wait3A_239 : memref<1x128xi32, #tpu.memory_space<vmem>> -> memref<128xi32, #tpu.memory_space<vmem>>
    %dma_wait3A_241 = arith.constant 0 : i32
    %dma_wait3A_242 = tpu.memref_slice %arg13[%dma_wait3A_241] : memref<10240xf32, #tpu.memory_space<vmem_shared>> -> memref<10240xf32, #tpu.memory_space<vmem_shared>>
    tpu.wait_indirect_dma semaphore(%arg16 : memref<!tpu.dma_semaphore, #tpu.memory_space<semaphore_mem>>) src(%arg11 : memref<128xf32, #tpu.memory_space<vmem>>) dst(%dma_wait3A_242 : memref<10240xf32, #tpu.memory_space<vmem_shared>>)
    %dma_wait3A_243 = arith.constant 161 : i32
    %dma_wait3A_244 = arith.constant 0 : i32
    %dma_wait3A_245 = tpu.memref_slice %arg8[%dma_wait3A_243, %dma_wait3A_244] : memref<162x128xi32, #tpu.memory_space<vmem>> -> memref<1x128xi32, #tpu.memory_space<vmem>>
    %dma_wait3A_246 = tpu.memref_squeeze %dma_wait3A_245 : memref<1x128xi32, #tpu.memory_space<vmem>> -> memref<128xi32, #tpu.memory_space<vmem>>
    %dma_wait3A_247 = arith.constant 0 : i32
    %dma_wait3A_248 = arith.constant 0 : i32
    %dma_wait3A_249 = tpu.memref_slice %arg12[%dma_wait3A_247, %dma_wait3A_248] : memref<10240x64xf32, #tpu.memory_space<vmem_shared>> -> memref<10240x64xf32, #tpu.memory_space<vmem_shared>>
    tpu.wait_indirect_dma semaphore(%arg17 : memref<!tpu.dma_semaphore, #tpu.memory_space<semaphore_mem>>) src(%arg10 : memref<128x64xf32, #tpu.memory_space<vmem>>) dst(%dma_wait3A_249 : memref<10240x64xf32, #tpu.memory_space<vmem_shared>>)
    %dma_wait3A_250 = arith.constant 161 : i32
    %dma_wait3A_251 = arith.constant 0 : i32
    %dma_wait3A_252 = tpu.memref_slice %arg8[%dma_wait3A_250, %dma_wait3A_251] : memref<162x128xi32, #tpu.memory_space<vmem>> -> memref<1x128xi32, #tpu.memory_space<vmem>>
    %dma_wait3A_253 = tpu.memref_squeeze %dma_wait3A_252 : memref<1x128xi32, #tpu.memory_space<vmem>> -> memref<128xi32, #tpu.memory_space<vmem>>
    %dma_wait3A_254 = arith.constant 0 : i32
    %dma_wait3A_255 = tpu.memref_slice %arg13[%dma_wait3A_254] : memref<10240xf32, #tpu.memory_space<vmem_shared>> -> memref<10240xf32, #tpu.memory_space<vmem_shared>>
    tpu.wait_indirect_dma semaphore(%arg17 : memref<!tpu.dma_semaphore, #tpu.memory_space<semaphore_mem>>) src(%arg11 : memref<128xf32, #tpu.memory_space<vmem>>) dst(%dma_wait3A_255 : memref<10240xf32, #tpu.memory_space<vmem_shared>>)
    %barrier3A_256 = arith.constant 0 : index
    tpu.barrier barrier_id(%barrier3A_256)
    "tpu.region"() ({
      %run_scoped3A_257 = tpu.sem_alloc : memref<!tpu.dma_semaphore, #tpu.memory_space<semaphore_mem>>
      %dma_start3A_258 = arith.constant 0 : i32
      %dma_start3A_259 = tpu.memref_slice %arg5[%arg0, %mul3A_0, %dma_start3A_258] : memref<2x10240x64xf32, #tpu.memory_space<hbm>> -> memref<1x640x64xf32, #tpu.memory_space<hbm>>
      %dma_start3A_260 = tpu.memref_squeeze %dma_start3A_259 : memref<1x640x64xf32, #tpu.memory_space<hbm>> -> memref<640x64xf32, #tpu.memory_space<hbm>>
      %dma_start3A_261 = arith.constant 0 : i32
      %dma_start3A_262 = tpu.memref_slice %arg12[%mul3A_0, %dma_start3A_261] : memref<10240x64xf32, #tpu.memory_space<vmem_shared>> -> memref<640x64xf32, #tpu.memory_space<vmem_shared>>
      tpu.enqueue_dma source(%dma_start3A_262 : memref<640x64xf32, #tpu.memory_space<vmem_shared>>) target(%dma_start3A_260 : memref<640x64xf32, #tpu.memory_space<hbm>>) target_semaphore(%run_scoped3A_257 : memref<!tpu.dma_semaphore, #tpu.memory_space<semaphore_mem>>)
      %dma_wait3A_263 = arith.constant 0 : i32
      %dma_wait3A_264 = tpu.memref_slice %arg5[%arg0, %mul3A_0, %dma_wait3A_263] : memref<2x10240x64xf32, #tpu.memory_space<hbm>> -> memref<1x640x64xf32, #tpu.memory_space<hbm>>
      %dma_wait3A_265 = tpu.memref_squeeze %dma_wait3A_264 : memref<1x640x64xf32, #tpu.memory_space<hbm>> -> memref<640x64xf32, #tpu.memory_space<hbm>>
      %dma_wait3A_266 = arith.constant 0 : i32
      %dma_wait3A_267 = tpu.memref_slice %arg12[%mul3A_0, %dma_wait3A_266] : memref<10240x64xf32, #tpu.memory_space<vmem_shared>> -> memref<640x64xf32, #tpu.memory_space<vmem_shared>>
      tpu.wait_dma2 semaphore(%run_scoped3A_257 : memref<!tpu.dma_semaphore, #tpu.memory_space<semaphore_mem>>) src(%dma_wait3A_267 : memref<640x64xf32, #tpu.memory_space<vmem_shared>>) dst(%dma_wait3A_265 : memref<640x64xf32, #tpu.memory_space<hbm>>)
      tpu.yield
    }) : () -> ()
    "tpu.region"() ({
      %run_scoped3A_257 = tpu.sem_alloc : memref<!tpu.dma_semaphore, #tpu.memory_space<semaphore_mem>>
      %dma_start3A_258 = tpu.memref_slice %arg6[%arg0, %mul3A_0] : memref<2x10240xf32, #tpu.memory_space<hbm>> -> memref<1x640xf32, #tpu.memory_space<hbm>>
      %dma_start3A_259 = tpu.memref_squeeze %dma_start3A_258 : memref<1x640xf32, #tpu.memory_space<hbm>> -> memref<640xf32, #tpu.memory_space<hbm>>
      %dma_start3A_260 = tpu.memref_slice %arg13[%mul3A_0] : memref<10240xf32, #tpu.memory_space<vmem_shared>> -> memref<640xf32, #tpu.memory_space<vmem_shared>>
      tpu.enqueue_dma source(%dma_start3A_260 : memref<640xf32, #tpu.memory_space<vmem_shared>>) target(%dma_start3A_259 : memref<640xf32, #tpu.memory_space<hbm>>) target_semaphore(%run_scoped3A_257 : memref<!tpu.dma_semaphore, #tpu.memory_space<semaphore_mem>>)
      %dma_wait3A_261 = tpu.memref_slice %arg6[%arg0, %mul3A_0] : memref<2x10240xf32, #tpu.memory_space<hbm>> -> memref<1x640xf32, #tpu.memory_space<hbm>>
      %dma_wait3A_262 = tpu.memref_squeeze %dma_wait3A_261 : memref<1x640xf32, #tpu.memory_space<hbm>> -> memref<640xf32, #tpu.memory_space<hbm>>
      %dma_wait3A_263 = tpu.memref_slice %arg13[%mul3A_0] : memref<10240xf32, #tpu.memory_space<vmem_shared>> -> memref<640xf32, #tpu.memory_space<vmem_shared>>
      tpu.wait_dma2 semaphore(%run_scoped3A_257 : memref<!tpu.dma_semaphore, #tpu.memory_space<semaphore_mem>>) src(%dma_wait3A_263 : memref<640xf32, #tpu.memory_space<vmem_shared>>) dst(%dma_wait3A_262 : memref<640xf32, #tpu.memory_space<hbm>>)
      tpu.yield
    }) : () -> ()
    return
  }
}

#map = affine_map<(d0, d1) -> (0, 0)>
#map1 = affine_map<(d0, d1) -> (0, 0, 0, 0)>
#map2 = affine_map<(d0, d1) -> (0, 0, 0)>
module attributes {stable_mosaic.version = 14 : i64} {
  func.func @body(%arg0: i32, %arg1: i32, %arg2: memref<20000x64xf32, #tpu.memory_space<hbm>>, %arg3: memref<2x16x162x128xi32, #tpu.memory_space<hbm>>, %arg4: memref<16x162x128xi32, #tpu.memory_space<hbm>>, %arg5: memref<2x10240x64xf32, #tpu.memory_space<hbm>>, %arg6: memref<162x128xi32, #tpu.memory_space<vmem>>, %arg7: memref<162x128xi32, #tpu.memory_space<vmem>>, %arg8: memref<128x64xf32, #tpu.memory_space<vmem>>, %arg9: memref<128x64xf32, #tpu.memory_space<vmem>>, %arg10: memref<128xf32, #tpu.memory_space<vmem>>, %arg11: memref<10240x64xf32, #tpu.memory_space<vmem_shared>>, %arg12: memref<10240xf32, #tpu.memory_space<vmem_shared>>, %arg13: memref<!tpu.dma_semaphore, #tpu.memory_space<semaphore_mem>>, %arg14: memref<!tpu.dma_semaphore, #tpu.memory_space<semaphore_mem>>, %arg15: memref<!tpu.dma_semaphore, #tpu.memory_space<semaphore_mem>>, %arg16: memref<!tpu.dma_semaphore, #tpu.memory_space<semaphore_mem>>) attributes {dimension_semantics = [#tpu.dimension_semantics<core_parallel>, #tpu.dimension_semantics<subcore_parallel>], iteration_bounds = array<i64: 2, 16>, scalar_prefetch = 0 : i64, scratch_operands = 11 : i64, tpu.core_type = #tpu.core_type<sc_vector_subcore>, window_params = [{transform_indices = #map}, {transform_indices = #map1}, {transform_indices = #map2}, {transform_indices = #map2}]} {
    %mul3A = arith.constant 640 : i32
    %mul3A_0 = arith.muli %arg1, %mul3A : i32
    %broadcast_in_dim3A = arith.constant 0.000000e+00 : f32
    %broadcast_in_dim3A_1 = vector.broadcast %broadcast_in_dim3A : f32 to vector<16xf32>
    %scan3A = arith.constant 0 : i32
    %scan3A_2 = arith.constant 0 : i32
    %scan3A_3 = arith.constant 128 : i32
    %scan3A_4 = arith.addi %scan3A_2, %scan3A_3 : i32
    %scan3A_5 = arith.constant 1 : i32
    scf.for %scan3A_180 = %scan3A_2 to %scan3A_4 step %scan3A_5  : i32 {
      %swap3A_181 = arith.index_cast %scan3A_180 : i32 to index
      %swap3A_182 = arith.constant 0 : index
      %swap3A_183 = tpu.vector_load %arg8[%swap3A_181, %swap3A_182] {strides = array<i32>} : memref<128x64xf32, #tpu.memory_space<vmem>>, vector<1x16xf32>,
      %swap3A_184 = vector.shape_cast %swap3A_183 : vector<1x16xf32> to vector<16xf32>
      %swap3A_185 = vector.shape_cast %broadcast_in_dim3A_1 : vector<16xf32> to vector<1x16xf32>
      tpu.vector_store %arg8[%swap3A_181, %swap3A_182], %swap3A_185 {strides = array<i32>} : memref<128x64xf32, #tpu.memory_space<vmem>>, vector<1x16xf32>,
      %swap3A_186 = arith.index_cast %scan3A_180 : i32 to index
      %swap3A_187 = arith.constant 16 : index
      %swap3A_188 = tpu.vector_load %arg8[%swap3A_186, %swap3A_187] {strides = array<i32>} : memref<128x64xf32, #tpu.memory_space<vmem>>, vector<1x16xf32>,
      %swap3A_189 = vector.shape_cast %swap3A_188 : vector<1x16xf32> to vector<16xf32>
      %swap3A_190 = vector.shape_cast %broadcast_in_dim3A_1 : vector<16xf32> to vector<1x16xf32>
      tpu.vector_store %arg8[%swap3A_186, %swap3A_187], %swap3A_190 {strides = array<i32>} : memref<128x64xf32, #tpu.memory_space<vmem>>, vector<1x16xf32>,
      %swap3A_191 = arith.index_cast %scan3A_180 : i32 to index
      %swap3A_192 = arith.constant 32 : index
      %swap3A_193 = tpu.vector_load %arg8[%swap3A_191, %swap3A_192] {strides = array<i32>} : memref<128x64xf32, #tpu.memory_space<vmem>>, vector<1x16xf32>,
      %swap3A_194 = vector.shape_cast %swap3A_193 : vector<1x16xf32> to vector<16xf32>
      %swap3A_195 = vector.shape_cast %broadcast_in_dim3A_1 : vector<16xf32> to vector<1x16xf32>
      tpu.vector_store %arg8[%swap3A_191, %swap3A_192], %swap3A_195 {strides = array<i32>} : memref<128x64xf32, #tpu.memory_space<vmem>>, vector<1x16xf32>,
      %swap3A_196 = arith.index_cast %scan3A_180 : i32 to index
      %swap3A_197 = arith.constant 48 : index
      %swap3A_198 = tpu.vector_load %arg8[%swap3A_196, %swap3A_197] {strides = array<i32>} : memref<128x64xf32, #tpu.memory_space<vmem>>, vector<1x16xf32>,
      %swap3A_199 = vector.shape_cast %swap3A_198 : vector<1x16xf32> to vector<16xf32>
      %swap3A_200 = vector.shape_cast %broadcast_in_dim3A_1 : vector<16xf32> to vector<1x16xf32>
      tpu.vector_store %arg8[%swap3A_196, %swap3A_197], %swap3A_200 {strides = array<i32>} : memref<128x64xf32, #tpu.memory_space<vmem>>, vector<1x16xf32>,
    }
    %scan3A_6 = arith.constant 128 : i32
    %broadcast_in_dim3A_7 = arith.constant 1.000000e+00 : f32
    %broadcast_in_dim3A_8 = vector.broadcast %broadcast_in_dim3A_7 : f32 to vector<16xf32>
    %swap3A = arith.constant 0 : index
    %swap3A_9 = tpu.vector_load %arg10[%swap3A] {strides = array<i32>} : memref<128xf32, #tpu.memory_space<vmem>>, vector<16xf32>,
    %swap3A_10 = vector.shape_cast %swap3A_9 : vector<16xf32> to vector<16xf32>
    %swap3A_11 = vector.shape_cast %broadcast_in_dim3A_8 : vector<16xf32> to vector<16xf32>
    tpu.vector_store %arg10[%swap3A], %swap3A_11 {strides = array<i32>} : memref<128xf32, #tpu.memory_space<vmem>>, vector<16xf32>,
    %broadcast_in_dim3A_12 = arith.constant 1.000000e+00 : f32
    %broadcast_in_dim3A_13 = vector.broadcast %broadcast_in_dim3A_12 : f32 to vector<16xf32>
    %swap3A_14 = arith.constant 16 : index
    %swap3A_15 = tpu.vector_load %arg10[%swap3A_14] {strides = array<i32>} : memref<128xf32, #tpu.memory_space<vmem>>, vector<16xf32>,
    %swap3A_16 = vector.shape_cast %swap3A_15 : vector<16xf32> to vector<16xf32>
    %swap3A_17 = vector.shape_cast %broadcast_in_dim3A_13 : vector<16xf32> to vector<16xf32>
    tpu.vector_store %arg10[%swap3A_14], %swap3A_17 {strides = array<i32>} : memref<128xf32, #tpu.memory_space<vmem>>, vector<16xf32>,
    %broadcast_in_dim3A_18 = arith.constant 1.000000e+00 : f32
    %broadcast_in_dim3A_19 = vector.broadcast %broadcast_in_dim3A_18 : f32 to vector<16xf32>
    %swap3A_20 = arith.constant 32 : index
    %swap3A_21 = tpu.vector_load %arg10[%swap3A_20] {strides = array<i32>} : memref<128xf32, #tpu.memory_space<vmem>>, vector<16xf32>,
    %swap3A_22 = vector.shape_cast %swap3A_21 : vector<16xf32> to vector<16xf32>
    %swap3A_23 = vector.shape_cast %broadcast_in_dim3A_19 : vector<16xf32> to vector<16xf32>
    tpu.vector_store %arg10[%swap3A_20], %swap3A_23 {strides = array<i32>} : memref<128xf32, #tpu.memory_space<vmem>>, vector<16xf32>,
    %broadcast_in_dim3A_24 = arith.constant 1.000000e+00 : f32
    %broadcast_in_dim3A_25 = vector.broadcast %broadcast_in_dim3A_24 : f32 to vector<16xf32>
    %swap3A_26 = arith.constant 48 : index
    %swap3A_27 = tpu.vector_load %arg10[%swap3A_26] {strides = array<i32>} : memref<128xf32, #tpu.memory_space<vmem>>, vector<16xf32>,
    %swap3A_28 = vector.shape_cast %swap3A_27 : vector<16xf32> to vector<16xf32>
    %swap3A_29 = vector.shape_cast %broadcast_in_dim3A_25 : vector<16xf32> to vector<16xf32>
    tpu.vector_store %arg10[%swap3A_26], %swap3A_29 {strides = array<i32>} : memref<128xf32, #tpu.memory_space<vmem>>, vector<16xf32>,
    %broadcast_in_dim3A_30 = arith.constant 1.000000e+00 : f32
    %broadcast_in_dim3A_31 = vector.broadcast %broadcast_in_dim3A_30 : f32 to vector<16xf32>
    %swap3A_32 = arith.constant 64 : index
    %swap3A_33 = tpu.vector_load %arg10[%swap3A_32] {strides = array<i32>} : memref<128xf32, #tpu.memory_space<vmem>>, vector<16xf32>,
    %swap3A_34 = vector.shape_cast %swap3A_33 : vector<16xf32> to vector<16xf32>
    %swap3A_35 = vector.shape_cast %broadcast_in_dim3A_31 : vector<16xf32> to vector<16xf32>
    tpu.vector_store %arg10[%swap3A_32], %swap3A_35 {strides = array<i32>} : memref<128xf32, #tpu.memory_space<vmem>>, vector<16xf32>,
    %broadcast_in_dim3A_36 = arith.constant 1.000000e+00 : f32
    %broadcast_in_dim3A_37 = vector.broadcast %broadcast_in_dim3A_36 : f32 to vector<16xf32>
    %swap3A_38 = arith.constant 80 : index
    %swap3A_39 = tpu.vector_load %arg10[%swap3A_38] {strides = array<i32>} : memref<128xf32, #tpu.memory_space<vmem>>, vector<16xf32>,
    %swap3A_40 = vector.shape_cast %swap3A_39 : vector<16xf32> to vector<16xf32>
    %swap3A_41 = vector.shape_cast %broadcast_in_dim3A_37 : vector<16xf32> to vector<16xf32>
    tpu.vector_store %arg10[%swap3A_38], %swap3A_41 {strides = array<i32>} : memref<128xf32, #tpu.memory_space<vmem>>, vector<16xf32>,
    %broadcast_in_dim3A_42 = arith.constant 1.000000e+00 : f32
    %broadcast_in_dim3A_43 = vector.broadcast %broadcast_in_dim3A_42 : f32 to vector<16xf32>
    %swap3A_44 = arith.constant 96 : index
    %swap3A_45 = tpu.vector_load %arg10[%swap3A_44] {strides = array<i32>} : memref<128xf32, #tpu.memory_space<vmem>>, vector<16xf32>,
    %swap3A_46 = vector.shape_cast %swap3A_45 : vector<16xf32> to vector<16xf32>
    %swap3A_47 = vector.shape_cast %broadcast_in_dim3A_43 : vector<16xf32> to vector<16xf32>
    tpu.vector_store %arg10[%swap3A_44], %swap3A_47 {strides = array<i32>} : memref<128xf32, #tpu.memory_space<vmem>>, vector<16xf32>,
    %broadcast_in_dim3A_48 = arith.constant 1.000000e+00 : f32
    %broadcast_in_dim3A_49 = vector.broadcast %broadcast_in_dim3A_48 : f32 to vector<16xf32>
    %swap3A_50 = arith.constant 112 : index
    %swap3A_51 = tpu.vector_load %arg10[%swap3A_50] {strides = array<i32>} : memref<128xf32, #tpu.memory_space<vmem>>, vector<16xf32>,
    %swap3A_52 = vector.shape_cast %swap3A_51 : vector<16xf32> to vector<16xf32>
    %swap3A_53 = vector.shape_cast %broadcast_in_dim3A_49 : vector<16xf32> to vector<16xf32>
    tpu.vector_store %arg10[%swap3A_50], %swap3A_53 {strides = array<i32>} : memref<128xf32, #tpu.memory_space<vmem>>, vector<16xf32>,
    %add3A = arith.constant 0 : i32
    %add3A_54 = arith.addi %mul3A_0, %add3A : i32
    "tpu.region"() ({
      %run_scoped3A = tpu.sem_alloc : memref<!tpu.dma_semaphore, #tpu.memory_space<semaphore_mem>>
      %dma_start3A_180 = arith.constant 0 : i32
      %dma_start3A_181 = tpu.memref_slice %arg11[%add3A_54, %dma_start3A_180] : memref<10240x64xf32, #tpu.memory_space<vmem_shared>> -> memref<128x64xf32, #tpu.memory_space<vmem_shared>>
      %dma_start3A_182 = arith.constant 0 : i32
      %dma_start3A_183 = tpu.memref_slice %arg11[%add3A_54, %dma_start3A_182] : memref<10240x64xf32, #tpu.memory_space<vmem_shared>> -> memref<128x64xf32, #tpu.memory_space<vmem_shared>>
      tpu.enqueue_dma source(%arg8 : memref<128x64xf32, #tpu.memory_space<vmem>>) target(%dma_start3A_183 : memref<128x64xf32, #tpu.memory_space<vmem_shared>>) target_semaphore(%run_scoped3A : memref<!tpu.dma_semaphore, #tpu.memory_space<semaphore_mem>>)
      %dma_wait3A_184 = arith.constant 0 : i32
      %dma_wait3A_185 = tpu.memref_slice %arg11[%add3A_54, %dma_wait3A_184] : memref<10240x64xf32, #tpu.memory_space<vmem_shared>> -> memref<128x64xf32, #tpu.memory_space<vmem_shared>>
      %dma_wait3A_186 = arith.constant 0 : i32
      %dma_wait3A_187 = tpu.memref_slice %arg11[%add3A_54, %dma_wait3A_186] : memref<10240x64xf32, #tpu.memory_space<vmem_shared>> -> memref<128x64xf32, #tpu.memory_space<vmem_shared>>
      tpu.wait_dma2 semaphore(%run_scoped3A : memref<!tpu.dma_semaphore, #tpu.memory_space<semaphore_mem>>) src(%arg8 : memref<128x64xf32, #tpu.memory_space<vmem>>) dst(%dma_wait3A_187 : memref<128x64xf32, #tpu.memory_space<vmem_shared>>)
      tpu.yield
    }) : () -> ()
    %add3A_55 = arith.constant 128 : i32
    %add3A_56 = arith.addi %mul3A_0, %add3A_55 : i32
    "tpu.region"() ({
      %run_scoped3A = tpu.sem_alloc : memref<!tpu.dma_semaphore, #tpu.memory_space<semaphore_mem>>
      %dma_start3A_180 = arith.constant 0 : i32
      %dma_start3A_181 = tpu.memref_slice %arg11[%add3A_56, %dma_start3A_180] : memref<10240x64xf32, #tpu.memory_space<vmem_shared>> -> memref<128x64xf32, #tpu.memory_space<vmem_shared>>
      %dma_start3A_182 = arith.constant 0 : i32
      %dma_start3A_183 = tpu.memref_slice %arg11[%add3A_56, %dma_start3A_182] : memref<10240x64xf32, #tpu.memory_space<vmem_shared>> -> memref<128x64xf32, #tpu.memory_space<vmem_shared>>
      tpu.enqueue_dma source(%arg8 : memref<128x64xf32, #tpu.memory_space<vmem>>) target(%dma_start3A_183 : memref<128x64xf32, #tpu.memory_space<vmem_shared>>) target_semaphore(%run_scoped3A : memref<!tpu.dma_semaphore, #tpu.memory_space<semaphore_mem>>)
      %dma_wait3A_184 = arith.constant 0 : i32
      %dma_wait3A_185 = tpu.memref_slice %arg11[%add3A_56, %dma_wait3A_184] : memref<10240x64xf32, #tpu.memory_space<vmem_shared>> -> memref<128x64xf32, #tpu.memory_space<vmem_shared>>
      %dma_wait3A_186 = arith.constant 0 : i32
      %dma_wait3A_187 = tpu.memref_slice %arg11[%add3A_56, %dma_wait3A_186] : memref<10240x64xf32, #tpu.memory_space<vmem_shared>> -> memref<128x64xf32, #tpu.memory_space<vmem_shared>>
      tpu.wait_dma2 semaphore(%run_scoped3A : memref<!tpu.dma_semaphore, #tpu.memory_space<semaphore_mem>>) src(%arg8 : memref<128x64xf32, #tpu.memory_space<vmem>>) dst(%dma_wait3A_187 : memref<128x64xf32, #tpu.memory_space<vmem_shared>>)
      tpu.yield
    }) : () -> ()
    %add3A_57 = arith.constant 256 : i32
    %add3A_58 = arith.addi %mul3A_0, %add3A_57 : i32
    "tpu.region"() ({
      %run_scoped3A = tpu.sem_alloc : memref<!tpu.dma_semaphore, #tpu.memory_space<semaphore_mem>>
      %dma_start3A_180 = arith.constant 0 : i32
      %dma_start3A_181 = tpu.memref_slice %arg11[%add3A_58, %dma_start3A_180] : memref<10240x64xf32, #tpu.memory_space<vmem_shared>> -> memref<128x64xf32, #tpu.memory_space<vmem_shared>>
      %dma_start3A_182 = arith.constant 0 : i32
      %dma_start3A_183 = tpu.memref_slice %arg11[%add3A_58, %dma_start3A_182] : memref<10240x64xf32, #tpu.memory_space<vmem_shared>> -> memref<128x64xf32, #tpu.memory_space<vmem_shared>>
      tpu.enqueue_dma source(%arg8 : memref<128x64xf32, #tpu.memory_space<vmem>>) target(%dma_start3A_183 : memref<128x64xf32, #tpu.memory_space<vmem_shared>>) target_semaphore(%run_scoped3A : memref<!tpu.dma_semaphore, #tpu.memory_space<semaphore_mem>>)
      %dma_wait3A_184 = arith.constant 0 : i32
      %dma_wait3A_185 = tpu.memref_slice %arg11[%add3A_58, %dma_wait3A_184] : memref<10240x64xf32, #tpu.memory_space<vmem_shared>> -> memref<128x64xf32, #tpu.memory_space<vmem_shared>>
      %dma_wait3A_186 = arith.constant 0 : i32
      %dma_wait3A_187 = tpu.memref_slice %arg11[%add3A_58, %dma_wait3A_186] : memref<10240x64xf32, #tpu.memory_space<vmem_shared>> -> memref<128x64xf32, #tpu.memory_space<vmem_shared>>
      tpu.wait_dma2 semaphore(%run_scoped3A : memref<!tpu.dma_semaphore, #tpu.memory_space<semaphore_mem>>) src(%arg8 : memref<128x64xf32, #tpu.memory_space<vmem>>) dst(%dma_wait3A_187 : memref<128x64xf32, #tpu.memory_space<vmem_shared>>)
      tpu.yield
    }) : () -> ()
    %add3A_59 = arith.constant 384 : i32
    %add3A_60 = arith.addi %mul3A_0, %add3A_59 : i32
    "tpu.region"() ({
      %run_scoped3A = tpu.sem_alloc : memref<!tpu.dma_semaphore, #tpu.memory_space<semaphore_mem>>
      %dma_start3A_180 = arith.constant 0 : i32
      %dma_start3A_181 = tpu.memref_slice %arg11[%add3A_60, %dma_start3A_180] : memref<10240x64xf32, #tpu.memory_space<vmem_shared>> -> memref<128x64xf32, #tpu.memory_space<vmem_shared>>
      %dma_start3A_182 = arith.constant 0 : i32
      %dma_start3A_183 = tpu.memref_slice %arg11[%add3A_60, %dma_start3A_182] : memref<10240x64xf32, #tpu.memory_space<vmem_shared>> -> memref<128x64xf32, #tpu.memory_space<vmem_shared>>
      tpu.enqueue_dma source(%arg8 : memref<128x64xf32, #tpu.memory_space<vmem>>) target(%dma_start3A_183 : memref<128x64xf32, #tpu.memory_space<vmem_shared>>) target_semaphore(%run_scoped3A : memref<!tpu.dma_semaphore, #tpu.memory_space<semaphore_mem>>)
      %dma_wait3A_184 = arith.constant 0 : i32
      %dma_wait3A_185 = tpu.memref_slice %arg11[%add3A_60, %dma_wait3A_184] : memref<10240x64xf32, #tpu.memory_space<vmem_shared>> -> memref<128x64xf32, #tpu.memory_space<vmem_shared>>
      %dma_wait3A_186 = arith.constant 0 : i32
      %dma_wait3A_187 = tpu.memref_slice %arg11[%add3A_60, %dma_wait3A_186] : memref<10240x64xf32, #tpu.memory_space<vmem_shared>> -> memref<128x64xf32, #tpu.memory_space<vmem_shared>>
      tpu.wait_dma2 semaphore(%run_scoped3A : memref<!tpu.dma_semaphore, #tpu.memory_space<semaphore_mem>>) src(%arg8 : memref<128x64xf32, #tpu.memory_space<vmem>>) dst(%dma_wait3A_187 : memref<128x64xf32, #tpu.memory_space<vmem_shared>>)
      tpu.yield
    }) : () -> ()
    %add3A_61 = arith.constant 512 : i32
    %add3A_62 = arith.addi %mul3A_0, %add3A_61 : i32
    "tpu.region"() ({
      %run_scoped3A = tpu.sem_alloc : memref<!tpu.dma_semaphore, #tpu.memory_space<semaphore_mem>>
      %dma_start3A_180 = arith.constant 0 : i32
      %dma_start3A_181 = tpu.memref_slice %arg11[%add3A_62, %dma_start3A_180] : memref<10240x64xf32, #tpu.memory_space<vmem_shared>> -> memref<128x64xf32, #tpu.memory_space<vmem_shared>>
      %dma_start3A_182 = arith.constant 0 : i32
      %dma_start3A_183 = tpu.memref_slice %arg11[%add3A_62, %dma_start3A_182] : memref<10240x64xf32, #tpu.memory_space<vmem_shared>> -> memref<128x64xf32, #tpu.memory_space<vmem_shared>>
      tpu.enqueue_dma source(%arg8 : memref<128x64xf32, #tpu.memory_space<vmem>>) target(%dma_start3A_183 : memref<128x64xf32, #tpu.memory_space<vmem_shared>>) target_semaphore(%run_scoped3A : memref<!tpu.dma_semaphore, #tpu.memory_space<semaphore_mem>>)
      %dma_wait3A_184 = arith.constant 0 : i32
      %dma_wait3A_185 = tpu.memref_slice %arg11[%add3A_62, %dma_wait3A_184] : memref<10240x64xf32, #tpu.memory_space<vmem_shared>> -> memref<128x64xf32, #tpu.memory_space<vmem_shared>>
      %dma_wait3A_186 = arith.constant 0 : i32
      %dma_wait3A_187 = tpu.memref_slice %arg11[%add3A_62, %dma_wait3A_186] : memref<10240x64xf32, #tpu.memory_space<vmem_shared>> -> memref<128x64xf32, #tpu.memory_space<vmem_shared>>
      tpu.wait_dma2 semaphore(%run_scoped3A : memref<!tpu.dma_semaphore, #tpu.memory_space<semaphore_mem>>) src(%arg8 : memref<128x64xf32, #tpu.memory_space<vmem>>) dst(%dma_wait3A_187 : memref<128x64xf32, #tpu.memory_space<vmem_shared>>)
      tpu.yield
    }) : () -> ()
    %barrier3A = arith.constant 0 : index
    tpu.barrier barrier_id(%barrier3A)
    "tpu.region"() ({
      %run_scoped3A = tpu.sem_alloc : memref<!tpu.dma_semaphore, #tpu.memory_space<semaphore_mem>>
      %dma_start3A_180 = arith.constant 0 : i32
      %dma_start3A_181 = arith.constant 0 : i32
      %dma_start3A_182 = tpu.memref_slice %arg3[%arg0, %arg1, %dma_start3A_180, %dma_start3A_181] : memref<2x16x162x128xi32, #tpu.memory_space<hbm>> -> memref<1x1x162x128xi32, #tpu.memory_space<hbm>>
      %dma_start3A_183 = tpu.memref_squeeze %dma_start3A_182 : memref<1x1x162x128xi32, #tpu.memory_space<hbm>> -> memref<162x128xi32, #tpu.memory_space<hbm>>
      %dma_start3A_184 = arith.constant 0 : i32
      %dma_start3A_185 = arith.constant 0 : i32
      %dma_start3A_186 = tpu.memref_slice %arg3[%arg0, %arg1, %dma_start3A_184, %dma_start3A_185] : memref<2x16x162x128xi32, #tpu.memory_space<hbm>> -> memref<1x1x162x128xi32, #tpu.memory_space<hbm>>
      %dma_start3A_187 = tpu.memref_squeeze %dma_start3A_186 : memref<1x1x162x128xi32, #tpu.memory_space<hbm>> -> memref<162x128xi32, #tpu.memory_space<hbm>>
      tpu.enqueue_dma source(%dma_start3A_187 : memref<162x128xi32, #tpu.memory_space<hbm>>) target(%arg6 : memref<162x128xi32, #tpu.memory_space<vmem>>) target_semaphore(%run_scoped3A : memref<!tpu.dma_semaphore, #tpu.memory_space<semaphore_mem>>)
      %dma_wait3A_188 = arith.constant 0 : i32
      %dma_wait3A_189 = arith.constant 0 : i32
      %dma_wait3A_190 = tpu.memref_slice %arg3[%arg0, %arg1, %dma_wait3A_188, %dma_wait3A_189] : memref<2x16x162x128xi32, #tpu.memory_space<hbm>> -> memref<1x1x162x128xi32, #tpu.memory_space<hbm>>
      %dma_wait3A_191 = tpu.memref_squeeze %dma_wait3A_190 : memref<1x1x162x128xi32, #tpu.memory_space<hbm>> -> memref<162x128xi32, #tpu.memory_space<hbm>>
      %dma_wait3A_192 = arith.constant 0 : i32
      %dma_wait3A_193 = arith.constant 0 : i32
      %dma_wait3A_194 = tpu.memref_slice %arg3[%arg0, %arg1, %dma_wait3A_192, %dma_wait3A_193] : memref<2x16x162x128xi32, #tpu.memory_space<hbm>> -> memref<1x1x162x128xi32, #tpu.memory_space<hbm>>
      %dma_wait3A_195 = tpu.memref_squeeze %dma_wait3A_194 : memref<1x1x162x128xi32, #tpu.memory_space<hbm>> -> memref<162x128xi32, #tpu.memory_space<hbm>>
      tpu.wait_dma2 semaphore(%run_scoped3A : memref<!tpu.dma_semaphore, #tpu.memory_space<semaphore_mem>>) src(%dma_wait3A_195 : memref<162x128xi32, #tpu.memory_space<hbm>>) dst(%arg6 : memref<162x128xi32, #tpu.memory_space<vmem>>)
      tpu.yield
    }) : () -> ()
    "tpu.region"() ({
      %run_scoped3A = tpu.sem_alloc : memref<!tpu.dma_semaphore, #tpu.memory_space<semaphore_mem>>
      %dma_start3A_180 = arith.constant 0 : i32
      %dma_start3A_181 = arith.constant 0 : i32
      %dma_start3A_182 = tpu.memref_slice %arg4[%arg1, %dma_start3A_180, %dma_start3A_181] : memref<16x162x128xi32, #tpu.memory_space<hbm>> -> memref<1x162x128xi32, #tpu.memory_space<hbm>>
      %dma_start3A_183 = tpu.memref_squeeze %dma_start3A_182 : memref<1x162x128xi32, #tpu.memory_space<hbm>> -> memref<162x128xi32, #tpu.memory_space<hbm>>
      %dma_start3A_184 = arith.constant 0 : i32
      %dma_start3A_185 = arith.constant 0 : i32
      %dma_start3A_186 = tpu.memref_slice %arg4[%arg1, %dma_start3A_184, %dma_start3A_185] : memref<16x162x128xi32, #tpu.memory_space<hbm>> -> memref<1x162x128xi32, #tpu.memory_space<hbm>>
      %dma_start3A_187 = tpu.memref_squeeze %dma_start3A_186 : memref<1x162x128xi32, #tpu.memory_space<hbm>> -> memref<162x128xi32, #tpu.memory_space<hbm>>
      tpu.enqueue_dma source(%dma_start3A_187 : memref<162x128xi32, #tpu.memory_space<hbm>>) target(%arg7 : memref<162x128xi32, #tpu.memory_space<vmem>>) target_semaphore(%run_scoped3A : memref<!tpu.dma_semaphore, #tpu.memory_space<semaphore_mem>>)
      %dma_wait3A_188 = arith.constant 0 : i32
      %dma_wait3A_189 = arith.constant 0 : i32
      %dma_wait3A_190 = tpu.memref_slice %arg4[%arg1, %dma_wait3A_188, %dma_wait3A_189] : memref<16x162x128xi32, #tpu.memory_space<hbm>> -> memref<1x162x128xi32, #tpu.memory_space<hbm>>
      %dma_wait3A_191 = tpu.memref_squeeze %dma_wait3A_190 : memref<1x162x128xi32, #tpu.memory_space<hbm>> -> memref<162x128xi32, #tpu.memory_space<hbm>>
      %dma_wait3A_192 = arith.constant 0 : i32
      %dma_wait3A_193 = arith.constant 0 : i32
      %dma_wait3A_194 = tpu.memref_slice %arg4[%arg1, %dma_wait3A_192, %dma_wait3A_193] : memref<16x162x128xi32, #tpu.memory_space<hbm>> -> memref<1x162x128xi32, #tpu.memory_space<hbm>>
      %dma_wait3A_195 = tpu.memref_squeeze %dma_wait3A_194 : memref<1x162x128xi32, #tpu.memory_space<hbm>> -> memref<162x128xi32, #tpu.memory_space<hbm>>
      tpu.wait_dma2 semaphore(%run_scoped3A : memref<!tpu.dma_semaphore, #tpu.memory_space<semaphore_mem>>) src(%dma_wait3A_195 : memref<162x128xi32, #tpu.memory_space<hbm>>) dst(%arg7 : memref<162x128xi32, #tpu.memory_space<vmem>>)
      tpu.yield
    }) : () -> ()
    %dma_start3A = arith.constant 0 : i32
    %dma_start3A_63 = arith.constant 0 : i32
    %dma_start3A_64 = tpu.memref_slice %arg6[%dma_start3A, %dma_start3A_63] : memref<162x128xi32, #tpu.memory_space<vmem>> -> memref<1x128xi32, #tpu.memory_space<vmem>>
    %dma_start3A_65 = tpu.memref_squeeze %dma_start3A_64 : memref<1x128xi32, #tpu.memory_space<vmem>> -> memref<128xi32, #tpu.memory_space<vmem>>
    %dma_start3A_66 = arith.constant 0 : i32
    %dma_start3A_67 = arith.constant 0 : i32
    %dma_start3A_68 = tpu.memref_slice %arg2[%dma_start3A_66, %dma_start3A_67] : memref<20000x64xf32, #tpu.memory_space<hbm>> -> memref<20000x64xf32, #tpu.memory_space<hbm>>
    tpu.enqueue_indirect_dma source(%dma_start3A_68 : memref<20000x64xf32, #tpu.memory_space<hbm>>) target(%arg8 : memref<128x64xf32, #tpu.memory_space<vmem>>) offsets(%dma_start3A_65 : memref<128xi32, #tpu.memory_space<vmem>>) semaphore(%arg13 : memref<!tpu.dma_semaphore, #tpu.memory_space<semaphore_mem>>)
    %dma_wait3A = arith.constant 0 : i32
    %dma_wait3A_69 = arith.constant 0 : i32
    %dma_wait3A_70 = tpu.memref_slice %arg6[%dma_wait3A, %dma_wait3A_69] : memref<162x128xi32, #tpu.memory_space<vmem>> -> memref<1x128xi32, #tpu.memory_space<vmem>>
    %dma_wait3A_71 = tpu.memref_squeeze %dma_wait3A_70 : memref<1x128xi32, #tpu.memory_space<vmem>> -> memref<128xi32, #tpu.memory_space<vmem>>
    %dma_wait3A_72 = arith.constant 0 : i32
    %dma_wait3A_73 = arith.constant 0 : i32
    %dma_wait3A_74 = tpu.memref_slice %arg2[%dma_wait3A_72, %dma_wait3A_73] : memref<20000x64xf32, #tpu.memory_space<hbm>> -> memref<20000x64xf32, #tpu.memory_space<hbm>>
    tpu.wait_indirect_dma semaphore(%arg13 : memref<!tpu.dma_semaphore, #tpu.memory_space<semaphore_mem>>) src(%dma_wait3A_74 : memref<20000x64xf32, #tpu.memory_space<hbm>>) dst(%arg8 : memref<128x64xf32, #tpu.memory_space<vmem>>)
    %dma_start3A_75 = arith.constant 0 : i32
    %dma_start3A_76 = arith.constant 0 : i32
    %dma_start3A_77 = tpu.memref_slice %arg7[%dma_start3A_75, %dma_start3A_76] : memref<162x128xi32, #tpu.memory_space<vmem>> -> memref<1x128xi32, #tpu.memory_space<vmem>>
    %dma_start3A_78 = tpu.memref_squeeze %dma_start3A_77 : memref<1x128xi32, #tpu.memory_space<vmem>> -> memref<128xi32, #tpu.memory_space<vmem>>
    %dma_start3A_79 = arith.constant 0 : i32
    %dma_start3A_80 = arith.constant 0 : i32
    %dma_start3A_81 = tpu.memref_slice %arg11[%dma_start3A_79, %dma_start3A_80] : memref<10240x64xf32, #tpu.memory_space<vmem_shared>> -> memref<10240x64xf32, #tpu.memory_space<vmem_shared>>
    tpu.enqueue_indirect_dma source(%arg8 : memref<128x64xf32, #tpu.memory_space<vmem>>) target(%dma_start3A_81 : memref<10240x64xf32, #tpu.memory_space<vmem_shared>>) offsets(%dma_start3A_78 : memref<128xi32, #tpu.memory_space<vmem>>) semaphore(%arg15 : memref<!tpu.dma_semaphore, #tpu.memory_space<semaphore_mem>>) {add = true}
    %dma_start3A_82 = arith.constant 1 : i32
    %dma_start3A_83 = arith.constant 0 : i32
    %dma_start3A_84 = tpu.memref_slice %arg6[%dma_start3A_82, %dma_start3A_83] : memref<162x128xi32, #tpu.memory_space<vmem>> -> memref<1x128xi32, #tpu.memory_space<vmem>>
    %dma_start3A_85 = tpu.memref_squeeze %dma_start3A_84 : memref<1x128xi32, #tpu.memory_space<vmem>> -> memref<128xi32, #tpu.memory_space<vmem>>
    %dma_start3A_86 = arith.constant 0 : i32
    %dma_start3A_87 = arith.constant 0 : i32
    %dma_start3A_88 = tpu.memref_slice %arg2[%dma_start3A_86, %dma_start3A_87] : memref<20000x64xf32, #tpu.memory_space<hbm>> -> memref<20000x64xf32, #tpu.memory_space<hbm>>
    tpu.enqueue_indirect_dma source(%dma_start3A_88 : memref<20000x64xf32, #tpu.memory_space<hbm>>) target(%arg9 : memref<128x64xf32, #tpu.memory_space<vmem>>) offsets(%dma_start3A_85 : memref<128xi32, #tpu.memory_space<vmem>>) semaphore(%arg14 : memref<!tpu.dma_semaphore, #tpu.memory_space<semaphore_mem>>)
    %dma_wait3A_89 = arith.constant 1 : i32
    %dma_wait3A_90 = arith.constant 0 : i32
    %dma_wait3A_91 = tpu.memref_slice %arg6[%dma_wait3A_89, %dma_wait3A_90] : memref<162x128xi32, #tpu.memory_space<vmem>> -> memref<1x128xi32, #tpu.memory_space<vmem>>
    %dma_wait3A_92 = tpu.memref_squeeze %dma_wait3A_91 : memref<1x128xi32, #tpu.memory_space<vmem>> -> memref<128xi32, #tpu.memory_space<vmem>>
    %dma_wait3A_93 = arith.constant 0 : i32
    %dma_wait3A_94 = arith.constant 0 : i32
    %dma_wait3A_95 = tpu.memref_slice %arg2[%dma_wait3A_93, %dma_wait3A_94] : memref<20000x64xf32, #tpu.memory_space<hbm>> -> memref<20000x64xf32, #tpu.memory_space<hbm>>
    tpu.wait_indirect_dma semaphore(%arg14 : memref<!tpu.dma_semaphore, #tpu.memory_space<semaphore_mem>>) src(%dma_wait3A_95 : memref<20000x64xf32, #tpu.memory_space<hbm>>) dst(%arg9 : memref<128x64xf32, #tpu.memory_space<vmem>>)
    %dma_start3A_96 = arith.constant 1 : i32
    %dma_start3A_97 = arith.constant 0 : i32
    %dma_start3A_98 = tpu.memref_slice %arg7[%dma_start3A_96, %dma_start3A_97] : memref<162x128xi32, #tpu.memory_space<vmem>> -> memref<1x128xi32, #tpu.memory_space<vmem>>
    %dma_start3A_99 = tpu.memref_squeeze %dma_start3A_98 : memref<1x128xi32, #tpu.memory_space<vmem>> -> memref<128xi32, #tpu.memory_space<vmem>>
    %dma_start3A_100 = arith.constant 0 : i32
    %dma_start3A_101 = arith.constant 0 : i32
    %dma_start3A_102 = tpu.memref_slice %arg11[%dma_start3A_100, %dma_start3A_101] : memref<10240x64xf32, #tpu.memory_space<vmem_shared>> -> memref<10240x64xf32, #tpu.memory_space<vmem_shared>>
    tpu.enqueue_indirect_dma source(%arg9 : memref<128x64xf32, #tpu.memory_space<vmem>>) target(%dma_start3A_102 : memref<10240x64xf32, #tpu.memory_space<vmem_shared>>) offsets(%dma_start3A_99 : memref<128xi32, #tpu.memory_space<vmem>>) semaphore(%arg16 : memref<!tpu.dma_semaphore, #tpu.memory_space<semaphore_mem>>) {add = true}
    %dma_wait3A_103 = arith.constant 0 : i32
    %dma_wait3A_104 = arith.constant 0 : i32
    %dma_wait3A_105 = tpu.memref_slice %arg7[%dma_wait3A_103, %dma_wait3A_104] : memref<162x128xi32, #tpu.memory_space<vmem>> -> memref<1x128xi32, #tpu.memory_space<vmem>>
    %dma_wait3A_106 = tpu.memref_squeeze %dma_wait3A_105 : memref<1x128xi32, #tpu.memory_space<vmem>> -> memref<128xi32, #tpu.memory_space<vmem>>
    %dma_wait3A_107 = arith.constant 0 : i32
    %dma_wait3A_108 = arith.constant 0 : i32
    %dma_wait3A_109 = tpu.memref_slice %arg11[%dma_wait3A_107, %dma_wait3A_108] : memref<10240x64xf32, #tpu.memory_space<vmem_shared>> -> memref<10240x64xf32, #tpu.memory_space<vmem_shared>>
    tpu.wait_indirect_dma semaphore(%arg15 : memref<!tpu.dma_semaphore, #tpu.memory_space<semaphore_mem>>) src(%arg8 : memref<128x64xf32, #tpu.memory_space<vmem>>) dst(%dma_wait3A_109 : memref<10240x64xf32, #tpu.memory_space<vmem_shared>>)
    %dma_start3A_110 = arith.constant 2 : i32
    %dma_start3A_111 = arith.constant 0 : i32
    %dma_start3A_112 = tpu.memref_slice %arg6[%dma_start3A_110, %dma_start3A_111] : memref<162x128xi32, #tpu.memory_space<vmem>> -> memref<1x128xi32, #tpu.memory_space<vmem>>
    %dma_start3A_113 = tpu.memref_squeeze %dma_start3A_112 : memref<1x128xi32, #tpu.memory_space<vmem>> -> memref<128xi32, #tpu.memory_space<vmem>>
    %dma_start3A_114 = arith.constant 0 : i32
    %dma_start3A_115 = arith.constant 0 : i32
    %dma_start3A_116 = tpu.memref_slice %arg2[%dma_start3A_114, %dma_start3A_115] : memref<20000x64xf32, #tpu.memory_space<hbm>> -> memref<20000x64xf32, #tpu.memory_space<hbm>>
    tpu.enqueue_indirect_dma source(%dma_start3A_116 : memref<20000x64xf32, #tpu.memory_space<hbm>>) target(%arg8 : memref<128x64xf32, #tpu.memory_space<vmem>>) offsets(%dma_start3A_113 : memref<128xi32, #tpu.memory_space<vmem>>) semaphore(%arg13 : memref<!tpu.dma_semaphore, #tpu.memory_space<semaphore_mem>>)
    %scan3A_117 = arith.constant 0 : i32
    %scan3A_118 = arith.constant 1 : i32
    %scan3A_119 = arith.constant 79 : i32
    %scan3A_120 = arith.addi %scan3A_118, %scan3A_119 : i32
    %scan3A_121 = arith.constant 1 : i32
    scf.for %scan3A_180 = %scan3A_118 to %scan3A_120 step %scan3A_121  : i32 {
      %mul3A_181 = arith.constant 2 : i32
      %mul3A_182 = arith.muli %mul3A_181, %scan3A_180 : i32
      %dma_wait3A_183 = arith.constant 0 : i32
      %dma_wait3A_184 = tpu.memref_slice %arg6[%mul3A_182, %dma_wait3A_183] : memref<162x128xi32, #tpu.memory_space<vmem>> -> memref<1x128xi32, #tpu.memory_space<vmem>>
      %dma_wait3A_185 = tpu.memref_squeeze %dma_wait3A_184 : memref<1x128xi32, #tpu.memory_space<vmem>> -> memref<128xi32, #tpu.memory_space<vmem>>
      %dma_wait3A_186 = arith.constant 0 : i32
      %dma_wait3A_187 = arith.constant 0 : i32
      %dma_wait3A_188 = tpu.memref_slice %arg2[%dma_wait3A_186, %dma_wait3A_187] : memref<20000x64xf32, #tpu.memory_space<hbm>> -> memref<20000x64xf32, #tpu.memory_space<hbm>>
      tpu.wait_indirect_dma semaphore(%arg13 : memref<!tpu.dma_semaphore, #tpu.memory_space<semaphore_mem>>) src(%dma_wait3A_188 : memref<20000x64xf32, #tpu.memory_space<hbm>>) dst(%arg8 : memref<128x64xf32, #tpu.memory_space<vmem>>)
      %dma_start3A_189 = arith.constant 0 : i32
      %dma_start3A_190 = tpu.memref_slice %arg7[%mul3A_182, %dma_start3A_189] : memref<162x128xi32, #tpu.memory_space<vmem>> -> memref<1x128xi32, #tpu.memory_space<vmem>>
      %dma_start3A_191 = tpu.memref_squeeze %dma_start3A_190 : memref<1x128xi32, #tpu.memory_space<vmem>> -> memref<128xi32, #tpu.memory_space<vmem>>
      %dma_start3A_192 = arith.constant 0 : i32
      %dma_start3A_193 = arith.constant 0 : i32
      %dma_start3A_194 = tpu.memref_slice %arg11[%dma_start3A_192, %dma_start3A_193] : memref<10240x64xf32, #tpu.memory_space<vmem_shared>> -> memref<10240x64xf32, #tpu.memory_space<vmem_shared>>
      tpu.enqueue_indirect_dma source(%arg8 : memref<128x64xf32, #tpu.memory_space<vmem>>) target(%dma_start3A_194 : memref<10240x64xf32, #tpu.memory_space<vmem_shared>>) offsets(%dma_start3A_191 : memref<128xi32, #tpu.memory_space<vmem>>) semaphore(%arg15 : memref<!tpu.dma_semaphore, #tpu.memory_space<semaphore_mem>>) {add = true}
      %sub3A = arith.constant 1 : i32
      %sub3A_195 = arith.subi %mul3A_182, %sub3A : i32
      %dma_wait3A_196 = arith.constant 0 : i32
      %dma_wait3A_197 = tpu.memref_slice %arg7[%sub3A_195, %dma_wait3A_196] : memref<162x128xi32, #tpu.memory_space<vmem>> -> memref<1x128xi32, #tpu.memory_space<vmem>>
      %dma_wait3A_198 = tpu.memref_squeeze %dma_wait3A_197 : memref<1x128xi32, #tpu.memory_space<vmem>> -> memref<128xi32, #tpu.memory_space<vmem>>
      %dma_wait3A_199 = arith.constant 0 : i32
      %dma_wait3A_200 = arith.constant 0 : i32
      %dma_wait3A_201 = tpu.memref_slice %arg11[%dma_wait3A_199, %dma_wait3A_200] : memref<10240x64xf32, #tpu.memory_space<vmem_shared>> -> memref<10240x64xf32, #tpu.memory_space<vmem_shared>>
      tpu.wait_indirect_dma semaphore(%arg16 : memref<!tpu.dma_semaphore, #tpu.memory_space<semaphore_mem>>) src(%arg9 : memref<128x64xf32, #tpu.memory_space<vmem>>) dst(%dma_wait3A_201 : memref<10240x64xf32, #tpu.memory_space<vmem_shared>>)
      %add3A_202 = arith.constant 1 : i32
      %add3A_203 = arith.addi %mul3A_182, %add3A_202 : i32
      %dma_start3A_204 = arith.constant 0 : i32
      %dma_start3A_205 = tpu.memref_slice %arg6[%add3A_203, %dma_start3A_204] : memref<162x128xi32, #tpu.memory_space<vmem>> -> memref<1x128xi32, #tpu.memory_space<vmem>>
      %dma_start3A_206 = tpu.memref_squeeze %dma_start3A_205 : memref<1x128xi32, #tpu.memory_space<vmem>> -> memref<128xi32, #tpu.memory_space<vmem>>
      %dma_start3A_207 = arith.constant 0 : i32
      %dma_start3A_208 = arith.constant 0 : i32
      %dma_start3A_209 = tpu.memref_slice %arg2[%dma_start3A_207, %dma_start3A_208] : memref<20000x64xf32, #tpu.memory_space<hbm>> -> memref<20000x64xf32, #tpu.memory_space<hbm>>
      tpu.enqueue_indirect_dma source(%dma_start3A_209 : memref<20000x64xf32, #tpu.memory_space<hbm>>) target(%arg9 : memref<128x64xf32, #tpu.memory_space<vmem>>) offsets(%dma_start3A_206 : memref<128xi32, #tpu.memory_space<vmem>>) semaphore(%arg14 : memref<!tpu.dma_semaphore, #tpu.memory_space<semaphore_mem>>)
      %mul3A_210 = arith.constant 2 : i32
      %mul3A_211 = arith.muli %mul3A_210, %scan3A_180 : i32
      %add3A_212 = arith.constant 1 : i32
      %add3A_213 = arith.addi %mul3A_211, %add3A_212 : i32
      %dma_wait3A_214 = arith.constant 0 : i32
      %dma_wait3A_215 = tpu.memref_slice %arg6[%add3A_213, %dma_wait3A_214] : memref<162x128xi32, #tpu.memory_space<vmem>> -> memref<1x128xi32, #tpu.memory_space<vmem>>
      %dma_wait3A_216 = tpu.memref_squeeze %dma_wait3A_215 : memref<1x128xi32, #tpu.memory_space<vmem>> -> memref<128xi32, #tpu.memory_space<vmem>>
      %dma_wait3A_217 = arith.constant 0 : i32
      %dma_wait3A_218 = arith.constant 0 : i32
      %dma_wait3A_219 = tpu.memref_slice %arg2[%dma_wait3A_217, %dma_wait3A_218] : memref<20000x64xf32, #tpu.memory_space<hbm>> -> memref<20000x64xf32, #tpu.memory_space<hbm>>
      tpu.wait_indirect_dma semaphore(%arg14 : memref<!tpu.dma_semaphore, #tpu.memory_space<semaphore_mem>>) src(%dma_wait3A_219 : memref<20000x64xf32, #tpu.memory_space<hbm>>) dst(%arg9 : memref<128x64xf32, #tpu.memory_space<vmem>>)
      %dma_start3A_220 = arith.constant 0 : i32
      %dma_start3A_221 = tpu.memref_slice %arg7[%add3A_213, %dma_start3A_220] : memref<162x128xi32, #tpu.memory_space<vmem>> -> memref<1x128xi32, #tpu.memory_space<vmem>>
      %dma_start3A_222 = tpu.memref_squeeze %dma_start3A_221 : memref<1x128xi32, #tpu.memory_space<vmem>> -> memref<128xi32, #tpu.memory_space<vmem>>
      %dma_start3A_223 = arith.constant 0 : i32
      %dma_start3A_224 = arith.constant 0 : i32
      %dma_start3A_225 = tpu.memref_slice %arg11[%dma_start3A_223, %dma_start3A_224] : memref<10240x64xf32, #tpu.memory_space<vmem_shared>> -> memref<10240x64xf32, #tpu.memory_space<vmem_shared>>
      tpu.enqueue_indirect_dma source(%arg9 : memref<128x64xf32, #tpu.memory_space<vmem>>) target(%dma_start3A_225 : memref<10240x64xf32, #tpu.memory_space<vmem_shared>>) offsets(%dma_start3A_222 : memref<128xi32, #tpu.memory_space<vmem>>) semaphore(%arg16 : memref<!tpu.dma_semaphore, #tpu.memory_space<semaphore_mem>>) {add = true}
      %sub3A_226 = arith.constant 1 : i32
      %sub3A_227 = arith.subi %add3A_213, %sub3A_226 : i32
      %dma_wait3A_228 = arith.constant 0 : i32
      %dma_wait3A_229 = tpu.memref_slice %arg7[%sub3A_227, %dma_wait3A_228] : memref<162x128xi32, #tpu.memory_space<vmem>> -> memref<1x128xi32, #tpu.memory_space<vmem>>
      %dma_wait3A_230 = tpu.memref_squeeze %dma_wait3A_229 : memref<1x128xi32, #tpu.memory_space<vmem>> -> memref<128xi32, #tpu.memory_space<vmem>>
      %dma_wait3A_231 = arith.constant 0 : i32
      %dma_wait3A_232 = arith.constant 0 : i32
      %dma_wait3A_233 = tpu.memref_slice %arg11[%dma_wait3A_231, %dma_wait3A_232] : memref<10240x64xf32, #tpu.memory_space<vmem_shared>> -> memref<10240x64xf32, #tpu.memory_space<vmem_shared>>
      tpu.wait_indirect_dma semaphore(%arg15 : memref<!tpu.dma_semaphore, #tpu.memory_space<semaphore_mem>>) src(%arg8 : memref<128x64xf32, #tpu.memory_space<vmem>>) dst(%dma_wait3A_233 : memref<10240x64xf32, #tpu.memory_space<vmem_shared>>)
      %add3A_234 = arith.constant 1 : i32
      %add3A_235 = arith.addi %add3A_213, %add3A_234 : i32
      %dma_start3A_236 = arith.constant 0 : i32
      %dma_start3A_237 = tpu.memref_slice %arg6[%add3A_235, %dma_start3A_236] : memref<162x128xi32, #tpu.memory_space<vmem>> -> memref<1x128xi32, #tpu.memory_space<vmem>>
      %dma_start3A_238 = tpu.memref_squeeze %dma_start3A_237 : memref<1x128xi32, #tpu.memory_space<vmem>> -> memref<128xi32, #tpu.memory_space<vmem>>
      %dma_start3A_239 = arith.constant 0 : i32
      %dma_start3A_240 = arith.constant 0 : i32
      %dma_start3A_241 = tpu.memref_slice %arg2[%dma_start3A_239, %dma_start3A_240] : memref<20000x64xf32, #tpu.memory_space<hbm>> -> memref<20000x64xf32, #tpu.memory_space<hbm>>
      tpu.enqueue_indirect_dma source(%dma_start3A_241 : memref<20000x64xf32, #tpu.memory_space<hbm>>) target(%arg8 : memref<128x64xf32, #tpu.memory_space<vmem>>) offsets(%dma_start3A_238 : memref<128xi32, #tpu.memory_space<vmem>>) semaphore(%arg13 : memref<!tpu.dma_semaphore, #tpu.memory_space<semaphore_mem>>)
    }
    %scan3A_122 = arith.constant 79 : i32
    %dma_wait3A_123 = arith.constant 160 : i32
    %dma_wait3A_124 = arith.constant 0 : i32
    %dma_wait3A_125 = tpu.memref_slice %arg6[%dma_wait3A_123, %dma_wait3A_124] : memref<162x128xi32, #tpu.memory_space<vmem>> -> memref<1x128xi32, #tpu.memory_space<vmem>>
    %dma_wait3A_126 = tpu.memref_squeeze %dma_wait3A_125 : memref<1x128xi32, #tpu.memory_space<vmem>> -> memref<128xi32, #tpu.memory_space<vmem>>
    %dma_wait3A_127 = arith.constant 0 : i32
    %dma_wait3A_128 = arith.constant 0 : i32
    %dma_wait3A_129 = tpu.memref_slice %arg2[%dma_wait3A_127, %dma_wait3A_128] : memref<20000x64xf32, #tpu.memory_space<hbm>> -> memref<20000x64xf32, #tpu.memory_space<hbm>>
    tpu.wait_indirect_dma semaphore(%arg13 : memref<!tpu.dma_semaphore, #tpu.memory_space<semaphore_mem>>) src(%dma_wait3A_129 : memref<20000x64xf32, #tpu.memory_space<hbm>>) dst(%arg8 : memref<128x64xf32, #tpu.memory_space<vmem>>)
    %dma_start3A_130 = arith.constant 160 : i32
    %dma_start3A_131 = arith.constant 0 : i32
    %dma_start3A_132 = tpu.memref_slice %arg7[%dma_start3A_130, %dma_start3A_131] : memref<162x128xi32, #tpu.memory_space<vmem>> -> memref<1x128xi32, #tpu.memory_space<vmem>>
    %dma_start3A_133 = tpu.memref_squeeze %dma_start3A_132 : memref<1x128xi32, #tpu.memory_space<vmem>> -> memref<128xi32, #tpu.memory_space<vmem>>
    %dma_start3A_134 = arith.constant 0 : i32
    %dma_start3A_135 = arith.constant 0 : i32
    %dma_start3A_136 = tpu.memref_slice %arg11[%dma_start3A_134, %dma_start3A_135] : memref<10240x64xf32, #tpu.memory_space<vmem_shared>> -> memref<10240x64xf32, #tpu.memory_space<vmem_shared>>
    tpu.enqueue_indirect_dma source(%arg8 : memref<128x64xf32, #tpu.memory_space<vmem>>) target(%dma_start3A_136 : memref<10240x64xf32, #tpu.memory_space<vmem_shared>>) offsets(%dma_start3A_133 : memref<128xi32, #tpu.memory_space<vmem>>) semaphore(%arg15 : memref<!tpu.dma_semaphore, #tpu.memory_space<semaphore_mem>>) {add = true}
    %dma_wait3A_137 = arith.constant 159 : i32
    %dma_wait3A_138 = arith.constant 0 : i32
    %dma_wait3A_139 = tpu.memref_slice %arg7[%dma_wait3A_137, %dma_wait3A_138] : memref<162x128xi32, #tpu.memory_space<vmem>> -> memref<1x128xi32, #tpu.memory_space<vmem>>
    %dma_wait3A_140 = tpu.memref_squeeze %dma_wait3A_139 : memref<1x128xi32, #tpu.memory_space<vmem>> -> memref<128xi32, #tpu.memory_space<vmem>>
    %dma_wait3A_141 = arith.constant 0 : i32
    %dma_wait3A_142 = arith.constant 0 : i32
    %dma_wait3A_143 = tpu.memref_slice %arg11[%dma_wait3A_141, %dma_wait3A_142] : memref<10240x64xf32, #tpu.memory_space<vmem_shared>> -> memref<10240x64xf32, #tpu.memory_space<vmem_shared>>
    tpu.wait_indirect_dma semaphore(%arg16 : memref<!tpu.dma_semaphore, #tpu.memory_space<semaphore_mem>>) src(%arg9 : memref<128x64xf32, #tpu.memory_space<vmem>>) dst(%dma_wait3A_143 : memref<10240x64xf32, #tpu.memory_space<vmem_shared>>)
    %dma_start3A_144 = arith.constant 161 : i32
    %dma_start3A_145 = arith.constant 0 : i32
    %dma_start3A_146 = tpu.memref_slice %arg6[%dma_start3A_144, %dma_start3A_145] : memref<162x128xi32, #tpu.memory_space<vmem>> -> memref<1x128xi32, #tpu.memory_space<vmem>>
    %dma_start3A_147 = tpu.memref_squeeze %dma_start3A_146 : memref<1x128xi32, #tpu.memory_space<vmem>> -> memref<128xi32, #tpu.memory_space<vmem>>
    %dma_start3A_148 = arith.constant 0 : i32
    %dma_start3A_149 = arith.constant 0 : i32
    %dma_start3A_150 = tpu.memref_slice %arg2[%dma_start3A_148, %dma_start3A_149] : memref<20000x64xf32, #tpu.memory_space<hbm>> -> memref<20000x64xf32, #tpu.memory_space<hbm>>
    tpu.enqueue_indirect_dma source(%dma_start3A_150 : memref<20000x64xf32, #tpu.memory_space<hbm>>) target(%arg9 : memref<128x64xf32, #tpu.memory_space<vmem>>) offsets(%dma_start3A_147 : memref<128xi32, #tpu.memory_space<vmem>>) semaphore(%arg14 : memref<!tpu.dma_semaphore, #tpu.memory_space<semaphore_mem>>)
    %dma_wait3A_151 = arith.constant 161 : i32
    %dma_wait3A_152 = arith.constant 0 : i32
    %dma_wait3A_153 = tpu.memref_slice %arg6[%dma_wait3A_151, %dma_wait3A_152] : memref<162x128xi32, #tpu.memory_space<vmem>> -> memref<1x128xi32, #tpu.memory_space<vmem>>
    %dma_wait3A_154 = tpu.memref_squeeze %dma_wait3A_153 : memref<1x128xi32, #tpu.memory_space<vmem>> -> memref<128xi32, #tpu.memory_space<vmem>>
    %dma_wait3A_155 = arith.constant 0 : i32
    %dma_wait3A_156 = arith.constant 0 : i32
    %dma_wait3A_157 = tpu.memref_slice %arg2[%dma_wait3A_155, %dma_wait3A_156] : memref<20000x64xf32, #tpu.memory_space<hbm>> -> memref<20000x64xf32, #tpu.memory_space<hbm>>
    tpu.wait_indirect_dma semaphore(%arg14 : memref<!tpu.dma_semaphore, #tpu.memory_space<semaphore_mem>>) src(%dma_wait3A_157 : memref<20000x64xf32, #tpu.memory_space<hbm>>) dst(%arg9 : memref<128x64xf32, #tpu.memory_space<vmem>>)
    %dma_start3A_158 = arith.constant 161 : i32
    %dma_start3A_159 = arith.constant 0 : i32
    %dma_start3A_160 = tpu.memref_slice %arg7[%dma_start3A_158, %dma_start3A_159] : memref<162x128xi32, #tpu.memory_space<vmem>> -> memref<1x128xi32, #tpu.memory_space<vmem>>
    %dma_start3A_161 = tpu.memref_squeeze %dma_start3A_160 : memref<1x128xi32, #tpu.memory_space<vmem>> -> memref<128xi32, #tpu.memory_space<vmem>>
    %dma_start3A_162 = arith.constant 0 : i32
    %dma_start3A_163 = arith.constant 0 : i32
    %dma_start3A_164 = tpu.memref_slice %arg11[%dma_start3A_162, %dma_start3A_163] : memref<10240x64xf32, #tpu.memory_space<vmem_shared>> -> memref<10240x64xf32, #tpu.memory_space<vmem_shared>>
    tpu.enqueue_indirect_dma source(%arg9 : memref<128x64xf32, #tpu.memory_space<vmem>>) target(%dma_start3A_164 : memref<10240x64xf32, #tpu.memory_space<vmem_shared>>) offsets(%dma_start3A_161 : memref<128xi32, #tpu.memory_space<vmem>>) semaphore(%arg16 : memref<!tpu.dma_semaphore, #tpu.memory_space<semaphore_mem>>) {add = true}
    %dma_wait3A_165 = arith.constant 160 : i32
    %dma_wait3A_166 = arith.constant 0 : i32
    %dma_wait3A_167 = tpu.memref_slice %arg7[%dma_wait3A_165, %dma_wait3A_166] : memref<162x128xi32, #tpu.memory_space<vmem>> -> memref<1x128xi32, #tpu.memory_space<vmem>>
    %dma_wait3A_168 = tpu.memref_squeeze %dma_wait3A_167 : memref<1x128xi32, #tpu.memory_space<vmem>> -> memref<128xi32, #tpu.memory_space<vmem>>
    %dma_wait3A_169 = arith.constant 0 : i32
    %dma_wait3A_170 = arith.constant 0 : i32
    %dma_wait3A_171 = tpu.memref_slice %arg11[%dma_wait3A_169, %dma_wait3A_170] : memref<10240x64xf32, #tpu.memory_space<vmem_shared>> -> memref<10240x64xf32, #tpu.memory_space<vmem_shared>>
    tpu.wait_indirect_dma semaphore(%arg15 : memref<!tpu.dma_semaphore, #tpu.memory_space<semaphore_mem>>) src(%arg8 : memref<128x64xf32, #tpu.memory_space<vmem>>) dst(%dma_wait3A_171 : memref<10240x64xf32, #tpu.memory_space<vmem_shared>>)
    %dma_wait3A_172 = arith.constant 161 : i32
    %dma_wait3A_173 = arith.constant 0 : i32
    %dma_wait3A_174 = tpu.memref_slice %arg7[%dma_wait3A_172, %dma_wait3A_173] : memref<162x128xi32, #tpu.memory_space<vmem>> -> memref<1x128xi32, #tpu.memory_space<vmem>>
    %dma_wait3A_175 = tpu.memref_squeeze %dma_wait3A_174 : memref<1x128xi32, #tpu.memory_space<vmem>> -> memref<128xi32, #tpu.memory_space<vmem>>
    %dma_wait3A_176 = arith.constant 0 : i32
    %dma_wait3A_177 = arith.constant 0 : i32
    %dma_wait3A_178 = tpu.memref_slice %arg11[%dma_wait3A_176, %dma_wait3A_177] : memref<10240x64xf32, #tpu.memory_space<vmem_shared>> -> memref<10240x64xf32, #tpu.memory_space<vmem_shared>>
    tpu.wait_indirect_dma semaphore(%arg16 : memref<!tpu.dma_semaphore, #tpu.memory_space<semaphore_mem>>) src(%arg9 : memref<128x64xf32, #tpu.memory_space<vmem>>) dst(%dma_wait3A_178 : memref<10240x64xf32, #tpu.memory_space<vmem_shared>>)
    %barrier3A_179 = arith.constant 0 : index
    tpu.barrier barrier_id(%barrier3A_179)
    "tpu.region"() ({
      %run_scoped3A = tpu.sem_alloc : memref<!tpu.dma_semaphore, #tpu.memory_space<semaphore_mem>>
      %dma_start3A_180 = arith.constant 0 : i32
      %dma_start3A_181 = tpu.memref_slice %arg5[%arg0, %mul3A_0, %dma_start3A_180] : memref<2x10240x64xf32, #tpu.memory_space<hbm>> -> memref<1x640x64xf32, #tpu.memory_space<hbm>>
      %dma_start3A_182 = tpu.memref_squeeze %dma_start3A_181 : memref<1x640x64xf32, #tpu.memory_space<hbm>> -> memref<640x64xf32, #tpu.memory_space<hbm>>
      %dma_start3A_183 = arith.constant 0 : i32
      %dma_start3A_184 = tpu.memref_slice %arg11[%mul3A_0, %dma_start3A_183] : memref<10240x64xf32, #tpu.memory_space<vmem_shared>> -> memref<640x64xf32, #tpu.memory_space<vmem_shared>>
      tpu.enqueue_dma source(%dma_start3A_184 : memref<640x64xf32, #tpu.memory_space<vmem_shared>>) target(%dma_start3A_182 : memref<640x64xf32, #tpu.memory_space<hbm>>) target_semaphore(%run_scoped3A : memref<!tpu.dma_semaphore, #tpu.memory_space<semaphore_mem>>)
      %dma_wait3A_185 = arith.constant 0 : i32
      %dma_wait3A_186 = tpu.memref_slice %arg5[%arg0, %mul3A_0, %dma_wait3A_185] : memref<2x10240x64xf32, #tpu.memory_space<hbm>> -> memref<1x640x64xf32, #tpu.memory_space<hbm>>
      %dma_wait3A_187 = tpu.memref_squeeze %dma_wait3A_186 : memref<1x640x64xf32, #tpu.memory_space<hbm>> -> memref<640x64xf32, #tpu.memory_space<hbm>>
      %dma_wait3A_188 = arith.constant 0 : i32
      %dma_wait3A_189 = tpu.memref_slice %arg11[%mul3A_0, %dma_wait3A_188] : memref<10240x64xf32, #tpu.memory_space<vmem_shared>> -> memref<640x64xf32, #tpu.memory_space<vmem_shared>>
      tpu.wait_dma2 semaphore(%run_scoped3A : memref<!tpu.dma_semaphore, #tpu.memory_space<semaphore_mem>>) src(%dma_wait3A_189 : memref<640x64xf32, #tpu.memory_space<vmem_shared>>) dst(%dma_wait3A_187 : memref<640x64xf32, #tpu.memory_space<hbm>>)
      tpu.yield
    }) : () -> ()
    return
  }
}

module attributes {stable_mosaic.version = 14 : i64} {
  func.func @_kan_ln_body(%arg0: i32, %arg1: memref<2x400x64xf32, #tpu.memory_space<vmem>>, %arg2: memref<400x2xf32, #tpu.memory_space<vmem>>, %arg3: memref<128x128xf32, #tpu.memory_space<vmem>>, %arg4: memref<128x128xf32, #tpu.memory_space<vmem>>, %arg5: memref<128x128xf32, #tpu.memory_space<vmem>>, %arg6: memref<2x400x64xf32, #tpu.memory_space<vmem>>) attributes {dimension_semantics = [#tpu.dimension_semantics<arbitrary>], iteration_bounds = array<i64: 25>, scalar_prefetch = 0 : i64, scratch_operands = 0 : i64, tpu.core_type = #tpu.core_type<tc>, window_params = [{transform_indices = @transform_0, window_bounds = array<i64: 2, 400, 64>}, {transform_indices = @transform_1, window_bounds = array<i64: 400, 2>}, {pipeline_mode = #tpu.pipeline_mode<synchronous>, transform_indices = @transform_2, window_bounds = array<i64: 128, 128>}, {pipeline_mode = #tpu.pipeline_mode<synchronous>, transform_indices = @transform_3, window_bounds = array<i64: 128, 128>}, {pipeline_mode = #tpu.pipeline_mode<synchronous>, transform_indices = @transform_4, window_bounds = array<i64: 128, 128>}, {transform_indices = @transform_5, window_bounds = array<i64: 2, 400, 64>}]} {
    %get3A = arith.constant 0 : index
    %get3A_0 = arith.constant 0 : index
    %get3A_1 = vector.load %arg2[%get3A, %get3A_0] : memref<400x2xf32, #tpu.memory_space<vmem>>, vector<400x1xf32>
    %get3A_2 = vector.shape_cast %get3A_1 : vector<400x1xf32> to vector<400xf32>
    %max3A = arith.constant 1.000000e+00 : f32
    %max3A_3 = vector.broadcast %max3A : f32 to vector<400xf32>
    %max3A_4 = arith.maximumf %get3A_2, %max3A_3 : vector<400xf32>
    %get3A_5 = arith.constant 0 : index
    %get3A_6 = arith.constant 0 : index
    %get3A_7 = arith.constant 0 : index
    %get3A_8 = vector.load %arg1[%get3A_5, %get3A_6, %get3A_7] : memref<2x400x64xf32, #tpu.memory_space<vmem>>, vector<1x400x64xf32>
    %get3A_9 = vector.shape_cast %get3A_8 : vector<1x400x64xf32> to vector<400x64xf32>
    %get3A_10 = arith.constant 1 : index
    %get3A_11 = arith.constant 0 : index
    %get3A_12 = arith.constant 0 : index
    %get3A_13 = vector.load %arg1[%get3A_10, %get3A_11, %get3A_12] : memref<2x400x64xf32, #tpu.memory_space<vmem>>, vector<1x400x64xf32>
    %get3A_14 = vector.shape_cast %get3A_13 : vector<1x400x64xf32> to vector<400x64xf32>
    %concatenate3A = tpu.concatenate %get3A_9, %get3A_14 in 1 : vector<400x64xf32>, vector<400x64xf32> -> vector<400x128xf32>
    %broadcast_in_dim3A = vector.shape_cast %max3A_4 : vector<400xf32> to vector<400x1xf32>
    %div3A = vector.broadcast %broadcast_in_dim3A : vector<400x1xf32> to vector<400x128xf32>
    %div3A_15 = arith.divf %concatenate3A, %div3A : vector<400x128xf32>
    %get3A_16 = arith.constant 0 : index
    %get3A_17 = arith.constant 0 : index
    %get3A_18 = vector.load %arg3[%get3A_16, %get3A_17] : memref<128x128xf32, #tpu.memory_space<vmem>>, vector<128x128xf32>
    %get3A_19 = arith.constant 0 : index
    %get3A_20 = arith.constant 0 : index
    %get3A_21 = vector.load %arg4[%get3A_19, %get3A_20] : memref<128x128xf32, #tpu.memory_space<vmem>>, vector<128x128xf32>
    %get3A_22 = arith.constant 0 : index
    %get3A_23 = arith.constant 0 : index
    %get3A_24 = vector.load %arg5[%get3A_22, %get3A_23] : memref<128x128xf32, #tpu.memory_space<vmem>>, vector<128x128xf32>
    %add3A = arith.constant 1.000000e+00 : f32
    %add3A_25 = vector.broadcast %add3A : f32 to vector<400x128xf32>
    %add3A_26 = arith.addf %div3A_15, %add3A_25 : vector<400x128xf32>
    %mul3A = arith.constant 5.000000e-01 : f32
    %mul3A_27 = vector.broadcast %mul3A : f32 to vector<400x128xf32>
    %mul3A_28 = arith.mulf %add3A_26, %mul3A_27 : vector<400x128xf32>
    %integer_pow3A = arith.mulf %mul3A_28, %mul3A_28 : vector<400x128xf32>
    %neg3A = arith.constant 0.000000e+00 : f32
    %neg3A_29 = vector.broadcast %neg3A : f32 to vector<400x128xf32>
    %neg3A_30 = arith.subf %neg3A_29, %integer_pow3A : vector<400x128xf32>
    %exp3A = math.exp %neg3A_30 : vector<400x128xf32>
    %sub3A = arith.constant 1.000000e+00 : f32
    %sub3A_31 = vector.broadcast %sub3A : f32 to vector<400x128xf32>
    %sub3A_32 = arith.subf %div3A_15, %sub3A_31 : vector<400x128xf32>
    %mul3A_33 = arith.constant 5.000000e-01 : f32
    %mul3A_34 = vector.broadcast %mul3A_33 : f32 to vector<400x128xf32>
    %mul3A_35 = arith.mulf %sub3A_32, %mul3A_34 : vector<400x128xf32>
    %integer_pow3A_36 = arith.mulf %mul3A_35, %mul3A_35 : vector<400x128xf32>
    %neg3A_37 = arith.constant 0.000000e+00 : f32
    %neg3A_38 = vector.broadcast %neg3A_37 : f32 to vector<400x128xf32>
    %neg3A_39 = arith.subf %neg3A_38, %integer_pow3A_36 : vector<400x128xf32>
    %exp3A_40 = math.exp %neg3A_39 : vector<400x128xf32>
    %logistic3A = arith.negf %div3A_15 : vector<400x128xf32>
    %logistic3A_41 = math.exp %logistic3A : vector<400x128xf32>
    %logistic3A_42 = arith.constant 1.000000e+00 : f32
    %logistic3A_43 = vector.broadcast %logistic3A_42 : f32 to vector<400x128xf32>
    %logistic3A_44 = arith.addf %logistic3A_43, %logistic3A_41 : vector<400x128xf32>
    %logistic3A_45 = arith.divf %logistic3A_43, %logistic3A_44 : vector<400x128xf32>
    %mul3A_46 = arith.mulf %div3A_15, %logistic3A_45 : vector<400x128xf32>
    %dot_general3A = arith.constant dense<0.000000e+00> : vector<400x128xf32>
    %dot_general3A_47 = tpu.matmul %exp3A, %get3A_18, %dot_general3A {dimension_numbers = #tpu.dot_dimension_numbers<[1], [0], [0], [1], [0, 0, 1, 1], [], []>, precision = #tpu.contract_precision<fp32>, transpose_lhs_hint = false} : vector<400x128xf32>, vector<128x128xf32>, vector<400x128xf32> -> vector<400x128xf32>
    %dot_general3A_48 = arith.constant dense<0.000000e+00> : vector<400x128xf32>
    %dot_general3A_49 = tpu.matmul %exp3A_40, %get3A_21, %dot_general3A_48 {dimension_numbers = #tpu.dot_dimension_numbers<[1], [0], [0], [1], [0, 0, 1, 1], [], []>, precision = #tpu.contract_precision<fp32>, transpose_lhs_hint = false} : vector<400x128xf32>, vector<128x128xf32>, vector<400x128xf32> -> vector<400x128xf32>
    %add3A_50 = arith.addf %dot_general3A_47, %dot_general3A_49 : vector<400x128xf32>
    %dot_general3A_51 = arith.constant dense<0.000000e+00> : vector<400x128xf32>
    %dot_general3A_52 = tpu.matmul %mul3A_46, %get3A_24, %dot_general3A_51 {dimension_numbers = #tpu.dot_dimension_numbers<[1], [0], [0], [1], [0, 0, 1, 1], [], []>, precision = #tpu.contract_precision<fp32>, transpose_lhs_hint = false} : vector<400x128xf32>, vector<128x128xf32>, vector<400x128xf32> -> vector<400x128xf32>
    %add3A_53 = arith.addf %add3A_50, %dot_general3A_52 : vector<400x128xf32>
    %reduce_sum3A = arith.constant dense<0.000000e+00> : vector<400xf32>
    %reduce_sum3A_54 = vector.multi_reduction <add>, %add3A_53, %reduce_sum3A [1] : vector<400x128xf32> to vector<400xf32>
    %broadcast_in_dim3A_55 = vector.shape_cast %reduce_sum3A_54 : vector<400xf32> to vector<400x1xf32>
    %div3A_56 = arith.constant 1.280000e+02 : f32
    %div3A_57 = vector.broadcast %div3A_56 : f32 to vector<400x1xf32>
    %div3A_58 = arith.divf %broadcast_in_dim3A_55, %div3A_57 : vector<400x1xf32>
    %sub3A_59 = vector.broadcast %div3A_58 : vector<400x1xf32> to vector<400x128xf32>
    %sub3A_60 = arith.subf %add3A_53, %sub3A_59 : vector<400x128xf32>
    %mul3A_61 = arith.mulf %sub3A_60, %sub3A_60 : vector<400x128xf32>
    %reduce_sum3A_62 = arith.constant dense<0.000000e+00> : vector<400xf32>
    %reduce_sum3A_63 = vector.multi_reduction <add>, %mul3A_61, %reduce_sum3A_62 [1] : vector<400x128xf32> to vector<400xf32>
    %broadcast_in_dim3A_64 = vector.shape_cast %reduce_sum3A_63 : vector<400xf32> to vector<400x1xf32>
    %div3A_65 = arith.constant 1.280000e+02 : f32
    %div3A_66 = vector.broadcast %div3A_65 : f32 to vector<400x1xf32>
    %div3A_67 = arith.divf %broadcast_in_dim3A_64, %div3A_66 : vector<400x1xf32>
    %add3A_68 = arith.constant 9.99999974E-6 : f32
    %add3A_69 = vector.broadcast %add3A_68 : f32 to vector<400x1xf32>
    %add3A_70 = arith.addf %div3A_67, %add3A_69 : vector<400x1xf32>
    %rsqrt3A = math.rsqrt %add3A_70 : vector<400x1xf32>
    %mul3A_71 = vector.broadcast %rsqrt3A : vector<400x1xf32> to vector<400x128xf32>
    %mul3A_72 = arith.mulf %sub3A_60, %mul3A_71 : vector<400x128xf32>
    %slice3A = vector.extract_strided_slice %mul3A_72 {offsets = [0, 0], sizes = [400, 64], strides = [1, 1]} : vector<400x128xf32> to vector<400x64xf32>
    %swap3A = arith.constant 0 : index
    %swap3A_73 = arith.constant 0 : index
    %swap3A_74 = arith.constant 0 : index
    %swap3A_75 = vector.load %arg6[%swap3A, %swap3A_73, %swap3A_74] : memref<2x400x64xf32, #tpu.memory_space<vmem>>, vector<1x400x64xf32>
    %swap3A_76 = vector.shape_cast %swap3A_75 : vector<1x400x64xf32> to vector<400x64xf32>
    %swap3A_77 = vector.shape_cast %slice3A : vector<400x64xf32> to vector<1x400x64xf32>
    tpu.vector_store %arg6[%swap3A, %swap3A_73, %swap3A_74], %swap3A_77 {strides = array<i32>} : memref<2x400x64xf32, #tpu.memory_space<vmem>>, vector<1x400x64xf32>,
    %slice3A_78 = vector.extract_strided_slice %mul3A_72 {offsets = [0, 64], sizes = [400, 64], strides = [1, 1]} : vector<400x128xf32> to vector<400x64xf32>
    %swap3A_79 = arith.constant 1 : index
    %swap3A_80 = arith.constant 0 : index
    %swap3A_81 = arith.constant 0 : index
    %swap3A_82 = vector.load %arg6[%swap3A_79, %swap3A_80, %swap3A_81] : memref<2x400x64xf32, #tpu.memory_space<vmem>>, vector<1x400x64xf32>
    %swap3A_83 = vector.shape_cast %swap3A_82 : vector<1x400x64xf32> to vector<400x64xf32>
    %swap3A_84 = vector.shape_cast %slice3A_78 : vector<400x64xf32> to vector<1x400x64xf32>
    tpu.vector_store %arg6[%swap3A_79, %swap3A_80, %swap3A_81], %swap3A_84 {strides = array<i32>} : memref<2x400x64xf32, #tpu.memory_space<vmem>>, vector<1x400x64xf32>,
    return
  }
  func.func @transform_0(%arg0: i32) -> (i32, i32, i32) {
    %c0_i32 = arith.constant 0 : i32
    %c0_i32_0 = arith.constant 0 : i32
    %c0_i32_1 = arith.constant 0 : i32
    return %c0_i32, %arg0, %c0_i32_0 : i32, i32, i32
  }
  func.func @transform_1(%arg0: i32) -> (i32, i32) {
    %c0_i32 = arith.constant 0 : i32
    %c0_i32_0 = arith.constant 0 : i32
    return %arg0, %c0_i32 : i32, i32
  }
  func.func @transform_2(%arg0: i32) -> (i32, i32) {
    %c0_i32 = arith.constant 0 : i32
    %c0_i32_0 = arith.constant 0 : i32
    %c0_i32_1 = arith.constant 0 : i32
    return %c0_i32, %c0_i32_0 : i32, i32
  }
  func.func @transform_3(%arg0: i32) -> (i32, i32) {
    %c0_i32 = arith.constant 0 : i32
    %c0_i32_0 = arith.constant 0 : i32
    %c0_i32_1 = arith.constant 0 : i32
    return %c0_i32, %c0_i32_0 : i32, i32
  }
  func.func @transform_4(%arg0: i32) -> (i32, i32) {
    %c0_i32 = arith.constant 0 : i32
    %c0_i32_0 = arith.constant 0 : i32
    %c0_i32_1 = arith.constant 0 : i32
    return %c0_i32, %c0_i32_0 : i32, i32
  }
  func.func @transform_5(%arg0: i32) -> (i32, i32, i32) {
    %c0_i32 = arith.constant 0 : i32
    %c0_i32_0 = arith.constant 0 : i32
    %c0_i32_1 = arith.constant 0 : i32
    return %c0_i32, %arg0, %c0_i32_0 : i32, i32, i32
  }
}

module attributes {stable_mosaic.version = 14 : i64} {
  func.func @_kan_ln_head_body(%arg0: i32, %arg1: memref<2x400x64xf32, #tpu.memory_space<vmem>>, %arg2: memref<400x2xf32, #tpu.memory_space<vmem>>, %arg3: memref<128x128xf32, #tpu.memory_space<vmem>>, %arg4: memref<128x128xf32, #tpu.memory_space<vmem>>, %arg5: memref<128x128xf32, #tpu.memory_space<vmem>>, %arg6: memref<128x8xf32, #tpu.memory_space<vmem>>, %arg7: memref<128x8xf32, #tpu.memory_space<vmem>>, %arg8: memref<128x8xf32, #tpu.memory_space<vmem>>, %arg9: memref<400x8xf32, #tpu.memory_space<vmem>>) attributes {dimension_semantics = [#tpu.dimension_semantics<arbitrary>], iteration_bounds = array<i64: 25>, scalar_prefetch = 0 : i64, scratch_operands = 0 : i64, tpu.core_type = #tpu.core_type<tc>, window_params = [{transform_indices = @transform_0, window_bounds = array<i64: 2, 400, 64>}, {transform_indices = @transform_1, window_bounds = array<i64: 400, 2>}, {pipeline_mode = #tpu.pipeline_mode<synchronous>, transform_indices = @transform_2, window_bounds = array<i64: 128, 128>}, {pipeline_mode = #tpu.pipeline_mode<synchronous>, transform_indices = @transform_3, window_bounds = array<i64: 128, 128>}, {pipeline_mode = #tpu.pipeline_mode<synchronous>, transform_indices = @transform_4, window_bounds = array<i64: 128, 128>}, {pipeline_mode = #tpu.pipeline_mode<synchronous>, transform_indices = @transform_5, window_bounds = array<i64: 128, 8>}, {pipeline_mode = #tpu.pipeline_mode<synchronous>, transform_indices = @transform_6, window_bounds = array<i64: 128, 8>}, {pipeline_mode = #tpu.pipeline_mode<synchronous>, transform_indices = @transform_7, window_bounds = array<i64: 128, 8>}, {transform_indices = @transform_8, window_bounds = array<i64: 400, 8>}]} {
    %get3A = arith.constant 0 : index
    %get3A_0 = arith.constant 0 : index
    %get3A_1 = vector.load %arg2[%get3A, %get3A_0] : memref<400x2xf32, #tpu.memory_space<vmem>>, vector<400x1xf32>
    %get3A_2 = vector.shape_cast %get3A_1 : vector<400x1xf32> to vector<400xf32>
    %max3A = arith.constant 1.000000e+00 : f32
    %max3A_3 = vector.broadcast %max3A : f32 to vector<400xf32>
    %max3A_4 = arith.maximumf %get3A_2, %max3A_3 : vector<400xf32>
    %get3A_5 = arith.constant 0 : index
    %get3A_6 = arith.constant 0 : index
    %get3A_7 = arith.constant 0 : index
    %get3A_8 = vector.load %arg1[%get3A_5, %get3A_6, %get3A_7] : memref<2x400x64xf32, #tpu.memory_space<vmem>>, vector<1x400x64xf32>
    %get3A_9 = vector.shape_cast %get3A_8 : vector<1x400x64xf32> to vector<400x64xf32>
    %get3A_10 = arith.constant 1 : index
    %get3A_11 = arith.constant 0 : index
    %get3A_12 = arith.constant 0 : index
    %get3A_13 = vector.load %arg1[%get3A_10, %get3A_11, %get3A_12] : memref<2x400x64xf32, #tpu.memory_space<vmem>>, vector<1x400x64xf32>
    %get3A_14 = vector.shape_cast %get3A_13 : vector<1x400x64xf32> to vector<400x64xf32>
    %concatenate3A = tpu.concatenate %get3A_9, %get3A_14 in 1 : vector<400x64xf32>, vector<400x64xf32> -> vector<400x128xf32>
    %broadcast_in_dim3A = vector.shape_cast %max3A_4 : vector<400xf32> to vector<400x1xf32>
    %div3A = vector.broadcast %broadcast_in_dim3A : vector<400x1xf32> to vector<400x128xf32>
    %div3A_15 = arith.divf %concatenate3A, %div3A : vector<400x128xf32>
    %get3A_16 = arith.constant 0 : index
    %get3A_17 = arith.constant 0 : index
    %get3A_18 = vector.load %arg3[%get3A_16, %get3A_17] : memref<128x128xf32, #tpu.memory_space<vmem>>, vector<128x128xf32>
    %get3A_19 = arith.constant 0 : index
    %get3A_20 = arith.constant 0 : index
    %get3A_21 = vector.load %arg4[%get3A_19, %get3A_20] : memref<128x128xf32, #tpu.memory_space<vmem>>, vector<128x128xf32>
    %get3A_22 = arith.constant 0 : index
    %get3A_23 = arith.constant 0 : index
    %get3A_24 = vector.load %arg5[%get3A_22, %get3A_23] : memref<128x128xf32, #tpu.memory_space<vmem>>, vector<128x128xf32>
    %add3A = arith.constant 1.000000e+00 : f32
    %add3A_25 = vector.broadcast %add3A : f32 to vector<400x128xf32>
    %add3A_26 = arith.addf %div3A_15, %add3A_25 : vector<400x128xf32>
    %mul3A = arith.constant 5.000000e-01 : f32
    %mul3A_27 = vector.broadcast %mul3A : f32 to vector<400x128xf32>
    %mul3A_28 = arith.mulf %add3A_26, %mul3A_27 : vector<400x128xf32>
    %integer_pow3A = arith.mulf %mul3A_28, %mul3A_28 : vector<400x128xf32>
    %neg3A = arith.constant 0.000000e+00 : f32
    %neg3A_29 = vector.broadcast %neg3A : f32 to vector<400x128xf32>
    %neg3A_30 = arith.subf %neg3A_29, %integer_pow3A : vector<400x128xf32>
    %exp3A = math.exp %neg3A_30 : vector<400x128xf32>
    %sub3A = arith.constant 1.000000e+00 : f32
    %sub3A_31 = vector.broadcast %sub3A : f32 to vector<400x128xf32>
    %sub3A_32 = arith.subf %div3A_15, %sub3A_31 : vector<400x128xf32>
    %mul3A_33 = arith.constant 5.000000e-01 : f32
    %mul3A_34 = vector.broadcast %mul3A_33 : f32 to vector<400x128xf32>
    %mul3A_35 = arith.mulf %sub3A_32, %mul3A_34 : vector<400x128xf32>
    %integer_pow3A_36 = arith.mulf %mul3A_35, %mul3A_35 : vector<400x128xf32>
    %neg3A_37 = arith.constant 0.000000e+00 : f32
    %neg3A_38 = vector.broadcast %neg3A_37 : f32 to vector<400x128xf32>
    %neg3A_39 = arith.subf %neg3A_38, %integer_pow3A_36 : vector<400x128xf32>
    %exp3A_40 = math.exp %neg3A_39 : vector<400x128xf32>
    %logistic3A = arith.negf %div3A_15 : vector<400x128xf32>
    %logistic3A_41 = math.exp %logistic3A : vector<400x128xf32>
    %logistic3A_42 = arith.constant 1.000000e+00 : f32
    %logistic3A_43 = vector.broadcast %logistic3A_42 : f32 to vector<400x128xf32>
    %logistic3A_44 = arith.addf %logistic3A_43, %logistic3A_41 : vector<400x128xf32>
    %logistic3A_45 = arith.divf %logistic3A_43, %logistic3A_44 : vector<400x128xf32>
    %mul3A_46 = arith.mulf %div3A_15, %logistic3A_45 : vector<400x128xf32>
    %dot_general3A = arith.constant dense<0.000000e+00> : vector<400x128xf32>
    %dot_general3A_47 = tpu.matmul %exp3A, %get3A_18, %dot_general3A {dimension_numbers = #tpu.dot_dimension_numbers<[1], [0], [0], [1], [0, 0, 1, 1], [], []>, precision = #tpu.contract_precision<fp32>, transpose_lhs_hint = false} : vector<400x128xf32>, vector<128x128xf32>, vector<400x128xf32> -> vector<400x128xf32>
    %dot_general3A_48 = arith.constant dense<0.000000e+00> : vector<400x128xf32>
    %dot_general3A_49 = tpu.matmul %exp3A_40, %get3A_21, %dot_general3A_48 {dimension_numbers = #tpu.dot_dimension_numbers<[1], [0], [0], [1], [0, 0, 1, 1], [], []>, precision = #tpu.contract_precision<fp32>, transpose_lhs_hint = false} : vector<400x128xf32>, vector<128x128xf32>, vector<400x128xf32> -> vector<400x128xf32>
    %add3A_50 = arith.addf %dot_general3A_47, %dot_general3A_49 : vector<400x128xf32>
    %dot_general3A_51 = arith.constant dense<0.000000e+00> : vector<400x128xf32>
    %dot_general3A_52 = tpu.matmul %mul3A_46, %get3A_24, %dot_general3A_51 {dimension_numbers = #tpu.dot_dimension_numbers<[1], [0], [0], [1], [0, 0, 1, 1], [], []>, precision = #tpu.contract_precision<fp32>, transpose_lhs_hint = false} : vector<400x128xf32>, vector<128x128xf32>, vector<400x128xf32> -> vector<400x128xf32>
    %add3A_53 = arith.addf %add3A_50, %dot_general3A_52 : vector<400x128xf32>
    %reduce_sum3A = arith.constant dense<0.000000e+00> : vector<400xf32>
    %reduce_sum3A_54 = vector.multi_reduction <add>, %add3A_53, %reduce_sum3A [1] : vector<400x128xf32> to vector<400xf32>
    %broadcast_in_dim3A_55 = vector.shape_cast %reduce_sum3A_54 : vector<400xf32> to vector<400x1xf32>
    %div3A_56 = arith.constant 1.280000e+02 : f32
    %div3A_57 = vector.broadcast %div3A_56 : f32 to vector<400x1xf32>
    %div3A_58 = arith.divf %broadcast_in_dim3A_55, %div3A_57 : vector<400x1xf32>
    %sub3A_59 = vector.broadcast %div3A_58 : vector<400x1xf32> to vector<400x128xf32>
    %sub3A_60 = arith.subf %add3A_53, %sub3A_59 : vector<400x128xf32>
    %mul3A_61 = arith.mulf %sub3A_60, %sub3A_60 : vector<400x128xf32>
    %reduce_sum3A_62 = arith.constant dense<0.000000e+00> : vector<400xf32>
    %reduce_sum3A_63 = vector.multi_reduction <add>, %mul3A_61, %reduce_sum3A_62 [1] : vector<400x128xf32> to vector<400xf32>
    %broadcast_in_dim3A_64 = vector.shape_cast %reduce_sum3A_63 : vector<400xf32> to vector<400x1xf32>
    %div3A_65 = arith.constant 1.280000e+02 : f32
    %div3A_66 = vector.broadcast %div3A_65 : f32 to vector<400x1xf32>
    %div3A_67 = arith.divf %broadcast_in_dim3A_64, %div3A_66 : vector<400x1xf32>
    %add3A_68 = arith.constant 9.99999974E-6 : f32
    %add3A_69 = vector.broadcast %add3A_68 : f32 to vector<400x1xf32>
    %add3A_70 = arith.addf %div3A_67, %add3A_69 : vector<400x1xf32>
    %rsqrt3A = math.rsqrt %add3A_70 : vector<400x1xf32>
    %mul3A_71 = vector.broadcast %rsqrt3A : vector<400x1xf32> to vector<400x128xf32>
    %mul3A_72 = arith.mulf %sub3A_60, %mul3A_71 : vector<400x128xf32>
    %get3A_73 = arith.constant 0 : index
    %get3A_74 = arith.constant 0 : index
    %get3A_75 = vector.load %arg6[%get3A_73, %get3A_74] : memref<128x8xf32, #tpu.memory_space<vmem>>, vector<128x8xf32>
    %get3A_76 = arith.constant 0 : index
    %get3A_77 = arith.constant 0 : index
    %get3A_78 = vector.load %arg7[%get3A_76, %get3A_77] : memref<128x8xf32, #tpu.memory_space<vmem>>, vector<128x8xf32>
    %get3A_79 = arith.constant 0 : index
    %get3A_80 = arith.constant 0 : index
    %get3A_81 = vector.load %arg8[%get3A_79, %get3A_80] : memref<128x8xf32, #tpu.memory_space<vmem>>, vector<128x8xf32>
    %add3A_82 = arith.constant 1.000000e+00 : f32
    %add3A_83 = vector.broadcast %add3A_82 : f32 to vector<400x128xf32>
    %add3A_84 = arith.addf %mul3A_72, %add3A_83 : vector<400x128xf32>
    %mul3A_85 = arith.constant 5.000000e-01 : f32
    %mul3A_86 = vector.broadcast %mul3A_85 : f32 to vector<400x128xf32>
    %mul3A_87 = arith.mulf %add3A_84, %mul3A_86 : vector<400x128xf32>
    %integer_pow3A_88 = arith.mulf %mul3A_87, %mul3A_87 : vector<400x128xf32>
    %neg3A_89 = arith.constant 0.000000e+00 : f32
    %neg3A_90 = vector.broadcast %neg3A_89 : f32 to vector<400x128xf32>
    %neg3A_91 = arith.subf %neg3A_90, %integer_pow3A_88 : vector<400x128xf32>
    %exp3A_92 = math.exp %neg3A_91 : vector<400x128xf32>
    %sub3A_93 = arith.constant 1.000000e+00 : f32
    %sub3A_94 = vector.broadcast %sub3A_93 : f32 to vector<400x128xf32>
    %sub3A_95 = arith.subf %mul3A_72, %sub3A_94 : vector<400x128xf32>
    %mul3A_96 = arith.constant 5.000000e-01 : f32
    %mul3A_97 = vector.broadcast %mul3A_96 : f32 to vector<400x128xf32>
    %mul3A_98 = arith.mulf %sub3A_95, %mul3A_97 : vector<400x128xf32>
    %integer_pow3A_99 = arith.mulf %mul3A_98, %mul3A_98 : vector<400x128xf32>
    %neg3A_100 = arith.constant 0.000000e+00 : f32
    %neg3A_101 = vector.broadcast %neg3A_100 : f32 to vector<400x128xf32>
    %neg3A_102 = arith.subf %neg3A_101, %integer_pow3A_99 : vector<400x128xf32>
    %exp3A_103 = math.exp %neg3A_102 : vector<400x128xf32>
    %logistic3A_104 = arith.negf %mul3A_72 : vector<400x128xf32>
    %logistic3A_105 = math.exp %logistic3A_104 : vector<400x128xf32>
    %logistic3A_106 = arith.constant 1.000000e+00 : f32
    %logistic3A_107 = vector.broadcast %logistic3A_106 : f32 to vector<400x128xf32>
    %logistic3A_108 = arith.addf %logistic3A_107, %logistic3A_105 : vector<400x128xf32>
    %logistic3A_109 = arith.divf %logistic3A_107, %logistic3A_108 : vector<400x128xf32>
    %mul3A_110 = arith.mulf %mul3A_72, %logistic3A_109 : vector<400x128xf32>
    %dot_general3A_111 = arith.constant dense<0.000000e+00> : vector<400x8xf32>
    %dot_general3A_112 = tpu.matmul %exp3A_92, %get3A_75, %dot_general3A_111 {dimension_numbers = #tpu.dot_dimension_numbers<[1], [0], [0], [1], [0, 0, 1, 1], [], []>, precision = #tpu.contract_precision<fp32>, transpose_lhs_hint = false} : vector<400x128xf32>, vector<128x8xf32>, vector<400x8xf32> -> vector<400x8xf32>
    %dot_general3A_113 = arith.constant dense<0.000000e+00> : vector<400x8xf32>
    %dot_general3A_114 = tpu.matmul %exp3A_103, %get3A_78, %dot_general3A_113 {dimension_numbers = #tpu.dot_dimension_numbers<[1], [0], [0], [1], [0, 0, 1, 1], [], []>, precision = #tpu.contract_precision<fp32>, transpose_lhs_hint = false} : vector<400x128xf32>, vector<128x8xf32>, vector<400x8xf32> -> vector<400x8xf32>
    %add3A_115 = arith.addf %dot_general3A_112, %dot_general3A_114 : vector<400x8xf32>
    %dot_general3A_116 = arith.constant dense<0.000000e+00> : vector<400x8xf32>
    %dot_general3A_117 = tpu.matmul %mul3A_110, %get3A_81, %dot_general3A_116 {dimension_numbers = #tpu.dot_dimension_numbers<[1], [0], [0], [1], [0, 0, 1, 1], [], []>, precision = #tpu.contract_precision<fp32>, transpose_lhs_hint = false} : vector<400x128xf32>, vector<128x8xf32>, vector<400x8xf32> -> vector<400x8xf32>
    %add3A_118 = arith.addf %add3A_115, %dot_general3A_117 : vector<400x8xf32>
    %swap3A = arith.constant 0 : index
    %swap3A_119 = arith.constant 0 : index
    %swap3A_120 = vector.load %arg9[%swap3A, %swap3A_119] : memref<400x8xf32, #tpu.memory_space<vmem>>, vector<400x8xf32>
    tpu.vector_store %arg9[%swap3A, %swap3A_119], %add3A_118 {strides = array<i32>} : memref<400x8xf32, #tpu.memory_space<vmem>>, vector<400x8xf32>,
    return
  }
  func.func @transform_0(%arg0: i32) -> (i32, i32, i32) {
    %c0_i32 = arith.constant 0 : i32
    %c0_i32_0 = arith.constant 0 : i32
    %c0_i32_1 = arith.constant 0 : i32
    return %c0_i32, %arg0, %c0_i32_0 : i32, i32, i32
  }
  func.func @transform_1(%arg0: i32) -> (i32, i32) {
    %c0_i32 = arith.constant 0 : i32
    %c0_i32_0 = arith.constant 0 : i32
    return %arg0, %c0_i32 : i32, i32
  }
  func.func @transform_2(%arg0: i32) -> (i32, i32) {
    %c0_i32 = arith.constant 0 : i32
    %c0_i32_0 = arith.constant 0 : i32
    %c0_i32_1 = arith.constant 0 : i32
    return %c0_i32, %c0_i32_0 : i32, i32
  }
  func.func @transform_3(%arg0: i32) -> (i32, i32) {
    %c0_i32 = arith.constant 0 : i32
    %c0_i32_0 = arith.constant 0 : i32
    %c0_i32_1 = arith.constant 0 : i32
    return %c0_i32, %c0_i32_0 : i32, i32
  }
  func.func @transform_4(%arg0: i32) -> (i32, i32) {
    %c0_i32 = arith.constant 0 : i32
    %c0_i32_0 = arith.constant 0 : i32
    %c0_i32_1 = arith.constant 0 : i32
    return %c0_i32, %c0_i32_0 : i32, i32
  }
  func.func @transform_5(%arg0: i32) -> (i32, i32) {
    %c0_i32 = arith.constant 0 : i32
    %c0_i32_0 = arith.constant 0 : i32
    %c0_i32_1 = arith.constant 0 : i32
    return %c0_i32, %c0_i32_0 : i32, i32
  }
  func.func @transform_6(%arg0: i32) -> (i32, i32) {
    %c0_i32 = arith.constant 0 : i32
    %c0_i32_0 = arith.constant 0 : i32
    %c0_i32_1 = arith.constant 0 : i32
    return %c0_i32, %c0_i32_0 : i32, i32
  }
  func.func @transform_7(%arg0: i32) -> (i32, i32) {
    %c0_i32 = arith.constant 0 : i32
    %c0_i32_0 = arith.constant 0 : i32
    %c0_i32_1 = arith.constant 0 : i32
    return %c0_i32, %c0_i32_0 : i32, i32
  }
  func.func @transform_8(%arg0: i32) -> (i32, i32) {
    %c0_i32 = arith.constant 0 : i32
    %c0_i32_0 = arith.constant 0 : i32
    return %arg0, %c0_i32 : i32, i32
  }
}

</mosaic_0001>

<sc_bundles>
// kernel: kernel.6.cloned.1.call-start
scs
__scs_entry_jumppad:
0x0: {  	(pc) =	sbr.rel $0x88, $3  }
0x1: {  	(tag) =	ssettag $0x0;
	lr =	simm.s32 $0x1  }
0x2: {  	[smem:$0x3F99] =	sst lr;
	_ =	strace $0xD0000000  }
0x3: {  	_ = 	snop  }
0x4: {  	_ = 	snop  }
0x5: {  	_ = 	snop  }
0x6: {  	_ = 	snop  }
0x7: {  	_ = 	snop  }
__scs_overlays_trampoline_lowered:
0x8: {  	[smem:$0x3FA8] =	sst s0  }
0x9: {  	[smem:$0x3FA9] =	sst s1  }
0xa: {  	[smem:$0x3FAA] =	sst s2  }
0xb: {  	[smem:$0x3FAB] =	sst s3  }
0xc: {  	[smem:$0x3FAC] =	sst s4  }
0xd: {  	[smem:$0x3FAD] =	sst s5  }
0xe: {  	[smem:$0x3FAE] =	sst s6  }
0xf: {  	[smem:$0x3FAF] =	sst s7  }
0x10: {  	[smem:$0x3FB0] =	sst s8  }
0x11: {  	[smem:$0x3FB1] =	sst s9;
	s0 =	simm.s32 @!p0 $0x0  }
0x12: {  	s1 =	sld [smem:$0x3F97];
	s0 =	simm.s32 @p0 $0x1  }
0x13: {  	[smem:$0x3FB2] =	sst s0;
	s0 =	simm.s32 @!p1 $0x0  }
0x14: {  	s2 =	sld [smem:$0x3F96];
	s0 =	simm.s32 @p1 $0x1  }
0x15: {  	[smem:$0x3FB3] =	sst s0;
	s0 =	simm.s32 @!p2 $0x0  }
0x16: {  	s3 =	sld [smem:$0x3FDB];
	s0 =	simm.s32 @p2 $0x1  }
0x17: {  	s4 =	simm.s32 $0x1BF5;
	[smem:$0x3FB5] =	sst s0  }
0x18: {  	s0 =	sld [smem:$0x3F98];
	_ =	swait.ge [sflag:s4], $0x0  }
0x19: {  	s7 =	sld [smem:$0x3F99]  }
0x1a: {  	s8 =	sadd.s32 $0xFFFFE003, lr  }
0x1b: {  	s9 =	sadd.s32 $0xFFFFFEF7, lr;
	s5 =	simm.s32 $0xFFFFFFFF;
	p2 =	slt.u32 s8, $0xFFFFF086  }
0x1c: {  	p1 =	slt.u32 s9, $0xF7A;
	s5 =	simm.s32 @!p2 $0x0  }
0x1d: {  	s5 =	simm.s32 @p1 $0x1;
	p0 =	seq.s32 s7, s2  }
0x1e: {  	s7 =	smul.u32 @!p0 $0xF7A, s2;
	p2 =	seq.s32 @!p0 s5, $0x0  }
0x1f: {  	s9 =	smul.u32 $0xF7A, s1;
	s8 =	simm.s32 @!p0 $0x1BF5;
	p2 =	por !p2, p0  }
0x20: {  	[sflag:s8] =	ssyncset.s32 @!p0 $0xFFFFF086;
	s6 =	sadd.s32 @!p0 s3, s7;
	s7 =	simm.s32 @!p0 $0x108  }
0x21: {  	s3 =	sadd.s32 s3, s9;
	s6 =	sadd.s32 @!p0 $0x88, s6;
	s7 =	simm.s32 @p2 $0x1082  }
0x22: {  	[simem:s7], [sflag:s8] =	dma.local @!p0 [hbm:s6], $0xF7A  }
0x23: {  	s9 =	sor.u32 $0xD0000000, s2;
	s6 =	simm.s32 $0x108;
	_ =	swait.ge @!p0 [sflag:s8], $0x0  }
0x24: {  	s3 =	sadd.s32 $0x88, s3;
	s6 =	simm.s32 @!p1 $0x1082;
	[sflag:s4] =	ssyncset.s32 $0xFFFFF086  }
0x25: {  	[simem:s6], [sflag:s4] =	dma.local [hbm:s3], $0xF7A  }
0x26: {  	[smem:$0x3F99] =	sst s1;
	(tag) =	ssettag s2;
	_ =	strace s9  }
0x27: {  	s1 =	sld [smem:$0x3FA9]  }
0x28: {  	s2 =	sld [smem:$0x3FAA]  }
0x29: {  	s4 =	sld [smem:$0x3FAC]  }
0x2a: {  	p0 =	seq.s32 s5, $0x0;
	s5 =	sld [smem:$0x3FAD]  }
0x2b: {  	s6 =	sld [smem:$0x3FAE]  }
0x2c: {  	s7 =	sld [smem:$0x3FAF]  }
0x2d: {  	s3 =	simm.s32 $0x108;
	s8 =	sld [smem:$0x3FB0]  }
0x2e: {  	s3 =	simm.s32 @!p0 $0x1082;
	s9 =	sld [smem:$0x3FB1]  }
0x2f: {  	lr =	sadd.s32 s0, s3;
	s0 =	sld [smem:$0x3FA8]  }
0x30: {  	s3 =	sld [smem:$0x3FAB]  }
0x31: {  	[smem:$0x3FB4] =	sst s10  }
0x32: {  	s10 =	sld [smem:$0x3FB2];
	_ =	sdelay $0x3  }
0x33: {  	p0 =	seq.s32 s10, $0x1;
	s10 =	sld [smem:$0x3FB4];
	_ =	sdelay $0x3  }
0x34: {  	[smem:$0x3FB4] =	sst s10  }
0x35: {  	s10 =	sld [smem:$0x3FB3];
	_ =	sdelay $0x3  }
0x36: {  	p1 =	seq.s32 s10, $0x1;
	s10 =	sld [smem:$0x3FB4];
	_ =	sdelay $0x3  }
0x37: {  	[smem:$0x3FB4] =	sst s10  }
0x38: {  	s10 =	sld [smem:$0x3FB5]  }
0x39: {  	_ = 	snop;
	(pc) =	sbr.ind lr, $3  }
0x3a: {  	_ = 	snop  }
0x3b: {  	_ = 	snop  }
0x3c: {  	p2 =	seq.s32 s10, $0x1;
	s10 =	sld [smem:$0x3FB4]  }
0x3d: {  	_ =	shalt  }
0x3e: {  	_ =	shalt  }
0x3f: {  	_ =	shalt  }
0x40: {  	_ =	shalt  }
0x41: {  	_ =	shalt  }
0x42: {  	_ =	shalt  }
0x43: {  	_ =	shalt  }
0x44: {  	_ =	shalt  }
0x45: {  	_ =	shalt  }
0x46: {  	_ =	shalt  }
0x47: {  	_ =	shalt  }
0x48: {  	_ =	shalt  }
0x49: {  	_ =	shalt  }
0x4a: {  	_ =	shalt  }
0x4b: {  	_ =	shalt  }
0x4c: {  	_ =	shalt  }
0x4d: {  	_ =	shalt  }
0x4e: {  	_ =	shalt  }
0x4f: {  	_ =	shalt  }
0x50: {  	_ =	shalt  }
0x51: {  	_ =	shalt  }
0x52: {  	_ =	shalt  }
0x53: {  	_ =	shalt  }
0x54: {  	_ =	shalt  }
0x55: {  	_ =	shalt  }
0x56: {  	_ =	shalt  }
0x57: {  	_ =	shalt  }
0x58: {  	_ =	shalt  }
0x59: {  	_ =	shalt  }
0x5a: {  	_ =	shalt  }
0x5b: {  	_ =	shalt  }
0x5c: {  	_ =	shalt  }
0x5d: {  	_ =	shalt  }
0x5e: {  	_ =	shalt  }
0x5f: {  	_ =	shalt  }
0x60: {  	_ =	shalt  }
0x61: {  	_ =	shalt  }
0x62: {  	_ =	shalt  }
0x63: {  	_ =	shalt  }
0x64: {  	_ =	shalt  }
0x65: {  	_ =	shalt  }
0x66: {  	_ =	shalt  }
0x67: {  	_ =	shalt  }
0x68: {  	_ =	shalt  }
0x69: {  	_ =	shalt  }
0x6a: {  	_ =	shalt  }
0x6b: {  	_ =	shalt  }
0x6c: {  	_ =	shalt  }
0x6d: {  	_ =	shalt  }
0x6e: {  	_ =	shalt  }
0x6f: {  	_ =	shalt  }
0x70: {  	_ =	shalt  }
0x71: {  	_ =	shalt  }
0x72: {  	_ =	shalt  }
0x73: {  	_ =	shalt  }
0x74: {  	_ =	shalt  }
0x75: {  	_ =	shalt  }
0x76: {  	_ =	shalt  }
0x77: {  	_ =	shalt  }
0x78: {  	_ =	shalt  }
0x79: {  	_ =	shalt  }
0x7a: {  	_ =	shalt  }
0x7b: {  	_ =	shalt  }
0x7c: {  	_ =	shalt  }
0x7d: {  	_ =	shalt  }
0x7e: {  	_ =	shalt  }
0x7f: {  	_ =	shalt  }
0x80: {  	_ =	shalt  }
0x81: {  	_ =	shalt  }
0x82: {  	_ =	shalt  }
0x83: {  	_ =	shalt  }
0x84: {  	_ =	shalt  }
0x85: {  	_ =	shalt  }
0x86: {  	_ =	shalt  }
0x87: {  	_ =	shalt  }
.Lfunc_end0:
.L_simem_size_0:
called_computation_lowered:
.L_overlay_start_0:
0x88: {  	s2 =	sld [smem:$0x3FD9]  }
0x89: {  	s3 =	sld [smem:$0x3FFE];
	_ =	sdelay $0x1  }
0x8a: {  	s1 =	srdreg.scid  }
0x8b: {  	s0 =	sand.u32 $0x1, s1  }
0x8c: {  	s17 =	sshll.u32 s0, $0xA;
	s2 =	sadd.s32 s3, s2  }
0x8d: {  	s2 =	sadd.s32 s2, s17  }
0x8e: {  	[smem:$0x3FC0] =	sst s2  }
0x8f: {  	_ = 	snop  }
0x90: {  	s2 =	sld [smem:$0x3FD0];
	(tm) =	ssettm $0x1  }
0x91: {  	s18 =	sld [smem:$0x3FFB];
	_ =	sdelay $0x3  }
0x92: {  	_ =	strace s18  }
0x93: {  	s3 =	sld [smem:$0x3FFC];
	_ =	sdelay $0x3  }
0x94: {  	_ =	strace s3  }
0x95: {  	s3 =	sld [smem:$0x3FFD];
	_ =	sdelay $0x3  }
0x96: {  	_ =	strace s3  }
0x97: {  	_ =	strace $0x8FFFFFFF  }
0x98: {  	s19 =	sld [smem:$0x3FDB];
	_ =	sdelay $0x1  }
0x99: {  	s4 =	simm.s32 $_scs_section_size  }
0x9a: {  	s5 =	simm.s32 $_size__tile_overlayer_lowered;
	s6 =	simm.s32 $_tile_overlayer_lowered  }
0x9b: {  	s22 =	simm.s32 $0x1BFF;
	s21 =	sshll.u32 s6, $0x1;
	s3 =	sadd.s32 s4, s19  }
0x9c: {  	s7 =	simm.s32 $0x0;
	s20 =	sshll.u32 s5, $0x1;
	s5 =	sadd.s32 s21, s3  }
0x9d: {  	[timem:s7], [sflag:s22] =	dma.local [hbm:s5], s20  }
0x9e: {  	_ =	swait.ge [sflag:s22], s20  }
0x9f: {  	s4 =	ssub.s32 $0x0, s20;
	[sflag:s22] =	ssyncset.done $0x0  }
0xa0: {  	[sflag:s22] =	ssyncadd.s32 s4;
	_ =	sdelay $0x1  }
0xa1: {  	s23 =	simm.s32 $0x1B8B  }
0xa2: {  	_ =	swait.ge [sflag:s23], $0x1  }
0xa3: {  	[sflag:s23] =	ssyncset.done $0x0  }
0xa4: {  	s25 =	simm.s32 $0x1B8E;
	s24 =	sld [smem:$0x3FFE];
	[sflag:s23] =	ssyncadd.s32 $0xFFFFFFFF  }
0xa5: {  	s26 =	simm.s32 $execute0_lowered;
	[smem:$0x3FD2] =	sst s25  }
0xa6: {  	s5 =	sshll.u32 s26, $0x1;
	_ =	strace $0x80000046;
	[dreg:$0x1] =	wrdreg $0xFFFFFFFF  }
0xa7: {  	s28 =	simm.s32 $_size_execute0_lowered;
	s3 =	sadd.s32 s3, s5;
	[dreg:$0x0] =	wrdreg $0x0  }
0xa8: {  	s5 =	sshll.u32 s28, $0x1;
	[dreg:$0x2] =	wrdreg s3  }
0xa9: {  	[dreg:$0x3] =	wrdreg s5  }
0xaa: {  	[dreg:$0x4] =	wrdreg $0xC0  }
0xab: {  	_ =	task [dreg:s7], $0x5FFFF  }
0xac: {  	[dreg:$0x1] =	wrdreg $0xFFFFFFFF  }
0xad: {  	[dreg:$0x0] =	wrdreg $0x60  }
0xae: {  	[dreg:$0x2] =	wrdreg s24  }
0xaf: {  	[dreg:$0x3] =	wrdreg s2  }
0xb0: {  	[dreg:$0x4] =	wrdreg $0xE2800  }
0xb1: {  	[dreg:$0x5] =	wrdreg $0x182800  }
0xb2: {  	[dreg:$0x6] =	wrdreg $0x9  }
0xb3: {  	_ =	task.clear_ibuf [dreg:s7], $0x7FFFF;
	_ =	strace $0x90000046  }
0xb4: {  	s29 =	simm.s32 $0x9;
	_ =	strace $0x80000048  }
0xb5: {  	_ =	swait.ge [sflag:s29], $0x1  }
0xb6: {  	[sflag:s29] =	ssyncadd.s32 $0xFFFFFFFF  }
0xb7: {  	_ =	strace $0x90000048  }
0xb8: {  	_ =	sfence  }
0xb9: {  	s30 =	sld [smem:$0x0];
	_ =	sdelay $0x2  }
0xba: {  	s31 =	sshll.u32 s1, $0xD;
	s1 =	sshrl.u32 s1, $0x2  }
0xbb: {  	s3 =	sand.u32 $0x4000, s31;
	s1 =	sadd.s32 s1, s30  }
0xbc: {  	s0 =	sor.u32 s3, s0;
	s1 =	sshll.u32 s1, $0x11  }
0xbd: {  	s0 =	sor.u32 s1, s0  }
0xbe: {  	s0 =	sadd.s32 $0x8F2B, s0  }
0xbf: {  	[sflag:s0] =	ssyncadd.remote.s32 $0x1  }
0xc0: {  	_ =	sfence.sel $0xFFFF  }
0xc1: {  	[dreg:$0x0] =	wrdreg $0xFFFFFFFF;
	(pc) =	sbr.abs _section_cstart, $3  }
0xc2: {  	[dreg:$0x1] =	wrdreg $0xFFFFFFFF  }
0xc3: {  	_ =	task.clear_ibuf [dreg:s7], $0x2FFFF;
	_ =	strace $0x9FFFFFFF  }
0xc4: {  	(tm) =	ssettm $0x7FFFFFFF  }
0xc5: {  	_ =	shalt  }
tec
execute0_lowered:
.L_overlay_start_1:
0x0: {  	(tag) =	ssettag $0x1  }
0x1: {  	s0 =	rddreg [dreg:$0x0]  }
0x2: {  	s1 =	rddreg [dreg:$0x1]  }
0x3: {  	s3 =	srdreg.scid;
	s12 =	stileid.u32  }
0x4: {  	s2 =	rddreg [dreg:$0x2];
	s4 =	simm.s32 $0x0;
	s6 =	smul.u32 $0x5100, s12  }
0x5: {  	s28 =	simm.s32 $0x5;
	s29 =	simm.s32 $0x5100;
	s8 =	smul.u32 $0xA000, s12  }
0x6: {  	s30 =	simm.s32 $0x80;
	s7 =	sand.u32 $0x1, s3;
	s12 =	smul.u32 $0x280, s12  }
0x7: {  	s31 =	simm.s32 $0x1;
	s3 =	rddreg [dreg:$0x3];
	s5 =	smul.u32 $0x51000, s7  }
0x8: {  	[smem:$0x7FF] =	sst s4;
	s10 =	smul.u32 $0xA0000, s7;
	s11 =	ssub.s32 $0x2, s7  }
0x9: {  	_ =	strace $0x80000047;
	s7 =	smul.u32 $0x2800, s7;
	s25 =	sshrl.u32 s11, $0x1  }
0xa: {  	s26 =	sadd.s32 $0x80, s12;
	s14 =	sadd.s32 $0x100, s12;
	s15 =	sadd.s32 $0x180, s12  }
0xb: {  	s21 =	sadd.s32 $0x200, s12;
	s9 =	sadd.s32 s6, s5;
	s5 =	sadd.s32 $0x16000, s0  }
0xc: {  	s6 =	sshrl.u32 s6, $0x3;
	s10 =	sadd.s32 s8, s10;
	s11 =	ssub.s32 s11, s25  }
0xd: {  	s18 =	sshll.u32 s26, $0x6;
	s19 =	sshll.u32 s14, $0x6;
	s16 =	sshll.u32 s15, $0x6  }
0xe: {  	s17 =	sshll.u32 s21, $0x6;
	s24 =	sadd.s32 s14, s3;
	s7 =	sadd.s32 s12, s7  }
0xf: {  	s14 =	simm.s32 $0x0;
	s9 =	sshrl.u32 s9, $0x3;
	s10 =	sshrl.u32 s10, $0x3  }
0x10: {  	s13 =	sadd.s32 s6, s0;
	s20 =	sadd.s32 s16, s2;
	[dreg:$0xc] =	wrdreg s24  }
0x11: {  	s6 =	sadd.s32 s8, s2;
	s17 =	sadd.s32 s17, s2;
	[dreg:$0x7] =	wrdreg s20  }
0x12: {  	s8 =	sadd.s32 s26, s3;
	s26 =	sadd.s32 s15, s3;
	[dreg:$0x8] =	wrdreg s17  }
0x13: {  	s7 =	sshrl.u32 s7, $0x3;
	s9 =	sadd.s32 s9, s0;
	[dreg:$0xa] =	wrdreg s8  }
0x14: {  	s0 =	sadd.s32 s10, s0;
	s10 =	sadd.s32 s18, s2;
	[dreg:$0xe] =	wrdreg s26  }
0x15: {  	s20 =	sadd.s32 s1, s7;
	s26 =	simm.s32 $0xA200;
	s1 =	simm.s32 $0xE200  }
0x16: {  	s7 =	simm.s32 $0x2;
	[dreg:$0x5] =	wrdreg s10;
	s10 =	sadd.s32 s19, s2  }
0x17: {  	s8 =	simm.s32 $0x5180;
	[dreg:$0x6] =	wrdreg s10;
	s10 =	sadd.s32 s12, s3  }
0x18: {  	s19 =	sadd.s32 s21, s3;
	s24 =	sadd.s32 $0x47400, s0;
	s22 =	sadd.s32 $0x40, s10  }
0x19: {  	s0 =	simm.s32 $0xC200;
	s23 =	sadd.s32 $0xC0, s10;
	[dreg:$0x9] =	wrdreg s22  }
0x1a: {  	s12 =	simm.s32 $0xA100;
	s25 =	sadd.s32 $0x140, s10;
	[dreg:$0xb] =	wrdreg s23  }
0x1b: {  	s18 =	sadd.s32 $0x1C0, s10;
	s21 =	sadd.s32 $0x240, s10;
	[dreg:$0xd] =	wrdreg s25  }
0x1c: {  	s22 =	sadd.s32 $0x1C00, s9;
	s23 =	sadd.s32 $0x3D200, s13;
	s25 =	smax.u32 s11, $0x1  }
0x1d: {  	v0 =	vimm.f32 $0.0e+00;
	v1 =	vimm.f32 $1.000000000e+00;
	s9 =	simm.s32 $0x3;
	s11 =	simm.s32 $0x4;
	s13 =	simm.s32 $0xA180  }
.LBB2_1:
0x1e: {  	s16 =	simm.s32 $0x100;
	s15 =	simm.s32 $0x0  }
.LBB2_2:
0x1f: {  	p0 =	sne.s32 s16, $0x7F00;
	[tilespmem:s15+$0xA230] =	vst v0;
	s17 =	smov.u32 s16;
	s16 =	sadd.s32 $0x100, s16  }
.Ltmp0:
0x20: {  	[tilespmem:s15+$0xA220] =	vst v0;
	(pc) =	sbr.rel @p0 .LBB2_2-.Ltmp0, $3  }
0x21: {  	[tilespmem:s15+$0xA200] =	vst v0  }
0x22: {  	[tilespmem:s15+$0xA210] =	vst v0;
	_ =	sdelay $0x1  }
0x23: {  	s15 =	sshra.s32 s17, $0x2  }
0x24: {  	[tilespmem:s15+$0xA230] =	vst v0  }
0x25: {  	[tilespmem:s15+$0xA220] =	vst v0  }
0x26: {  	[tilespmem:s15+$0xA200] =	vst v0  }
0x27: {  	[tilespmem:s15+$0xA210] =	vst v0  }
0x28: {  	[tilespmem:$0xE200] =	vst v1  }
0x29: {  	[tilespmem:$0xE210] =	vst v1  }
0x2a: {  	[tilespmem:$0xE220] =	vst v1  }
0x2b: {  	[tilespmem:$0xE230] =	vst v1  }
0x2c: {  	[tilespmem:$0xE240] =	vst v1  }
0x2d: {  	[tilespmem:$0xE250] =	vst v1  }
0x2e: {  	[tilespmem:$0xE260] =	vst v1  }
0x2f: {  	[tilespmem:$0xE270] =	vst v1  }
0x30: {  	[spmem:s6] =	stream.linear.scatter [tilespmem:s26], [sflag:$0x5], $0x2000, $0x38;
	[tilespmem:$0x18500] =	vst v63  }
0x31: {  	_ =	swait.ge [sflag:s28], $0x2000  }
0x32: {  	[sflag:s28] =	ssyncset.done $0x0  }
0x33: {  	s16 =	rddreg [dreg:$0x5];
	[sflag:s28] =	ssyncadd.s32 $0xFFFFE000  }
0x34: {  	[spmem:s16] =	stream.linear.scatter [tilespmem:s26], [sflag:$0x5], $0x2000, $0x38;
	[tilespmem:$0x18500] =	vst v63  }
0x35: {  	_ =	swait.ge [sflag:s28], $0x2000  }
0x36: {  	[sflag:s28] =	ssyncset.done $0x0  }
0x37: {  	s17 =	rddreg [dreg:$0x6];
	[sflag:s28] =	ssyncadd.s32 $0xFFFFE000  }
0x38: {  	[spmem:s17] =	stream.linear.scatter [tilespmem:s26], [sflag:$0x5], $0x2000, $0x38;
	[tilespmem:$0x18500] =	vst v63  }
0x39: {  	_ =	swait.ge [sflag:s28], $0x2000  }
0x3a: {  	[sflag:s28] =	ssyncset.done $0x0  }
0x3b: {  	s16 =	rddreg [dreg:$0x7];
	[sflag:s28] =	ssyncadd.s32 $0xFFFFE000  }
0x3c: {  	[spmem:s16] =	stream.linear.scatter [tilespmem:s26], [sflag:$0x5], $0x2000, $0x38;
	[tilespmem:$0x18500] =	vst v63  }
0x3d: {  	_ =	swait.ge [sflag:s28], $0x2000  }
0x3e: {  	[sflag:s28] =	ssyncset.done $0x0  }
0x3f: {  	s17 =	rddreg [dreg:$0x8];
	[sflag:s28] =	ssyncadd.s32 $0xFFFFE000  }
0x40: {  	[spmem:s17] =	stream.linear.scatter [tilespmem:s26], [sflag:$0x5], $0x2000, $0x38;
	[tilespmem:$0x18500] =	vst v63  }
0x41: {  	_ =	swait.ge [sflag:s28], $0x2000  }
0x42: {  	[sflag:s28] =	ssyncset.done $0x0  }
0x43: {  	[sflag:s28] =	ssyncadd.s32 $0xFFFFE000  }
0x44: {  	[spmem:s10] =	stream.linear.scatter [tilespmem:s26], [sflag:$0x5], $0x40, $0x38;
	[tilespmem:$0x18500] =	vst v63  }
0x45: {  	_ =	swait.ge [sflag:s28], $0x40  }
0x46: {  	[sflag:s28] =	ssyncset.done $0x0  }
0x47: {  	s16 =	rddreg [dreg:$0x9];
	[sflag:s28] =	ssyncadd.s32 $0xFFFFFFC0  }
0x48: {  	[spmem:s16] =	stream.linear.scatter [tilespmem:s26], [sflag:$0x5], $0x40, $0x38;
	[tilespmem:$0x18500] =	vst v63  }
0x49: {  	_ =	swait.ge [sflag:s28], $0x40  }
0x4a: {  	[sflag:s28] =	ssyncset.done $0x0  }
0x4b: {  	s17 =	rddreg [dreg:$0xa];
	[sflag:s28] =	ssyncadd.s32 $0xFFFFFFC0  }
0x4c: {  	[spmem:s17] =	stream.linear.scatter [tilespmem:s26], [sflag:$0x5], $0x40, $0x38;
	[tilespmem:$0x18500] =	vst v63  }
0x4d: {  	_ =	swait.ge [sflag:s28], $0x40  }
0x4e: {  	[sflag:s28] =	ssyncset.done $0x0  }
0x4f: {  	s16 =	rddreg [dreg:$0xb];
	[sflag:s28] =	ssyncadd.s32 $0xFFFFFFC0  }
0x50: {  	[spmem:s16] =	stream.linear.scatter [tilespmem:s26], [sflag:$0x5], $0x40, $0x38;
	[tilespmem:$0x18500] =	vst v63  }
0x51: {  	_ =	swait.ge [sflag:s28], $0x40  }
0x52: {  	[sflag:s28] =	ssyncset.done $0x0  }
0x53: {  	s17 =	rddreg [dreg:$0xc];
	[sflag:s28] =	ssyncadd.s32 $0xFFFFFFC0  }
0x54: {  	[spmem:s17] =	stream.linear.scatter [tilespmem:s26], [sflag:$0x5], $0x40, $0x38;
	[tilespmem:$0x18500] =	vst v63  }
0x55: {  	_ =	swait.ge [sflag:s28], $0x40  }
0x56: {  	[sflag:s28] =	ssyncset.done $0x0  }
0x57: {  	s16 =	rddreg [dreg:$0xd];
	[sflag:s28] =	ssyncadd.s32 $0xFFFFFFC0  }
0x58: {  	[spmem:s16] =	stream.linear.scatter [tilespmem:s26], [sflag:$0x5], $0x40, $0x38;
	[tilespmem:$0x18500] =	vst v63  }
0x59: {  	_ =	swait.ge [sflag:s28], $0x40  }
0x5a: {  	[sflag:s28] =	ssyncset.done $0x0  }
0x5b: {  	s17 =	rddreg [dreg:$0xe];
	[sflag:s28] =	ssyncadd.s32 $0xFFFFFFC0  }
0x5c: {  	[spmem:s17] =	stream.linear.scatter [tilespmem:s26], [sflag:$0x5], $0x40, $0x38;
	[tilespmem:$0x18500] =	vst v63  }
0x5d: {  	_ =	swait.ge [sflag:s28], $0x40  }
0x5e: {  	[sflag:s28] =	ssyncset.done $0x0  }
0x5f: {  	[sflag:s28] =	ssyncadd.s32 $0xFFFFFFC0  }
0x60: {  	[spmem:s18] =	stream.linear.scatter [tilespmem:s26], [sflag:$0x5], $0x40, $0x38;
	[tilespmem:$0x18500] =	vst v63  }
0x61: {  	_ =	swait.ge [sflag:s28], $0x40  }
0x62: {  	[sflag:s28] =	ssyncset.done $0x0  }
0x63: {  	[sflag:s28] =	ssyncadd.s32 $0xFFFFFFC0  }
0x64: {  	[spmem:s19] =	stream.linear.scatter [tilespmem:s26], [sflag:$0x5], $0x40, $0x38;
	[tilespmem:$0x18500] =	vst v63  }
0x65: {  	_ =	swait.ge [sflag:s28], $0x40  }
0x66: {  	[sflag:s28] =	ssyncset.done $0x0  }
0x67: {  	[sflag:s28] =	ssyncadd.s32 $0xFFFFFFC0  }
0x68: {  	[spmem:s21] =	stream.linear.scatter [tilespmem:s26], [sflag:$0x5], $0x40, $0x38;
	[tilespmem:$0x18500] =	vst v63  }
0x69: {  	_ =	swait.ge [sflag:s28], $0x40  }
0x6a: {  	[sflag:s28] =	ssyncset.done $0x0  }
0x6b: {  	[sflag:s28] =	ssyncadd.s32 $0xFFFFFFC0  }
0x6c: {  	[bflag:$0x0] =	sbarrier.arrive $0xFFFF  }
0x6d: {  	[tilespmem:s4], [sflag:$0x5] =	stream.linear.gather [hbm4b:s22+s4], $0x5100, $0x38;
	[tilespmem:$0x18500] =	vst v63  }
0x6e: {  	_ =	swait.ge [sflag:s28], $0x5100  }
0x6f: {  	[sflag:s28] =	ssyncset.done $0x0  }
0x70: {  	[sflag:s28] =	ssyncadd.s32 $0xFFFFAF00  }
0x71: {  	[tilespmem:s29], [sflag:$0x5] =	stream.linear.gather [hbm4b:s23+s4], $0x5100, $0x38;
	[tilespmem:$0x18500] =	vst v63  }
0x72: {  	_ =	swait.ge [sflag:s28], $0x5100  }
0x73: {  	[sflag:s28] =	ssyncset.done $0x0  }
0x74: {  	[sflag:s28] =	ssyncadd.s32 $0xFFFFAF00  }
0x75: {  	[tilespmem:s26], [sflag:$0x1] =	stream.indirect.gather [hbm4b:s5+s30], $0x40, s4, s30, $0xb8;
	[tilespmem:$0x18500] =	vst v63  }
0x76: {  	_ =	swait.ge [sflag:s31], $0x2000  }
0x77: {  	[sflag:s31] =	ssyncset.done $0x0  }
0x78: {  	[sflag:s31] =	ssyncadd.s32 $0xFFFFE000  }
0x79: {  	[spmem:s2] =	stream.indirect.scatter.add.f32 [tilespmem:s26], [sflag:$0x3], $0x40, s29, s30, $0xb8;
	[tilespmem:$0x18500] =	vst v63  }
0x7a: {  	_ = 	snop  }
0x7b: {  	[spmem:s3] =	stream.indirect.scatter.add.f32 [tilespmem:s1], [sflag:$0x3], $0x1, s29, s30, $0xb8;
	[tilespmem:$0x18500] =	vst v63  }
0x7c: {  	_ = 	snop  }
0x7d: {  	[tilespmem:s0], [sflag:$0x2] =	stream.indirect.gather [hbm4b:s5+s30], $0x40, s30, s30, $0xb8;
	[tilespmem:$0x18500] =	vst v63  }
0x7e: {  	_ =	swait.ge [sflag:s7], $0x2000  }
0x7f: {  	[sflag:s7] =	ssyncset.done $0x0  }
0x80: {  	[sflag:s7] =	ssyncadd.s32 $0xFFFFE000  }
0x81: {  	[spmem:s2] =	stream.indirect.scatter.add.f32 [tilespmem:s0], [sflag:$0x4], $0x40, s8, s30, $0xb8;
	[tilespmem:$0x18500] =	vst v63  }
0x82: {  	_ = 	snop  }
0x83: {  	[spmem:s3] =	stream.indirect.scatter.add.f32 [tilespmem:s1], [sflag:$0x4], $0x1, s8, s30, $0xb8;
	[tilespmem:$0x18500] =	vst v63  }
0x84: {  	_ =	swait.ge [sflag:s9], $0x2000  }
0x85: {  	[sflag:s9] =	ssyncset.done $0x0  }
0x86: {  	[sflag:s9] =	ssyncadd.s32 $0xFFFFE000  }
0x87: {  	_ =	swait.ge [sflag:s9], $0x80  }
0x88: {  	[sflag:s9] =	ssyncset.done $0x0  }
0x89: {  	s16 =	simm.s32 $0x100;
	[sflag:s9] =	ssyncadd.s32 $0xFFFFFF80  }
0x8a: {  	[tilespmem:s26], [sflag:$0x1] =	stream.indirect.gather [hbm4b:s5+s30], $0x40, s16, s30, $0xb8;
	[tilespmem:$0x18500] =	vst v63  }
0x8b: {  	_ =	swait.ge [sflag:s31], $0x2000  }
0x8c: {  	[sflag:s31] =	ssyncset.done $0x0  }
0x8d: {  	s17 =	simm.s32 $0x5200;
	[sflag:s31] =	ssyncadd.s32 $0xFFFFE000  }
0x8e: {  	[spmem:s2] =	stream.indirect.scatter.add.f32 [tilespmem:s26], [sflag:$0x3], $0x40, s17, s30, $0xb8;
	[tilespmem:$0x18500] =	vst v63  }
0x8f: {  	_ = 	snop  }
0x90: {  	[spmem:s3] =	stream.indirect.scatter.add.f32 [tilespmem:s1], [sflag:$0x3], $0x1, s17, s30, $0xb8;
	[tilespmem:$0x18500] =	vst v63  }
0x91: {  	_ =	swait.ge [sflag:s11], $0x2000  }
0x92: {  	[sflag:s11] =	ssyncset.done $0x0  }
0x93: {  	[sflag:s11] =	ssyncadd.s32 $0xFFFFE000  }
0x94: {  	_ =	swait.ge [sflag:s11], $0x80  }
0x95: {  	[sflag:s11] =	ssyncset.done $0x0  }
0x96: {  	s16 =	simm.s32 $0x180;
	[sflag:s11] =	ssyncadd.s32 $0xFFFFFF80  }
0x97: {  	[tilespmem:s0], [sflag:$0x2] =	stream.indirect.gather [hbm4b:s5+s30], $0x40, s16, s30, $0xb8;
	[tilespmem:$0x18500] =	vst v63  }
0x98: {  	_ =	swait.ge [sflag:s7], $0x2000  }
0x99: {  	[sflag:s7] =	ssyncset.done $0x0  }
0x9a: {  	s17 =	simm.s32 $0x5280;
	[sflag:s7] =	ssyncadd.s32 $0xFFFFE000  }
0x9b: {  	[spmem:s2] =	stream.indirect.scatter.add.f32 [tilespmem:s0], [sflag:$0x4], $0x40, s17, s30, $0xb8;
	[tilespmem:$0x18500] =	vst v63  }
0x9c: {  	_ = 	snop  }
0x9d: {  	[spmem:s3] =	stream.indirect.scatter.add.f32 [tilespmem:s1], [sflag:$0x4], $0x1, s17, s30, $0xb8;
	[tilespmem:$0x18500] =	vst v63  }
0x9e: {  	_ =	swait.ge [sflag:s9], $0x2000  }
0x9f: {  	[sflag:s9] =	ssyncset.done $0x0  }
0xa0: {  	[sflag:s9] =	ssyncadd.s32 $0xFFFFE000  }
0xa1: {  	_ =	swait.ge [sflag:s9], $0x80  }
0xa2: {  	[sflag:s9] =	ssyncset.done $0x0  }
0xa3: {  	s15 =	simm.s32 $0xFFFEC800;
	s16 =	simm.s32 $0x200;
	[sflag:s9] =	ssyncadd.s32 $0xFFFFFF80  }
.LBB2_4:
0xa4: {  	[tilespmem:s26], [sflag:$0x1] =	stream.indirect.gather [hbm4b:s5+s30], $0x40, s16, s30, $0xb8;
	[tilespmem:$0x18500] =	vst v63  }
0xa5: {  	s16 =	smov.u32 s15  }
0xa6: {  	p0 =	sne.s32 s15, $0xFFFFFC00;
	s15 =	sadd.s32 $0x400, s15;
	_ =	swait.ge [sflag:s31], $0x2000  }
0xa7: {  	s16 =	sshra.s32 s16, $0x2;
	[sflag:s31] =	ssyncset.done $0x0  }
0xa8: {  	s17 =	sadd.s32 $0xA100, s16;
	[sflag:s31] =	ssyncadd.s32 $0xFFFFE000  }
0xa9: {  	[spmem:s2] =	stream.indirect.scatter.add.f32 [tilespmem:s26], [sflag:$0x3], $0x40, s17, s30, $0xb8;
	[tilespmem:$0x18500] =	vst v63  }
0xaa: {  	_ = 	snop  }
0xab: {  	[spmem:s3] =	stream.indirect.scatter.add.f32 [tilespmem:s1], [sflag:$0x3], $0x1, s17, s30, $0xb8;
	[tilespmem:$0x18500] =	vst v63  }
0xac: {  	_ =	swait.ge [sflag:s11], $0x2000  }
0xad: {  	[sflag:s11] =	ssyncset.done $0x0  }
0xae: {  	[sflag:s11] =	ssyncadd.s32 $0xFFFFE000  }
0xaf: {  	_ =	swait.ge [sflag:s11], $0x80  }
0xb0: {  	[sflag:s11] =	ssyncset.done $0x0  }
0xb1: {  	s17 =	sadd.s32 $0x5080, s16;
	[sflag:s11] =	ssyncadd.s32 $0xFFFFFF80  }
0xb2: {  	[tilespmem:s0], [sflag:$0x2] =	stream.indirect.gather [hbm4b:s5+s30], $0x40, s17, s30, $0xb8;
	[tilespmem:$0x18500] =	vst v63  }
0xb3: {  	_ =	swait.ge [sflag:s7], $0x2000  }
0xb4: {  	[sflag:s7] =	ssyncset.done $0x0  }
0xb5: {  	s17 =	sadd.s32 $0xA180, s16;
	[sflag:s7] =	ssyncadd.s32 $0xFFFFE000  }
0xb6: {  	[spmem:s2] =	stream.indirect.scatter.add.f32 [tilespmem:s0], [sflag:$0x4], $0x40, s17, s30, $0xb8;
	[tilespmem:$0x18500] =	vst v63  }
0xb7: {  	_ = 	snop  }
0xb8: {  	[spmem:s3] =	stream.indirect.scatter.add.f32 [tilespmem:s1], [sflag:$0x4], $0x1, s17, s30, $0xb8;
	[tilespmem:$0x18500] =	vst v63  }
0xb9: {  	_ =	swait.ge [sflag:s9], $0x2000  }
.Ltmp1:
0xba: {  	[sflag:s9] =	ssyncset.done $0x0;
	(pc) =	sbr.rel @p0 .LBB2_4-.Ltmp1, $4  }
0xbb: {  	[sflag:s9] =	ssyncadd.s32 $0xFFFFE000  }
0xbc: {  	_ =	swait.ge [sflag:s9], $0x80  }
0xbd: {  	[sflag:s9] =	ssyncset.done $0x0  }
0xbe: {  	s16 =	sadd.s32 $0x5100, s16;
	[sflag:s9] =	ssyncadd.s32 $0xFFFFFF80  }
0xbf: {  	[tilespmem:s26], [sflag:$0x1] =	stream.indirect.gather [hbm4b:s5+s30], $0x40, s16, s30, $0xb8;
	[tilespmem:$0x18500] =	vst v63  }
0xc0: {  	_ =	swait.ge [sflag:s31], $0x2000  }
0xc1: {  	[sflag:s31] =	ssyncset.done $0x0  }
0xc2: {  	[sflag:s31] =	ssyncadd.s32 $0xFFFFE000  }
0xc3: {  	[spmem:s2] =	stream.indirect.scatter.add.f32 [tilespmem:s26], [sflag:$0x3], $0x40, s12, s30, $0xb8;
	[tilespmem:$0x18500] =	vst v63  }
0xc4: {  	_ = 	snop  }
0xc5: {  	[spmem:s3] =	stream.indirect.scatter.add.f32 [tilespmem:s1], [sflag:$0x3], $0x1, s12, s30, $0xb8;
	[tilespmem:$0x18500] =	vst v63  }
0xc6: {  	_ =	swait.ge [sflag:s11], $0x2000  }
0xc7: {  	[sflag:s11] =	ssyncset.done $0x0  }
0xc8: {  	[sflag:s11] =	ssyncadd.s32 $0xFFFFE000  }
0xc9: {  	_ =	swait.ge [sflag:s11], $0x80  }
0xca: {  	[sflag:s11] =	ssyncset.done $0x0  }
0xcb: {  	s15 =	simm.s32 $0x5080;
	[sflag:s11] =	ssyncadd.s32 $0xFFFFFF80  }
0xcc: {  	[tilespmem:s0], [sflag:$0x2] =	stream.indirect.gather [hbm4b:s5+s30], $0x40, s15, s30, $0xb8;
	[tilespmem:$0x18500] =	vst v63  }
0xcd: {  	_ =	swait.ge [sflag:s7], $0x2000  }
0xce: {  	[sflag:s7] =	ssyncset.done $0x0  }
0xcf: {  	[sflag:s7] =	ssyncadd.s32 $0xFFFFE000  }
0xd0: {  	[spmem:s2] =	stream.indirect.scatter.add.f32 [tilespmem:s0], [sflag:$0x4], $0x40, s13, s30, $0xb8;
	[tilespmem:$0x18500] =	vst v63  }
0xd1: {  	_ = 	snop  }
0xd2: {  	[spmem:s3] =	stream.indirect.scatter.add.f32 [tilespmem:s1], [sflag:$0x4], $0x1, s13, s30, $0xb8;
	[tilespmem:$0x18500] =	vst v63  }
0xd3: {  	_ =	swait.ge [sflag:s9], $0x2000  }
0xd4: {  	[sflag:s9] =	ssyncset.done $0x0  }
0xd5: {  	[sflag:s9] =	ssyncadd.s32 $0xFFFFE000  }
0xd6: {  	_ =	swait.ge [sflag:s9], $0x80  }
0xd7: {  	[sflag:s9] =	ssyncset.done $0x0  }
0xd8: {  	[sflag:s9] =	ssyncadd.s32 $0xFFFFFF80  }
0xd9: {  	_ =	swait.ge [sflag:s11], $0x2000  }
0xda: {  	[sflag:s11] =	ssyncset.done $0x0  }
0xdb: {  	[sflag:s11] =	ssyncadd.s32 $0xFFFFE000  }
0xdc: {  	_ =	swait.ge [sflag:s11], $0x80  }
0xdd: {  	s16 =	stileid.u32;
	[sflag:s11] =	ssyncset.done $0x0  }
0xde: {  	s15 =	sshll.u32 s16, $0x6;
	[sflag:s11] =	ssyncadd.s32 $0xFFFFFF80  }
0xdf: {  	s17 =	sshrl.u32 s6, $0x3;
	s15 =	sor.u32 $0x1C05, s15;
	[bflag:$0x0] =	sbarrier.arrive $0xFFFF  }
0xe0: {  	[hbm:s24], [sflag:s15] =	dma.local [spmem:s17], $0x1400  }
0xe1: {  	s14 =	sadd.s32 $0x1, s14;
	_ =	swait.ge [sflag:s28], $0x1400  }
0xe2: {  	p0 =	sne.s32 s14, s25;
	[sflag:s28] =	ssyncset.done $0x0  }
.Ltmp2:
0xe3: {  	s17 =	sshrl.u32 s10, $0x3;
	[sflag:s28] =	ssyncadd.s32 $0xFFFFEC00;
	(pc) =	sbr.rel @p0 .LBB2_1-.Ltmp2, $4  }
0xe4: {  	[hbm:s20], [sflag:s15] =	dma.local [spmem:s17], $0x50  }
0xe5: {  	_ =	swait.ge [sflag:s28], $0x50  }
0xe6: {  	[sflag:s28] =	ssyncset.done $0x0  }
0xe7: {  	[sflag:s28] =	ssyncadd.s32 $0xFFFFFFB0  }
0xe8: {  	_ =	sfence.sel $0x180000  }
0xe9: {  	[bflag:$0x0] =	sbarrier.arrive $0xFFFF  }
0xea: {  	_ =	strace $0x90000047  }
0xeb: {  	s0 =	stileid.u32;
	[bflag:$0x2] =	sbarrier.arrive $0xFFFF  }
0xec: {  	p0 =	sne.s32 s0, $0x0;
	s0 =	rddreg [dreg:$0x4]  }
0xed: {  	s0 =	sadd.s32 @!p0 $0x100000, s0  }
0xee: {  	[sflag:s0] =	ssyncadd.tile.s32 @!p0 $0x1;
	_ =	shalt  }
.Lfunc_end2:
_tile_overlayer_lowered:
.L_overlay_start_2:
0xef: {  	(tag) =	ssettag $0x2  }
0xf0: {  	s0 =	rddreg [dreg:$0x0];
	s2 =	stileid.u32  }
0xf1: {  	s1 =	rddreg [dreg:$0x1];
	p0 =	sne.s32 s2, $0x0  }
0xf2: {  	s3 =	rddreg [dreg:$0x2];
	[bflag:$0x3] =	sbarrier.arrive $0xFFFF;
	s2 =	simm.s32 @!p0 $0x1C05  }
0xf3: {  	[timem:s3], [sflag:s2] =	dma.local @!p0 [hbm:s0], s1  }
0xf4: {  	s0 =	simm.s32 @!p0 $0x5  }
0xf5: {  	_ =	swait.ge @!p0 [sflag:s0], s1  }
0xf6: {  	s1 =	ssub.s32 @!p0 $0x0, s1;
	[sflag:s0] =	ssyncset.done @!p0 $0x0  }
0xf7: {  	[sflag:s0] =	ssyncadd.s32 @!p0 s1  }
0xf8: {  	[bflag:$0x3] =	sbarrier.arrive $0xFFFF  }
0xf9: {  	_ =	shalt  }

// kernel: kernel.9.cloned.1.call-start
scs
__scs_entry_jumppad:
0x0: {  	(pc) =	sbr.rel $0x88, $3  }
0x1: {  	(tag) =	ssettag $0x0;
	lr =	simm.s32 $0x1  }
0x2: {  	[smem:$0x3F99] =	sst lr;
	_ =	strace $0xD0000000  }
0x3: {  	_ = 	snop  }
0x4: {  	_ = 	snop  }
0x5: {  	_ = 	snop  }
0x6: {  	_ = 	snop  }
0x7: {  	_ = 	snop  }
__scs_overlays_trampoline_lowered:
0x8: {  	[smem:$0x3FA8] =	sst s0  }
0x9: {  	[smem:$0x3FA9] =	sst s1  }
0xa: {  	[smem:$0x3FAA] =	sst s2  }
0xb: {  	[smem:$0x3FAB] =	sst s3  }
0xc: {  	[smem:$0x3FAC] =	sst s4  }
0xd: {  	[smem:$0x3FAD] =	sst s5  }
0xe: {  	[smem:$0x3FAE] =	sst s6  }
0xf: {  	[smem:$0x3FAF] =	sst s7  }
0x10: {  	[smem:$0x3FB0] =	sst s8  }
0x11: {  	[smem:$0x3FB1] =	sst s9;
	s0 =	simm.s32 @!p0 $0x0  }
0x12: {  	s1 =	sld [smem:$0x3F97];
	s0 =	simm.s32 @p0 $0x1  }
0x13: {  	[smem:$0x3FB2] =	sst s0;
	s0 =	simm.s32 @!p1 $0x0  }
0x14: {  	s2 =	sld [smem:$0x3F96];
	s0 =	simm.s32 @p1 $0x1  }
0x15: {  	[smem:$0x3FB3] =	sst s0;
	s0 =	simm.s32 @!p2 $0x0  }
0x16: {  	s3 =	sld [smem:$0x3FDB];
	s0 =	simm.s32 @p2 $0x1  }
0x17: {  	s4 =	simm.s32 $0x1BF5;
	[smem:$0x3FB5] =	sst s0  }
0x18: {  	s0 =	sld [smem:$0x3F98];
	_ =	swait.ge [sflag:s4], $0x0  }
0x19: {  	s7 =	sld [smem:$0x3F99]  }
0x1a: {  	s8 =	sadd.s32 $0xFFFFE003, lr  }
0x1b: {  	s9 =	sadd.s32 $0xFFFFFEF7, lr;
	s5 =	simm.s32 $0xFFFFFFFF;
	p2 =	slt.u32 s8, $0xFFFFF086  }
0x1c: {  	p1 =	slt.u32 s9, $0xF7A;
	s5 =	simm.s32 @!p2 $0x0  }
0x1d: {  	s5 =	simm.s32 @p1 $0x1;
	p0 =	seq.s32 s7, s2  }
0x1e: {  	s7 =	smul.u32 @!p0 $0xF7A, s2;
	p2 =	seq.s32 @!p0 s5, $0x0  }
0x1f: {  	s9 =	smul.u32 $0xF7A, s1;
	s8 =	simm.s32 @!p0 $0x1BF5;
	p2 =	por !p2, p0  }
0x20: {  	[sflag:s8] =	ssyncset.s32 @!p0 $0xFFFFF086;
	s6 =	sadd.s32 @!p0 s3, s7;
	s7 =	simm.s32 @!p0 $0x108  }
0x21: {  	s3 =	sadd.s32 s3, s9;
	s6 =	sadd.s32 @!p0 $0x88, s6;
	s7 =	simm.s32 @p2 $0x1082  }
0x22: {  	[simem:s7], [sflag:s8] =	dma.local @!p0 [hbm:s6], $0xF7A  }
0x23: {  	s9 =	sor.u32 $0xD0000000, s2;
	s6 =	simm.s32 $0x108;
	_ =	swait.ge @!p0 [sflag:s8], $0x0  }
0x24: {  	s3 =	sadd.s32 $0x88, s3;
	s6 =	simm.s32 @!p1 $0x1082;
	[sflag:s4] =	ssyncset.s32 $0xFFFFF086  }
0x25: {  	[simem:s6], [sflag:s4] =	dma.local [hbm:s3], $0xF7A  }
0x26: {  	[smem:$0x3F99] =	sst s1;
	(tag) =	ssettag s2;
	_ =	strace s9  }
0x27: {  	s1 =	sld [smem:$0x3FA9]  }
0x28: {  	s2 =	sld [smem:$0x3FAA]  }
0x29: {  	s4 =	sld [smem:$0x3FAC]  }
0x2a: {  	p0 =	seq.s32 s5, $0x0;
	s5 =	sld [smem:$0x3FAD]  }
0x2b: {  	s6 =	sld [smem:$0x3FAE]  }
0x2c: {  	s7 =	sld [smem:$0x3FAF]  }
0x2d: {  	s3 =	simm.s32 $0x108;
	s8 =	sld [smem:$0x3FB0]  }
0x2e: {  	s3 =	simm.s32 @!p0 $0x1082;
	s9 =	sld [smem:$0x3FB1]  }
0x2f: {  	lr =	sadd.s32 s0, s3;
	s0 =	sld [smem:$0x3FA8]  }
0x30: {  	s3 =	sld [smem:$0x3FAB]  }
0x31: {  	[smem:$0x3FB4] =	sst s10  }
0x32: {  	s10 =	sld [smem:$0x3FB2];
	_ =	sdelay $0x3  }
0x33: {  	p0 =	seq.s32 s10, $0x1;
	s10 =	sld [smem:$0x3FB4];
	_ =	sdelay $0x3  }
0x34: {  	[smem:$0x3FB4] =	sst s10  }
0x35: {  	s10 =	sld [smem:$0x3FB3];
	_ =	sdelay $0x3  }
0x36: {  	p1 =	seq.s32 s10, $0x1;
	s10 =	sld [smem:$0x3FB4];
	_ =	sdelay $0x3  }
0x37: {  	[smem:$0x3FB4] =	sst s10  }
0x38: {  	s10 =	sld [smem:$0x3FB5]  }
0x39: {  	_ = 	snop;
	(pc) =	sbr.ind lr, $3  }
0x3a: {  	_ = 	snop  }
0x3b: {  	_ = 	snop  }
0x3c: {  	p2 =	seq.s32 s10, $0x1;
	s10 =	sld [smem:$0x3FB4]  }
0x3d: {  	_ =	shalt  }
0x3e: {  	_ =	shalt  }
0x3f: {  	_ =	shalt  }
0x40: {  	_ =	shalt  }
0x41: {  	_ =	shalt  }
0x42: {  	_ =	shalt  }
0x43: {  	_ =	shalt  }
0x44: {  	_ =	shalt  }
0x45: {  	_ =	shalt  }
0x46: {  	_ =	shalt  }
0x47: {  	_ =	shalt  }
0x48: {  	_ =	shalt  }
0x49: {  	_ =	shalt  }
0x4a: {  	_ =	shalt  }
0x4b: {  	_ =	shalt  }
0x4c: {  	_ =	shalt  }
0x4d: {  	_ =	shalt  }
0x4e: {  	_ =	shalt  }
0x4f: {  	_ =	shalt  }
0x50: {  	_ =	shalt  }
0x51: {  	_ =	shalt  }
0x52: {  	_ =	shalt  }
0x53: {  	_ =	shalt  }
0x54: {  	_ =	shalt  }
0x55: {  	_ =	shalt  }
0x56: {  	_ =	shalt  }
0x57: {  	_ =	shalt  }
0x58: {  	_ =	shalt  }
0x59: {  	_ =	shalt  }
0x5a: {  	_ =	shalt  }
0x5b: {  	_ =	shalt  }
0x5c: {  	_ =	shalt  }
0x5d: {  	_ =	shalt  }
0x5e: {  	_ =	shalt  }
0x5f: {  	_ =	shalt  }
0x60: {  	_ =	shalt  }
0x61: {  	_ =	shalt  }
0x62: {  	_ =	shalt  }
0x63: {  	_ =	shalt  }
0x64: {  	_ =	shalt  }
0x65: {  	_ =	shalt  }
0x66: {  	_ =	shalt  }
0x67: {  	_ =	shalt  }
0x68: {  	_ =	shalt  }
0x69: {  	_ =	shalt  }
0x6a: {  	_ =	shalt  }
0x6b: {  	_ =	shalt  }
0x6c: {  	_ =	shalt  }
0x6d: {  	_ =	shalt  }
0x6e: {  	_ =	shalt  }
0x6f: {  	_ =	shalt  }
0x70: {  	_ =	shalt  }
0x71: {  	_ =	shalt  }
0x72: {  	_ =	shalt  }
0x73: {  	_ =	shalt  }
0x74: {  	_ =	shalt  }
0x75: {  	_ =	shalt  }
0x76: {  	_ =	shalt  }
0x77: {  	_ =	shalt  }
0x78: {  	_ =	shalt  }
0x79: {  	_ =	shalt  }
0x7a: {  	_ =	shalt  }
0x7b: {  	_ =	shalt  }
0x7c: {  	_ =	shalt  }
0x7d: {  	_ =	shalt  }
0x7e: {  	_ =	shalt  }
0x7f: {  	_ =	shalt  }
0x80: {  	_ =	shalt  }
0x81: {  	_ =	shalt  }
0x82: {  	_ =	shalt  }
0x83: {  	_ =	shalt  }
0x84: {  	_ =	shalt  }
0x85: {  	_ =	shalt  }
0x86: {  	_ =	shalt  }
0x87: {  	_ =	shalt  }
.Lfunc_end0:
.L_simem_size_0:
called_computation.1_lowered:
.L_overlay_start_0:
0x88: {  	s2 =	sld [smem:$0x3FD9]  }
0x89: {  	s3 =	sld [smem:$0x3FFE];
	_ =	sdelay $0x1  }
0x8a: {  	s1 =	srdreg.scid  }
0x8b: {  	s0 =	sand.u32 $0x1, s1  }
0x8c: {  	s16 =	sshll.u32 s0, $0xA;
	s2 =	sadd.s32 s3, s2  }
0x8d: {  	s2 =	sadd.s32 s2, s16  }
0x8e: {  	[smem:$0x3FC0] =	sst s2  }
0x8f: {  	_ = 	snop  }
0x90: {  	(tm) =	ssettm $0x1  }
0x91: {  	s17 =	sld [smem:$0x3FFB];
	_ =	sdelay $0x3  }
0x92: {  	_ =	strace s17  }
0x93: {  	s2 =	sld [smem:$0x3FFC];
	_ =	sdelay $0x3  }
0x94: {  	_ =	strace s2  }
0x95: {  	s2 =	sld [smem:$0x3FFD];
	_ =	sdelay $0x3  }
0x96: {  	_ =	strace s2  }
0x97: {  	_ =	strace $0x8FFFFFFF  }
0x98: {  	s18 =	sld [smem:$0x3FDB];
	_ =	sdelay $0x1  }
0x99: {  	s19 =	simm.s32 $_scs_section_size  }
0x9a: {  	s4 =	simm.s32 $_size__tile_overlayer_lowered;
	s5 =	simm.s32 $_tile_overlayer_lowered  }
0x9b: {  	s22 =	simm.s32 $0x1BFF;
	s21 =	sshll.u32 s5, $0x1;
	s2 =	sadd.s32 s19, s18  }
0x9c: {  	s6 =	simm.s32 $0x0;
	s20 =	sshll.u32 s4, $0x1;
	s4 =	sadd.s32 s21, s2  }
0x9d: {  	[timem:s6], [sflag:s22] =	dma.local [hbm:s4], s20  }
0x9e: {  	_ =	swait.ge [sflag:s22], s20  }
0x9f: {  	s3 =	ssub.s32 $0x0, s20;
	[sflag:s22] =	ssyncset.done $0x0  }
0xa0: {  	[sflag:s22] =	ssyncadd.s32 s3;
	_ =	sdelay $0x1  }
0xa1: {  	s23 =	simm.s32 $0x1B8B  }
0xa2: {  	_ =	swait.ge [sflag:s23], $0x1  }
0xa3: {  	[sflag:s23] =	ssyncset.done $0x0  }
0xa4: {  	s25 =	simm.s32 $0x1B8E;
	s24 =	sld [smem:$0x3FFE];
	[sflag:s23] =	ssyncadd.s32 $0xFFFFFFFF  }
0xa5: {  	s26 =	simm.s32 $execute0_lowered;
	[smem:$0x3FD2] =	sst s25  }
0xa6: {  	s4 =	sshll.u32 s26, $0x1;
	_ =	strace $0x80000049;
	[dreg:$0x1] =	wrdreg $0xFFFFFFFF  }
0xa7: {  	s28 =	simm.s32 $_size_execute0_lowered;
	s2 =	sadd.s32 s2, s4;
	[dreg:$0x0] =	wrdreg $0x0  }
0xa8: {  	s4 =	sshll.u32 s28, $0x1;
	[dreg:$0x2] =	wrdreg s2  }
0xa9: {  	[dreg:$0x3] =	wrdreg s4  }
0xaa: {  	[dreg:$0x4] =	wrdreg $0xC0  }
0xab: {  	_ =	task [dreg:s6], $0x5FFFF  }
0xac: {  	[dreg:$0x1] =	wrdreg $0xFFFFFFFF  }
0xad: {  	[dreg:$0x0] =	wrdreg $0x60  }
0xae: {  	[dreg:$0x2] =	wrdreg s24  }
0xaf: {  	[dreg:$0x3] =	wrdreg $0xE2800  }
0xb0: {  	[dreg:$0x4] =	wrdreg $0x9  }
0xb1: {  	_ =	task.clear_ibuf [dreg:s6], $0x5FFFF;
	_ =	strace $0x90000049  }
0xb2: {  	s29 =	simm.s32 $0x9;
	_ =	strace $0x8000004B  }
0xb3: {  	_ =	swait.ge [sflag:s29], $0x1  }
0xb4: {  	[sflag:s29] =	ssyncadd.s32 $0xFFFFFFFF  }
0xb5: {  	_ =	strace $0x9000004B  }
0xb6: {  	_ =	sfence  }
0xb7: {  	s30 =	sld [smem:$0x0];
	_ =	sdelay $0x2  }
0xb8: {  	s31 =	sshll.u32 s1, $0xD;
	s1 =	sshrl.u32 s1, $0x2  }
0xb9: {  	s3 =	sand.u32 $0x4000, s31;
	s1 =	sadd.s32 s1, s30  }
0xba: {  	s0 =	sor.u32 s3, s0;
	s1 =	sshll.u32 s1, $0x11  }
0xbb: {  	s0 =	sor.u32 s1, s0  }
0xbc: {  	s0 =	sadd.s32 $0x8F2B, s0  }
0xbd: {  	[sflag:s0] =	ssyncadd.remote.s32 $0x1  }
0xbe: {  	_ =	sfence.sel $0xFFFF  }
0xbf: {  	[dreg:$0x0] =	wrdreg $0xFFFFFFFF;
	(pc) =	sbr.abs _section_cstart, $3  }
0xc0: {  	[dreg:$0x1] =	wrdreg $0xFFFFFFFF  }
0xc1: {  	_ =	task.clear_ibuf [dreg:s6], $0x2FFFF;
	_ =	strace $0x9FFFFFFF  }
0xc2: {  	(tm) =	ssettm $0x7FFFFFFF  }
0xc3: {  	_ =	shalt  }
tec
execute0_lowered:
.L_overlay_start_1:
0x0: {  	(tag) =	ssettag $0x1  }
0x1: {  	s5 =	rddreg [dreg:$0x0]  }
0x2: {  	s1 =	srdreg.scid;
	s0 =	stileid.u32  }
0x3: {  	s2 =	rddreg [dreg:$0x1];
	s3 =	simm.s32 $0x0;
	s15 =	simm.s32 $0x5  }
0x4: {  	s16 =	simm.s32 $0x5100;
	s17 =	simm.s32 $0x80;
	s18 =	simm.s32 $0x1  }
0x5: {  	s19 =	simm.s32 $0xC200;
	s20 =	simm.s32 $0x2;
	s21 =	simm.s32 $0x5180  }
0x6: {  	s22 =	simm.s32 $0x3;
	s23 =	simm.s32 $0x100;
	s7 =	smul.u32 $0x5100, s0  }
0x7: {  	s24 =	simm.s32 $0x4;
	s6 =	sand.u32 $0x1, s1;
	s9 =	smul.u32 $0xA000, s0  }
0x8: {  	s28 =	simm.s32 $0xA180;
	s29 =	simm.s32 $0x0;
	s4 =	smul.u32 $0x51000, s6  }
0x9: {  	[smem:$0x7FF] =	sst s3;
	s10 =	smul.u32 $0xA0000, s6;
	s6 =	ssub.s32 $0x2, s6  }
0xa: {  	s25 =	smul.u32 $0x28000, s0;
	_ =	strace $0x8000004A;
	s30 =	sshrl.u32 s6, $0x1  }
0xb: {  	s8 =	sadd.s32 s7, s4;
	s4 =	sadd.s32 $0x16000, s5;
	s7 =	sshrl.u32 s7, $0x3  }
0xc: {  	s26 =	sadd.s32 s9, s10;
	s14 =	ssub.s32 s6, s30;
	s8 =	sshrl.u32 s8, $0x3  }
0xd: {  	s12 =	sadd.s32 s7, s5;
	s7 =	sshrl.u32 s26, $0x3;
	s26 =	simm.s32 $0x5080  }
0xe: {  	s11 =	sadd.s32 s8, s5;
	s8 =	sshrl.u32 s25, $0x2;
	s13 =	sadd.s32 s7, s5  }
0xf: {  	s5 =	sadd.s32 s9, s2;
	s25 =	simm.s32 $0xA100;
	s31 =	sadd.s32 s8, s2  }
0x10: {  	s10 =	sadd.s32 $0x1C00, s11;
	s11 =	sadd.s32 $0x3D200, s12;
	s12 =	sadd.s32 $0x47400, s13  }
0x11: {  	s13 =	smax.u32 s14, $0x1;
	s14 =	simm.s32 $0xA200;
	s6 =	sadd.s32 $0x2000, s31  }
0x12: {  	v0 =	vimm.f32 $0.0e+00;
	v1 =	vimm.f32 $1.000000000e+00;
	s7 =	sadd.s32 $0x4000, s31;
	s8 =	sadd.s32 $0x6000, s31;
	s9 =	sadd.s32 $0x8000, s31  }
.LBB2_1:
0x13: {  	s31 =	simm.s32 $0x100;
	s30 =	simm.s32 $0x0  }
.LBB2_2:
0x14: {  	p0 =	sne.s32 s31, $0x7F00;
	[tilespmem:s30+$0xA230] =	vst v0;
	s1 =	smov.u32 s31;
	s31 =	sadd.s32 $0x100, s31  }
.Ltmp0:
0x15: {  	[tilespmem:s30+$0xA220] =	vst v0;
	(pc) =	sbr.rel @p0 .LBB2_2-.Ltmp0, $3  }
0x16: {  	[tilespmem:s30+$0xA200] =	vst v0  }
0x17: {  	[tilespmem:s30+$0xA210] =	vst v0;
	_ =	sdelay $0x1  }
0x18: {  	s30 =	sshra.s32 s1, $0x2  }
0x19: {  	[tilespmem:s30+$0xA230] =	vst v0  }
0x1a: {  	[tilespmem:s30+$0xA220] =	vst v0  }
0x1b: {  	[tilespmem:s30+$0xA200] =	vst v0  }
0x1c: {  	[tilespmem:s30+$0xA210] =	vst v0  }
0x1d: {  	[tilespmem:$0xE200] =	vst v1  }
0x1e: {  	[tilespmem:$0xE210] =	vst v1  }
0x1f: {  	[tilespmem:$0xE220] =	vst v1  }
0x20: {  	[tilespmem:$0xE230] =	vst v1  }
0x21: {  	[tilespmem:$0xE240] =	vst v1  }
0x22: {  	[tilespmem:$0xE250] =	vst v1  }
0x23: {  	[tilespmem:$0xE260] =	vst v1  }
0x24: {  	[tilespmem:$0xE270] =	vst v1  }
0x25: {  	[spmem:s5] =	stream.linear.scatter [tilespmem:s14], [sflag:$0x5], $0x2000, $0x38;
	[tilespmem:$0x18280] =	vst v63  }
0x26: {  	_ =	swait.ge [sflag:s15], $0x2000  }
0x27: {  	[sflag:s15] =	ssyncset.done $0x0  }
0x28: {  	[sflag:s15] =	ssyncadd.s32 $0xFFFFE000  }
0x29: {  	[spmem:s6] =	stream.linear.scatter [tilespmem:s14], [sflag:$0x5], $0x2000, $0x38;
	[tilespmem:$0x18280] =	vst v63  }
0x2a: {  	_ =	swait.ge [sflag:s15], $0x2000  }
0x2b: {  	[sflag:s15] =	ssyncset.done $0x0  }
0x2c: {  	[sflag:s15] =	ssyncadd.s32 $0xFFFFE000  }
0x2d: {  	[spmem:s7] =	stream.linear.scatter [tilespmem:s14], [sflag:$0x5], $0x2000, $0x38;
	[tilespmem:$0x18280] =	vst v63  }
0x2e: {  	_ =	swait.ge [sflag:s15], $0x2000  }
0x2f: {  	[sflag:s15] =	ssyncset.done $0x0  }
0x30: {  	[sflag:s15] =	ssyncadd.s32 $0xFFFFE000  }
0x31: {  	[spmem:s8] =	stream.linear.scatter [tilespmem:s14], [sflag:$0x5], $0x2000, $0x38;
	[tilespmem:$0x18280] =	vst v63  }
0x32: {  	_ =	swait.ge [sflag:s15], $0x2000  }
0x33: {  	[sflag:s15] =	ssyncset.done $0x0  }
0x34: {  	[sflag:s15] =	ssyncadd.s32 $0xFFFFE000  }
0x35: {  	[spmem:s9] =	stream.linear.scatter [tilespmem:s14], [sflag:$0x5], $0x2000, $0x38;
	[tilespmem:$0x18280] =	vst v63  }
0x36: {  	_ =	swait.ge [sflag:s15], $0x2000  }
0x37: {  	[sflag:s15] =	ssyncset.done $0x0  }
0x38: {  	[sflag:s15] =	ssyncadd.s32 $0xFFFFE000  }
0x39: {  	[bflag:$0x0] =	sbarrier.arrive $0xFFFF  }
0x3a: {  	[tilespmem:s3], [sflag:$0x5] =	stream.linear.gather [hbm4b:s10+s3], $0x5100, $0x38;
	[tilespmem:$0x18280] =	vst v63  }
0x3b: {  	_ =	swait.ge [sflag:s15], $0x5100  }
0x3c: {  	[sflag:s15] =	ssyncset.done $0x0  }
0x3d: {  	[sflag:s15] =	ssyncadd.s32 $0xFFFFAF00  }
0x3e: {  	[tilespmem:s16], [sflag:$0x5] =	stream.linear.gather [hbm4b:s11+s3], $0x5100, $0x38;
	[tilespmem:$0x18280] =	vst v63  }
0x3f: {  	_ =	swait.ge [sflag:s15], $0x5100  }
0x40: {  	[sflag:s15] =	ssyncset.done $0x0  }
0x41: {  	[sflag:s15] =	ssyncadd.s32 $0xFFFFAF00  }
0x42: {  	[tilespmem:s14], [sflag:$0x1] =	stream.indirect.gather [hbm4b:s4+s17], $0x40, s3, s17, $0xb8;
	[tilespmem:$0x18280] =	vst v63  }
0x43: {  	_ =	swait.ge [sflag:s18], $0x2000  }
0x44: {  	[sflag:s18] =	ssyncset.done $0x0  }
0x45: {  	[sflag:s18] =	ssyncadd.s32 $0xFFFFE000  }
0x46: {  	[spmem:s2] =	stream.indirect.scatter.add.f32 [tilespmem:s14], [sflag:$0x3], $0x40, s16, s17, $0xb8;
	[tilespmem:$0x18280] =	vst v63  }
0x47: {  	_ = 	snop  }
0x48: {  	[tilespmem:s19], [sflag:$0x2] =	stream.indirect.gather [hbm4b:s4+s17], $0x40, s17, s17, $0xb8;
	[tilespmem:$0x18280] =	vst v63  }
0x49: {  	_ =	swait.ge [sflag:s20], $0x2000  }
0x4a: {  	[sflag:s20] =	ssyncset.done $0x0  }
0x4b: {  	[sflag:s20] =	ssyncadd.s32 $0xFFFFE000  }
0x4c: {  	[spmem:s2] =	stream.indirect.scatter.add.f32 [tilespmem:s19], [sflag:$0x4], $0x40, s21, s17, $0xb8;
	[tilespmem:$0x18280] =	vst v63  }
0x4d: {  	_ =	swait.ge [sflag:s22], $0x2000  }
0x4e: {  	[sflag:s22] =	ssyncset.done $0x0  }
0x4f: {  	[sflag:s22] =	ssyncadd.s32 $0xFFFFE000  }
0x50: {  	[tilespmem:s14], [sflag:$0x1] =	stream.indirect.gather [hbm4b:s4+s17], $0x40, s23, s17, $0xb8;
	[tilespmem:$0x18280] =	vst v63  }
0x51: {  	_ =	swait.ge [sflag:s18], $0x2000  }
0x52: {  	[sflag:s18] =	ssyncset.done $0x0  }
0x53: {  	s1 =	simm.s32 $0x5200;
	[sflag:s18] =	ssyncadd.s32 $0xFFFFE000  }
0x54: {  	[spmem:s2] =	stream.indirect.scatter.add.f32 [tilespmem:s14], [sflag:$0x3], $0x40, s1, s17, $0xb8;
	[tilespmem:$0x18280] =	vst v63  }
0x55: {  	_ =	swait.ge [sflag:s24], $0x2000  }
0x56: {  	[sflag:s24] =	ssyncset.done $0x0  }
0x57: {  	s1 =	simm.s32 $0x180;
	[sflag:s24] =	ssyncadd.s32 $0xFFFFE000  }
0x58: {  	[tilespmem:s19], [sflag:$0x2] =	stream.indirect.gather [hbm4b:s4+s17], $0x40, s1, s17, $0xb8;
	[tilespmem:$0x18280] =	vst v63  }
0x59: {  	_ =	swait.ge [sflag:s20], $0x2000  }
0x5a: {  	[sflag:s20] =	ssyncset.done $0x0  }
0x5b: {  	s1 =	simm.s32 $0x5280;
	[sflag:s20] =	ssyncadd.s32 $0xFFFFE000  }
0x5c: {  	[spmem:s2] =	stream.indirect.scatter.add.f32 [tilespmem:s19], [sflag:$0x4], $0x40, s1, s17, $0xb8;
	[tilespmem:$0x18280] =	vst v63  }
0x5d: {  	_ =	swait.ge [sflag:s22], $0x2000  }
0x5e: {  	[sflag:s22] =	ssyncset.done $0x0  }
0x5f: {  	s30 =	simm.s32 $0xFFFEC800;
	s31 =	simm.s32 $0x200;
	[sflag:s22] =	ssyncadd.s32 $0xFFFFE000  }
.LBB2_4:
0x60: {  	[tilespmem:s14], [sflag:$0x1] =	stream.indirect.gather [hbm4b:s4+s17], $0x40, s31, s17, $0xb8;
	[tilespmem:$0x18280] =	vst v63  }
0x61: {  	s1 =	smov.u32 s30  }
0x62: {  	p0 =	sne.s32 s30, $0xFFFFFC00;
	s30 =	sadd.s32 $0x400, s30;
	_ =	swait.ge [sflag:s18], $0x2000  }
0x63: {  	s1 =	sshra.s32 s1, $0x2;
	[sflag:s18] =	ssyncset.done $0x0  }
0x64: {  	s31 =	sadd.s32 $0xA100, s1;
	[sflag:s18] =	ssyncadd.s32 $0xFFFFE000  }
0x65: {  	[spmem:s2] =	stream.indirect.scatter.add.f32 [tilespmem:s14], [sflag:$0x3], $0x40, s31, s17, $0xb8;
	[tilespmem:$0x18280] =	vst v63  }
0x66: {  	_ =	swait.ge [sflag:s24], $0x2000  }
0x67: {  	[sflag:s24] =	ssyncset.done $0x0  }
0x68: {  	s31 =	sadd.s32 $0x5080, s1;
	[sflag:s24] =	ssyncadd.s32 $0xFFFFE000  }
0x69: {  	[tilespmem:s19], [sflag:$0x2] =	stream.indirect.gather [hbm4b:s4+s17], $0x40, s31, s17, $0xb8;
	[tilespmem:$0x18280] =	vst v63  }
0x6a: {  	_ =	swait.ge [sflag:s20], $0x2000  }
0x6b: {  	[sflag:s20] =	ssyncset.done $0x0  }
.Ltmp1:
0x6c: {  	s31 =	sadd.s32 $0xA180, s1;
	[sflag:s20] =	ssyncadd.s32 $0xFFFFE000;
	(pc) =	sbr.rel @p0 .LBB2_4-.Ltmp1, $4  }
0x6d: {  	[spmem:s2] =	stream.indirect.scatter.add.f32 [tilespmem:s19], [sflag:$0x4], $0x40, s31, s17, $0xb8;
	[tilespmem:$0x18280] =	vst v63  }
0x6e: {  	_ =	swait.ge [sflag:s22], $0x2000  }
0x6f: {  	[sflag:s22] =	ssyncset.done $0x0  }
0x70: {  	s31 =	sadd.s32 $0x5100, s1;
	[sflag:s22] =	ssyncadd.s32 $0xFFFFE000  }
0x71: {  	[tilespmem:s14], [sflag:$0x1] =	stream.indirect.gather [hbm4b:s4+s17], $0x40, s31, s17, $0xb8;
	[tilespmem:$0x18280] =	vst v63  }
0x72: {  	_ =	swait.ge [sflag:s18], $0x2000  }
0x73: {  	[sflag:s18] =	ssyncset.done $0x0  }
0x74: {  	[sflag:s18] =	ssyncadd.s32 $0xFFFFE000  }
0x75: {  	[spmem:s2] =	stream.indirect.scatter.add.f32 [tilespmem:s14], [sflag:$0x3], $0x40, s25, s17, $0xb8;
	[tilespmem:$0x18280] =	vst v63  }
0x76: {  	_ =	swait.ge [sflag:s24], $0x2000  }
0x77: {  	[sflag:s24] =	ssyncset.done $0x0  }
0x78: {  	[sflag:s24] =	ssyncadd.s32 $0xFFFFE000  }
0x79: {  	[tilespmem:s19], [sflag:$0x2] =	stream.indirect.gather [hbm4b:s4+s17], $0x40, s26, s17, $0xb8;
	[tilespmem:$0x18280] =	vst v63  }
0x7a: {  	_ =	swait.ge [sflag:s20], $0x2000  }
0x7b: {  	[sflag:s20] =	ssyncset.done $0x0  }
0x7c: {  	[sflag:s20] =	ssyncadd.s32 $0xFFFFE000  }
0x7d: {  	[spmem:s2] =	stream.indirect.scatter.add.f32 [tilespmem:s19], [sflag:$0x4], $0x40, s28, s17, $0xb8;
	[tilespmem:$0x18280] =	vst v63  }
0x7e: {  	_ =	swait.ge [sflag:s22], $0x2000  }
0x7f: {  	[sflag:s22] =	ssyncset.done $0x0  }
0x80: {  	[sflag:s22] =	ssyncadd.s32 $0xFFFFE000  }
0x81: {  	_ =	swait.ge [sflag:s24], $0x2000  }
0x82: {  	s1 =	sshll.u32 s0, $0x6;
	s29 =	sadd.s32 $0x1, s29;
	[sflag:s24] =	ssyncset.done $0x0  }
0x83: {  	s30 =	sshrl.u32 s5, $0x3;
	p0 =	sne.s32 s29, s13;
	[sflag:s24] =	ssyncadd.s32 $0xFFFFE000  }
.Ltmp2:
0x84: {  	s1 =	sor.u32 $0x1C05, s1;
	[bflag:$0x0] =	sbarrier.arrive $0xFFFF;
	(pc) =	sbr.rel @p0 .LBB2_1-.Ltmp2, $4  }
0x85: {  	[hbm:s12], [sflag:s1] =	dma.local [spmem:s30], $0x1400  }
0x86: {  	_ =	swait.ge [sflag:s15], $0x1400  }
0x87: {  	[sflag:s15] =	ssyncset.done $0x0  }
0x88: {  	[sflag:s15] =	ssyncadd.s32 $0xFFFFEC00  }
0x89: {  	_ =	sfence.sel $0x180000  }
0x8a: {  	[bflag:$0x0] =	sbarrier.arrive $0xFFFF  }
0x8b: {  	_ =	strace $0x9000004A  }
0x8c: {  	[bflag:$0x2] =	sbarrier.arrive $0xFFFF  }
0x8d: {  	p0 =	sne.s32 s0, $0x0;
	s0 =	rddreg [dreg:$0x2]  }
0x8e: {  	s0 =	sadd.s32 @!p0 $0x100000, s0  }
0x8f: {  	[sflag:s0] =	ssyncadd.tile.s32 @!p0 $0x1;
	_ =	shalt  }
.Lfunc_end2:
_tile_overlayer_lowered:
.L_overlay_start_2:
0x90: {  	(tag) =	ssettag $0x2  }
0x91: {  	s0 =	rddreg [dreg:$0x0];
	s2 =	stileid.u32  }
0x92: {  	s1 =	rddreg [dreg:$0x1];
	p0 =	sne.s32 s2, $0x0  }
0x93: {  	s3 =	rddreg [dreg:$0x2];
	[bflag:$0x3] =	sbarrier.arrive $0xFFFF;
	s2 =	simm.s32 @!p0 $0x1C05  }
0x94: {  	[timem:s3], [sflag:s2] =	dma.local @!p0 [hbm:s0], s1  }
0x95: {  	s0 =	simm.s32 @!p0 $0x5  }
0x96: {  	_ =	swait.ge @!p0 [sflag:s0], s1  }
0x97: {  	s1 =	ssub.s32 @!p0 $0x0, s1;
	[sflag:s0] =	ssyncset.done @!p0 $0x0  }
0x98: {  	[sflag:s0] =	ssyncadd.s32 @!p0 s1  }
0x99: {  	[bflag:$0x3] =	sbarrier.arrive $0xFFFF  }
0x9a: {  	_ =	shalt  }

</sc_bundles>
